<compile_context>
chip_gen: v7x
topology: tpu7x:2x2x1
jax: 0.10.2.dev20260603
libtpu: 0.0.44.dev20260713+nightly
codegen_flags: <defaults>
</compile_context>

<pallas_src>
import functools
import math

import jax
import jax.numpy as jnp
from jax import lax
from jax.experimental import pallas as pl
from jax.experimental.pallas import tpu as pltpu
from jax.experimental.pallas import tpu_sc as plsc

D = 128
SCALE = math.sqrt(float(D))
NC = 2
NS = 16
NW = NC * NS
LANES = 16

NBUF = 5
LA = 3
CH_TOK = 128
GATHER_SPLITS = ((0, CH_TOK),)


@jax.jit
def _emb_lookup(tokens_flat, table):
    B = tokens_flat.shape[0]
    tok_per_w = B // NW
    n_ch = tok_per_w // CH_TOK

    mesh = plsc.VectorSubcoreMesh(core_axis_name="c", subcore_axis_name="s")

    @functools.partial(
        pl.kernel,
        out_type=jax.ShapeDtypeStruct((B, D), jnp.float32),
        mesh=mesh,
        compiler_params=pltpu.CompilerParams(use_tc_tiling_on_sc=True),
        scratch_types=[
            pltpu.VMEM((tok_per_w,), jnp.int32),
        ]
        + [pltpu.VMEM((CH_TOK, D), jnp.float32) for _ in range(NBUF)]
        + [pltpu.SemaphoreType.DMA for _ in range(NBUF)],
    )
    def emb_kernel(tok_hbm, table_hbm, out_hbm, idx_v, *bufs_sems):
        bufs = bufs_sems[:NBUF]
        gsems = bufs_sems[NBUF:2 * NBUF]

        wid = lax.axis_index("s") * NC + lax.axis_index("c")
        base_tok = wid * tok_per_w
        pltpu.sync_copy(tok_hbm.at[pl.ds(base_tok, tok_per_w)], idx_v)

        def gather_descs(c, b):
            off = c * CH_TOK
            descs = [
                pltpu.make_async_copy(
                    table_hbm.at[idx_v.at[pl.ds(off + o, n)]],
                    bufs[b].at[pl.ds(o, n), :], gsems[b])
                for o, n in GATHER_SPLITS
            ]
            return descs

        def issue_gather(c, b):
            for d in gather_descs(c, b):
                d.start()

        def wait_gather(c, b):
            for d in gather_descs(c, b):
                d.wait()

        def scale(b):
            buf = bufs[b]

            def body(i, carry):
                for sub in range(D // LANES):
                    sl = pl.ds(sub * LANES, LANES)
                    buf[i, sl] = buf[i, sl] * SCALE
                return carry

            lax.fori_loop(0, CH_TOK, body, 0, unroll=2)

        def step(c, b):
            wait_gather(c, b)
            scale(b)
            pltpu.sync_copy(
                bufs[b], out_hbm.at[pl.ds(base_tok + c * CH_TOK, CH_TOK)])

        for c in range(LA):
            issue_gather(c, c % NBUF)

        for c in range(NBUF):
            step(c, c)
            cn = c + LA
            issue_gather(cn, cn % NBUF)

        def group(g, carry):
            c0 = g * NBUF
            for b in range(NBUF):
                c = c0 + b
                cn = c + LA
                bn = (b + LA) % NBUF

                @pl.when(cn < n_ch)
                def _():
                    issue_gather(cn, bn)

                step(c, b)
            return carry

        lax.fori_loop(1, n_ch // NBUF, group, 0)

    return emb_kernel(tokens_flat, table)


def kernel(tokens, table):
    rows, cols = tokens.shape
    tok_t = tokens.T.reshape(rows * cols).astype(jnp.int32)
    out = _emb_lookup(tok_t, table)
    return out.reshape(cols, rows, D).transpose(1, 0, 2)

# --- scband reference (transcript-rebuilt; emitter-appended) ---
"""Pipeline reference for scband-token-embedding-23776938950694 (READ-ONLY COPY).

The authoritative reference and input builder live on the scoring server;
editing this copy changes nothing except your own understanding.
"""

import math
import jax, jax.numpy as jnp
import numpy as np

VOCAB_SIZE = 100000
EMB_SIZE = 128
PAD_TOKEN_ID = 1


def setup_inputs(seed: int = 0) -> dict:
    key = jax.random.key(seed)
    k_tok, k_tab = jax.random.split(key)
    tokens = jax.random.randint(k_tok, (4096, 50), 0, VOCAB_SIZE, dtype=jnp.int64) if jax.config.jax_enable_x64 else jax.random.randint(k_tok, (4096, 50), 0, VOCAB_SIZE, dtype=jnp.int32)
    table = jax.random.normal(k_tab, (VOCAB_SIZE, EMB_SIZE), dtype=jnp.float32)
    # padding_idx row is zero-initialized in nn.Embedding
    table = table.at[PAD_TOKEN_ID].set(jnp.zeros((EMB_SIZE,), dtype=jnp.float32))
    return {"tokens": tokens, "table": table}


def reference(tokens, table):
    # nn.Embedding lookup followed by sqrt(emb_size) scaling
    emb = jnp.take(table, tokens, axis=0)
    return emb * math.sqrt(EMB_SIZE)

if __name__ == "__main__":
    import jax
    _d = setup_inputs()
    print(jax.jit(kernel)(*tuple(_d.values())))

</pallas_src>

<mosaic_0001>
#map = affine_map<(d0, d1) -> (0)>
#map1 = affine_map<(d0, d1) -> (0, 0)>
module attributes {stable_mosaic.version = 14 : i64} {
  func.func @emb_kernel(%arg0: i32, %arg1: i32, %arg2: memref<204800xi32, #tpu.memory_space<hbm>>, %arg3: memref<100000x128xf32, #tpu.memory_space<hbm>>, %arg4: memref<204800x128xf32, #tpu.memory_space<hbm>>, %arg5: memref<6400xi32, #tpu.memory_space<vmem>>, %arg6: memref<128x128xf32, #tpu.memory_space<vmem>>, %arg7: memref<128x128xf32, #tpu.memory_space<vmem>>, %arg8: memref<128x128xf32, #tpu.memory_space<vmem>>, %arg9: memref<128x128xf32, #tpu.memory_space<vmem>>, %arg10: memref<128x128xf32, #tpu.memory_space<vmem>>, %arg11: memref<!tpu.dma_semaphore, #tpu.memory_space<semaphore_mem>>, %arg12: memref<!tpu.dma_semaphore, #tpu.memory_space<semaphore_mem>>, %arg13: memref<!tpu.dma_semaphore, #tpu.memory_space<semaphore_mem>>, %arg14: memref<!tpu.dma_semaphore, #tpu.memory_space<semaphore_mem>>, %arg15: memref<!tpu.dma_semaphore, #tpu.memory_space<semaphore_mem>>) attributes {dimension_semantics = [#tpu.dimension_semantics<core_parallel>, #tpu.dimension_semantics<subcore_parallel>], iteration_bounds = array<i64: 2, 16>, scalar_prefetch = 0 : i64, scratch_operands = 11 : i64, tpu.core_type = #tpu.core_type<sc_vector_subcore>, window_params = [{transform_indices = #map}, {transform_indices = #map1}, {transform_indices = #map1}]} {
    %mul3A = arith.constant 2 : i32
    %mul3A_0 = arith.muli %arg1, %mul3A : i32
    %add3A = arith.addi %mul3A_0, %arg0 : i32
    %mul3A_1 = arith.constant 6400 : i32
    %mul3A_2 = arith.muli %add3A, %mul3A_1 : i32
    "tpu.region"() ({
      %run_scoped3A = tpu.sem_alloc : memref<!tpu.dma_semaphore, #tpu.memory_space<semaphore_mem>>
      %dma_start3A_150 = tpu.memref_slice %arg2[%mul3A_2] : memref<204800xi32, #tpu.memory_space<hbm>> -> memref<6400xi32, #tpu.memory_space<hbm>>
      %dma_start3A_151 = tpu.memref_slice %arg2[%mul3A_2] : memref<204800xi32, #tpu.memory_space<hbm>> -> memref<6400xi32, #tpu.memory_space<hbm>>
      tpu.enqueue_dma source(%dma_start3A_151 : memref<6400xi32, #tpu.memory_space<hbm>>) target(%arg5 : memref<6400xi32, #tpu.memory_space<vmem>>) target_semaphore(%run_scoped3A : memref<!tpu.dma_semaphore, #tpu.memory_space<semaphore_mem>>)
      %dma_wait3A_152 = tpu.memref_slice %arg2[%mul3A_2] : memref<204800xi32, #tpu.memory_space<hbm>> -> memref<6400xi32, #tpu.memory_space<hbm>>
      %dma_wait3A_153 = tpu.memref_slice %arg2[%mul3A_2] : memref<204800xi32, #tpu.memory_space<hbm>> -> memref<6400xi32, #tpu.memory_space<hbm>>
      tpu.wait_dma2 semaphore(%run_scoped3A : memref<!tpu.dma_semaphore, #tpu.memory_space<semaphore_mem>>) src(%dma_wait3A_153 : memref<6400xi32, #tpu.memory_space<hbm>>) dst(%arg5 : memref<6400xi32, #tpu.memory_space<vmem>>)
      tpu.yield
    }) : () -> ()
    %dma_start3A = arith.constant 0 : i32
    %dma_start3A_3 = arith.constant 0 : i32
    %dma_start3A_4 = tpu.memref_slice %arg6[%dma_start3A, %dma_start3A_3] : memref<128x128xf32, #tpu.memory_space<vmem>> -> memref<128x128xf32, #tpu.memory_space<vmem>>
    %dma_start3A_5 = arith.constant 0 : i32
    %dma_start3A_6 = tpu.memref_slice %arg5[%dma_start3A_5] : memref<6400xi32, #tpu.memory_space<vmem>> -> memref<128xi32, #tpu.memory_space<vmem>>
    %dma_start3A_7 = arith.constant 0 : i32
    %dma_start3A_8 = arith.constant 0 : i32
    %dma_start3A_9 = tpu.memref_slice %arg3[%dma_start3A_7, %dma_start3A_8] : memref<100000x128xf32, #tpu.memory_space<hbm>> -> memref<100000x128xf32, #tpu.memory_space<hbm>>
    tpu.enqueue_indirect_dma source(%dma_start3A_9 : memref<100000x128xf32, #tpu.memory_space<hbm>>) target(%dma_start3A_4 : memref<128x128xf32, #tpu.memory_space<vmem>>) offsets(%dma_start3A_6 : memref<128xi32, #tpu.memory_space<vmem>>) semaphore(%arg11 : memref<!tpu.dma_semaphore, #tpu.memory_space<semaphore_mem>>)
    %dma_start3A_10 = arith.constant 0 : i32
    %dma_start3A_11 = arith.constant 0 : i32
    %dma_start3A_12 = tpu.memref_slice %arg7[%dma_start3A_10, %dma_start3A_11] : memref<128x128xf32, #tpu.memory_space<vmem>> -> memref<128x128xf32, #tpu.memory_space<vmem>>
    %dma_start3A_13 = arith.constant 128 : i32
    %dma_start3A_14 = tpu.memref_slice %arg5[%dma_start3A_13] : memref<6400xi32, #tpu.memory_space<vmem>> -> memref<128xi32, #tpu.memory_space<vmem>>
    %dma_start3A_15 = arith.constant 0 : i32
    %dma_start3A_16 = arith.constant 0 : i32
    %dma_start3A_17 = tpu.memref_slice %arg3[%dma_start3A_15, %dma_start3A_16] : memref<100000x128xf32, #tpu.memory_space<hbm>> -> memref<100000x128xf32, #tpu.memory_space<hbm>>
    tpu.enqueue_indirect_dma source(%dma_start3A_17 : memref<100000x128xf32, #tpu.memory_space<hbm>>) target(%dma_start3A_12 : memref<128x128xf32, #tpu.memory_space<vmem>>) offsets(%dma_start3A_14 : memref<128xi32, #tpu.memory_space<vmem>>) semaphore(%arg12 : memref<!tpu.dma_semaphore, #tpu.memory_space<semaphore_mem>>)
    %dma_start3A_18 = arith.constant 0 : i32
    %dma_start3A_19 = arith.constant 0 : i32
    %dma_start3A_20 = tpu.memref_slice %arg8[%dma_start3A_18, %dma_start3A_19] : memref<128x128xf32, #tpu.memory_space<vmem>> -> memref<128x128xf32, #tpu.memory_space<vmem>>
    %dma_start3A_21 = arith.constant 256 : i32
    %dma_start3A_22 = tpu.memref_slice %arg5[%dma_start3A_21] : memref<6400xi32, #tpu.memory_space<vmem>> -> memref<128xi32, #tpu.memory_space<vmem>>
    %dma_start3A_23 = arith.constant 0 : i32
    %dma_start3A_24 = arith.constant 0 : i32
    %dma_start3A_25 = tpu.memref_slice %arg3[%dma_start3A_23, %dma_start3A_24] : memref<100000x128xf32, #tpu.memory_space<hbm>> -> memref<100000x128xf32, #tpu.memory_space<hbm>>
    tpu.enqueue_indirect_dma source(%dma_start3A_25 : memref<100000x128xf32, #tpu.memory_space<hbm>>) target(%dma_start3A_20 : memref<128x128xf32, #tpu.memory_space<vmem>>) offsets(%dma_start3A_22 : memref<128xi32, #tpu.memory_space<vmem>>) semaphore(%arg13 : memref<!tpu.dma_semaphore, #tpu.memory_space<semaphore_mem>>)
    %dma_wait3A = arith.constant 0 : i32
    %dma_wait3A_26 = arith.constant 0 : i32
    %dma_wait3A_27 = tpu.memref_slice %arg6[%dma_wait3A, %dma_wait3A_26] : memref<128x128xf32, #tpu.memory_space<vmem>> -> memref<128x128xf32, #tpu.memory_space<vmem>>
    %dma_wait3A_28 = arith.constant 0 : i32
    %dma_wait3A_29 = tpu.memref_slice %arg5[%dma_wait3A_28] : memref<6400xi32, #tpu.memory_space<vmem>> -> memref<128xi32, #tpu.memory_space<vmem>>
    %dma_wait3A_30 = arith.constant 0 : i32
    %dma_wait3A_31 = arith.constant 0 : i32
    %dma_wait3A_32 = tpu.memref_slice %arg3[%dma_wait3A_30, %dma_wait3A_31] : memref<100000x128xf32, #tpu.memory_space<hbm>> -> memref<100000x128xf32, #tpu.memory_space<hbm>>
    tpu.wait_indirect_dma semaphore(%arg11 : memref<!tpu.dma_semaphore, #tpu.memory_space<semaphore_mem>>) src(%dma_wait3A_32 : memref<100000x128xf32, #tpu.memory_space<hbm>>) dst(%dma_wait3A_27 : memref<128x128xf32, #tpu.memory_space<vmem>>)
    %scan3A = arith.constant 0 : i32
    %scan3A_33 = arith.constant 0 : i32
    %scan3A_34 = arith.constant 128 : i32
    %scan3A_35 = arith.addi %scan3A_33, %scan3A_34 : i32
    %scan3A_36 = arith.constant 2 : i32
    scf.for %scan3A_150 = %scan3A_33 to %scan3A_35 step %scan3A_36  : i32 {
      %get3A = arith.index_cast %scan3A_150 : i32 to index
      %get3A_151 = arith.constant 0 : index
      %get3A_152 = tpu.vector_load %arg6[%get3A, %get3A_151] {strides = array<i32>} : memref<128x128xf32, #tpu.memory_space<vmem>>, vector<1x16xf32>,
      %get3A_153 = vector.shape_cast %get3A_152 : vector<1x16xf32> to vector<16xf32>
      %mul3A_154 = arith.constant 11.3137083 : f32
      %mul3A_155 = vector.broadcast %mul3A_154 : f32 to vector<16xf32>
      %mul3A_156 = arith.mulf %get3A_153, %mul3A_155 : vector<16xf32>
      %swap3A = arith.index_cast %scan3A_150 : i32 to index
      %swap3A_157 = arith.constant 0 : index
      %swap3A_158 = tpu.vector_load %arg6[%swap3A, %swap3A_157] {strides = array<i32>} : memref<128x128xf32, #tpu.memory_space<vmem>>, vector<1x16xf32>,
      %swap3A_159 = vector.shape_cast %swap3A_158 : vector<1x16xf32> to vector<16xf32>
      %swap3A_160 = vector.shape_cast %mul3A_156 : vector<16xf32> to vector<1x16xf32>
      tpu.vector_store %arg6[%swap3A, %swap3A_157], %swap3A_160 {strides = array<i32>} : memref<128x128xf32, #tpu.memory_space<vmem>>, vector<1x16xf32>,
      %get3A_161 = arith.index_cast %scan3A_150 : i32 to index
      %get3A_162 = arith.constant 16 : index
      %get3A_163 = tpu.vector_load %arg6[%get3A_161, %get3A_162] {strides = array<i32>} : memref<128x128xf32, #tpu.memory_space<vmem>>, vector<1x16xf32>,
      %get3A_164 = vector.shape_cast %get3A_163 : vector<1x16xf32> to vector<16xf32>
      %mul3A_165 = arith.constant 11.3137083 : f32
      %mul3A_166 = vector.broadcast %mul3A_165 : f32 to vector<16xf32>
      %mul3A_167 = arith.mulf %get3A_164, %mul3A_166 : vector<16xf32>
      %swap3A_168 = arith.index_cast %scan3A_150 : i32 to index
      %swap3A_169 = arith.constant 16 : index
      %swap3A_170 = tpu.vector_load %arg6[%swap3A_168, %swap3A_169] {strides = array<i32>} : memref<128x128xf32, #tpu.memory_space<vmem>>, vector<1x16xf32>,
      %swap3A_171 = vector.shape_cast %swap3A_170 : vector<1x16xf32> to vector<16xf32>
      %swap3A_172 = vector.shape_cast %mul3A_167 : vector<16xf32> to vector<1x16xf32>
      tpu.vector_store %arg6[%swap3A_168, %swap3A_169], %swap3A_172 {strides = array<i32>} : memref<128x128xf32, #tpu.memory_space<vmem>>, vector<1x16xf32>,
      %get3A_173 = arith.index_cast %scan3A_150 : i32 to index
      %get3A_174 = arith.constant 32 : index
      %get3A_175 = tpu.vector_load %arg6[%get3A_173, %get3A_174] {strides = array<i32>} : memref<128x128xf32, #tpu.memory_space<vmem>>, vector<1x16xf32>,
      %get3A_176 = vector.shape_cast %get3A_175 : vector<1x16xf32> to vector<16xf32>
      %mul3A_177 = arith.constant 11.3137083 : f32
      %mul3A_178 = vector.broadcast %mul3A_177 : f32 to vector<16xf32>
      %mul3A_179 = arith.mulf %get3A_176, %mul3A_178 : vector<16xf32>
      %swap3A_180 = arith.index_cast %scan3A_150 : i32 to index
      %swap3A_181 = arith.constant 32 : index
      %swap3A_182 = tpu.vector_load %arg6[%swap3A_180, %swap3A_181] {strides = array<i32>} : memref<128x128xf32, #tpu.memory_space<vmem>>, vector<1x16xf32>,
      %swap3A_183 = vector.shape_cast %swap3A_182 : vector<1x16xf32> to vector<16xf32>
      %swap3A_184 = vector.shape_cast %mul3A_179 : vector<16xf32> to vector<1x16xf32>
      tpu.vector_store %arg6[%swap3A_180, %swap3A_181], %swap3A_184 {strides = array<i32>} : memref<128x128xf32, #tpu.memory_space<vmem>>, vector<1x16xf32>,
      %get3A_185 = arith.index_cast %scan3A_150 : i32 to index
      %get3A_186 = arith.constant 48 : index
      %get3A_187 = tpu.vector_load %arg6[%get3A_185, %get3A_186] {strides = array<i32>} : memref<128x128xf32, #tpu.memory_space<vmem>>, vector<1x16xf32>,
      %get3A_188 = vector.shape_cast %get3A_187 : vector<1x16xf32> to vector<16xf32>
      %mul3A_189 = arith.constant 11.3137083 : f32
      %mul3A_190 = vector.broadcast %mul3A_189 : f32 to vector<16xf32>
      %mul3A_191 = arith.mulf %get3A_188, %mul3A_190 : vector<16xf32>
      %swap3A_192 = arith.index_cast %scan3A_150 : i32 to index
      %swap3A_193 = arith.constant 48 : index
      %swap3A_194 = tpu.vector_load %arg6[%swap3A_192, %swap3A_193] {strides = array<i32>} : memref<128x128xf32, #tpu.memory_space<vmem>>, vector<1x16xf32>,
      %swap3A_195 = vector.shape_cast %swap3A_194 : vector<1x16xf32> to vector<16xf32>
      %swap3A_196 = vector.shape_cast %mul3A_191 : vector<16xf32> to vector<1x16xf32>
      tpu.vector_store %arg6[%swap3A_192, %swap3A_193], %swap3A_196 {strides = array<i32>} : memref<128x128xf32, #tpu.memory_space<vmem>>, vector<1x16xf32>,
      %get3A_197 = arith.index_cast %scan3A_150 : i32 to index
      %get3A_198 = arith.constant 64 : index
      %get3A_199 = tpu.vector_load %arg6[%get3A_197, %get3A_198] {strides = array<i32>} : memref<128x128xf32, #tpu.memory_space<vmem>>, vector<1x16xf32>,
      %get3A_200 = vector.shape_cast %get3A_199 : vector<1x16xf32> to vector<16xf32>
      %mul3A_201 = arith.constant 11.3137083 : f32
      %mul3A_202 = vector.broadcast %mul3A_201 : f32 to vector<16xf32>
      %mul3A_203 = arith.mulf %get3A_200, %mul3A_202 : vector<16xf32>
      %swap3A_204 = arith.index_cast %scan3A_150 : i32 to index
      %swap3A_205 = arith.constant 64 : index
      %swap3A_206 = tpu.vector_load %arg6[%swap3A_204, %swap3A_205] {strides = array<i32>} : memref<128x128xf32, #tpu.memory_space<vmem>>, vector<1x16xf32>,
      %swap3A_207 = vector.shape_cast %swap3A_206 : vector<1x16xf32> to vector<16xf32>
      %swap3A_208 = vector.shape_cast %mul3A_203 : vector<16xf32> to vector<1x16xf32>
      tpu.vector_store %arg6[%swap3A_204, %swap3A_205], %swap3A_208 {strides = array<i32>} : memref<128x128xf32, #tpu.memory_space<vmem>>, vector<1x16xf32>,
      %get3A_209 = arith.index_cast %scan3A_150 : i32 to index
      %get3A_210 = arith.constant 80 : index
      %get3A_211 = tpu.vector_load %arg6[%get3A_209, %get3A_210] {strides = array<i32>} : memref<128x128xf32, #tpu.memory_space<vmem>>, vector<1x16xf32>,
      %get3A_212 = vector.shape_cast %get3A_211 : vector<1x16xf32> to vector<16xf32>
      %mul3A_213 = arith.constant 11.3137083 : f32
      %mul3A_214 = vector.broadcast %mul3A_213 : f32 to vector<16xf32>
      %mul3A_215 = arith.mulf %get3A_212, %mul3A_214 : vector<16xf32>
      %swap3A_216 = arith.index_cast %scan3A_150 : i32 to index
      %swap3A_217 = arith.constant 80 : index
      %swap3A_218 = tpu.vector_load %arg6[%swap3A_216, %swap3A_217] {strides = array<i32>} : memref<128x128xf32, #tpu.memory_space<vmem>>, vector<1x16xf32>,
      %swap3A_219 = vector.shape_cast %swap3A_218 : vector<1x16xf32> to vector<16xf32>
      %swap3A_220 = vector.shape_cast %mul3A_215 : vector<16xf32> to vector<1x16xf32>
      tpu.vector_store %arg6[%swap3A_216, %swap3A_217], %swap3A_220 {strides = array<i32>} : memref<128x128xf32, #tpu.memory_space<vmem>>, vector<1x16xf32>,
      %get3A_221 = arith.index_cast %scan3A_150 : i32 to index
      %get3A_222 = arith.constant 96 : index
      %get3A_223 = tpu.vector_load %arg6[%get3A_221, %get3A_222] {strides = array<i32>} : memref<128x128xf32, #tpu.memory_space<vmem>>, vector<1x16xf32>,
      %get3A_224 = vector.shape_cast %get3A_223 : vector<1x16xf32> to vector<16xf32>
      %mul3A_225 = arith.constant 11.3137083 : f32
      %mul3A_226 = vector.broadcast %mul3A_225 : f32 to vector<16xf32>
      %mul3A_227 = arith.mulf %get3A_224, %mul3A_226 : vector<16xf32>
      %swap3A_228 = arith.index_cast %scan3A_150 : i32 to index
      %swap3A_229 = arith.constant 96 : index
      %swap3A_230 = tpu.vector_load %arg6[%swap3A_228, %swap3A_229] {strides = array<i32>} : memref<128x128xf32, #tpu.memory_space<vmem>>, vector<1x16xf32>,
      %swap3A_231 = vector.shape_cast %swap3A_230 : vector<1x16xf32> to vector<16xf32>
      %swap3A_232 = vector.shape_cast %mul3A_227 : vector<16xf32> to vector<1x16xf32>
      tpu.vector_store %arg6[%swap3A_228, %swap3A_229], %swap3A_232 {strides = array<i32>} : memref<128x128xf32, #tpu.memory_space<vmem>>, vector<1x16xf32>,
      %get3A_233 = arith.index_cast %scan3A_150 : i32 to index
      %get3A_234 = arith.constant 112 : index
      %get3A_235 = tpu.vector_load %arg6[%get3A_233, %get3A_234] {strides = array<i32>} : memref<128x128xf32, #tpu.memory_space<vmem>>, vector<1x16xf32>,
      %get3A_236 = vector.shape_cast %get3A_235 : vector<1x16xf32> to vector<16xf32>
      %mul3A_237 = arith.constant 11.3137083 : f32
      %mul3A_238 = vector.broadcast %mul3A_237 : f32 to vector<16xf32>
      %mul3A_239 = arith.mulf %get3A_236, %mul3A_238 : vector<16xf32>
      %swap3A_240 = arith.index_cast %scan3A_150 : i32 to index
      %swap3A_241 = arith.constant 112 : index
      %swap3A_242 = tpu.vector_load %arg6[%swap3A_240, %swap3A_241] {strides = array<i32>} : memref<128x128xf32, #tpu.memory_space<vmem>>, vector<1x16xf32>,
      %swap3A_243 = vector.shape_cast %swap3A_242 : vector<1x16xf32> to vector<16xf32>
      %swap3A_244 = vector.shape_cast %mul3A_239 : vector<16xf32> to vector<1x16xf32>
      tpu.vector_store %arg6[%swap3A_240, %swap3A_241], %swap3A_244 {strides = array<i32>} : memref<128x128xf32, #tpu.memory_space<vmem>>, vector<1x16xf32>,
      %scan3A_245 = arith.constant 1 : i32
      %scan3A_246 = arith.addi %scan3A_150, %scan3A_245 : i32
      %get3A_247 = arith.index_cast %scan3A_246 : i32 to index
      %get3A_248 = arith.constant 0 : index
      %get3A_249 = tpu.vector_load %arg6[%get3A_247, %get3A_248] {strides = array<i32>} : memref<128x128xf32, #tpu.memory_space<vmem>>, vector<1x16xf32>,
      %get3A_250 = vector.shape_cast %get3A_249 : vector<1x16xf32> to vector<16xf32>
      %mul3A_251 = arith.constant 11.3137083 : f32
      %mul3A_252 = vector.broadcast %mul3A_251 : f32 to vector<16xf32>
      %mul3A_253 = arith.mulf %get3A_250, %mul3A_252 : vector<16xf32>
      %swap3A_254 = arith.index_cast %scan3A_246 : i32 to index
      %swap3A_255 = arith.constant 0 : index
      %swap3A_256 = tpu.vector_load %arg6[%swap3A_254, %swap3A_255] {strides = array<i32>} : memref<128x128xf32, #tpu.memory_space<vmem>>, vector<1x16xf32>,
      %swap3A_257 = vector.shape_cast %swap3A_256 : vector<1x16xf32> to vector<16xf32>
      %swap3A_258 = vector.shape_cast %mul3A_253 : vector<16xf32> to vector<1x16xf32>
      tpu.vector_store %arg6[%swap3A_254, %swap3A_255], %swap3A_258 {strides = array<i32>} : memref<128x128xf32, #tpu.memory_space<vmem>>, vector<1x16xf32>,
      %get3A_259 = arith.index_cast %scan3A_246 : i32 to index
      %get3A_260 = arith.constant 16 : index
      %get3A_261 = tpu.vector_load %arg6[%get3A_259, %get3A_260] {strides = array<i32>} : memref<128x128xf32, #tpu.memory_space<vmem>>, vector<1x16xf32>,
      %get3A_262 = vector.shape_cast %get3A_261 : vector<1x16xf32> to vector<16xf32>
      %mul3A_263 = arith.constant 11.3137083 : f32
      %mul3A_264 = vector.broadcast %mul3A_263 : f32 to vector<16xf32>
      %mul3A_265 = arith.mulf %get3A_262, %mul3A_264 : vector<16xf32>
      %swap3A_266 = arith.index_cast %scan3A_246 : i32 to index
      %swap3A_267 = arith.constant 16 : index
      %swap3A_268 = tpu.vector_load %arg6[%swap3A_266, %swap3A_267] {strides = array<i32>} : memref<128x128xf32, #tpu.memory_space<vmem>>, vector<1x16xf32>,
      %swap3A_269 = vector.shape_cast %swap3A_268 : vector<1x16xf32> to vector<16xf32>
      %swap3A_270 = vector.shape_cast %mul3A_265 : vector<16xf32> to vector<1x16xf32>
      tpu.vector_store %arg6[%swap3A_266, %swap3A_267], %swap3A_270 {strides = array<i32>} : memref<128x128xf32, #tpu.memory_space<vmem>>, vector<1x16xf32>,
      %get3A_271 = arith.index_cast %scan3A_246 : i32 to index
      %get3A_272 = arith.constant 32 : index
      %get3A_273 = tpu.vector_load %arg6[%get3A_271, %get3A_272] {strides = array<i32>} : memref<128x128xf32, #tpu.memory_space<vmem>>, vector<1x16xf32>,
      %get3A_274 = vector.shape_cast %get3A_273 : vector<1x16xf32> to vector<16xf32>
      %mul3A_275 = arith.constant 11.3137083 : f32
      %mul3A_276 = vector.broadcast %mul3A_275 : f32 to vector<16xf32>
      %mul3A_277 = arith.mulf %get3A_274, %mul3A_276 : vector<16xf32>
      %swap3A_278 = arith.index_cast %scan3A_246 : i32 to index
      %swap3A_279 = arith.constant 32 : index
      %swap3A_280 = tpu.vector_load %arg6[%swap3A_278, %swap3A_279] {strides = array<i32>} : memref<128x128xf32, #tpu.memory_space<vmem>>, vector<1x16xf32>,
      %swap3A_281 = vector.shape_cast %swap3A_280 : vector<1x16xf32> to vector<16xf32>
      %swap3A_282 = vector.shape_cast %mul3A_277 : vector<16xf32> to vector<1x16xf32>
      tpu.vector_store %arg6[%swap3A_278, %swap3A_279], %swap3A_282 {strides = array<i32>} : memref<128x128xf32, #tpu.memory_space<vmem>>, vector<1x16xf32>,
      %get3A_283 = arith.index_cast %scan3A_246 : i32 to index
      %get3A_284 = arith.constant 48 : index
      %get3A_285 = tpu.vector_load %arg6[%get3A_283, %get3A_284] {strides = array<i32>} : memref<128x128xf32, #tpu.memory_space<vmem>>, vector<1x16xf32>,
      %get3A_286 = vector.shape_cast %get3A_285 : vector<1x16xf32> to vector<16xf32>
      %mul3A_287 = arith.constant 11.3137083 : f32
      %mul3A_288 = vector.broadcast %mul3A_287 : f32 to vector<16xf32>
      %mul3A_289 = arith.mulf %get3A_286, %mul3A_288 : vector<16xf32>
      %swap3A_290 = arith.index_cast %scan3A_246 : i32 to index
      %swap3A_291 = arith.constant 48 : index
      %swap3A_292 = tpu.vector_load %arg6[%swap3A_290, %swap3A_291] {strides = array<i32>} : memref<128x128xf32, #tpu.memory_space<vmem>>, vector<1x16xf32>,
      %swap3A_293 = vector.shape_cast %swap3A_292 : vector<1x16xf32> to vector<16xf32>
      %swap3A_294 = vector.shape_cast %mul3A_289 : vector<16xf32> to vector<1x16xf32>
      tpu.vector_store %arg6[%swap3A_290, %swap3A_291], %swap3A_294 {strides = array<i32>} : memref<128x128xf32, #tpu.memory_space<vmem>>, vector<1x16xf32>,
      %get3A_295 = arith.index_cast %scan3A_246 : i32 to index
      %get3A_296 = arith.constant 64 : index
      %get3A_297 = tpu.vector_load %arg6[%get3A_295, %get3A_296] {strides = array<i32>} : memref<128x128xf32, #tpu.memory_space<vmem>>, vector<1x16xf32>,
      %get3A_298 = vector.shape_cast %get3A_297 : vector<1x16xf32> to vector<16xf32>
      %mul3A_299 = arith.constant 11.3137083 : f32
      %mul3A_300 = vector.broadcast %mul3A_299 : f32 to vector<16xf32>
      %mul3A_301 = arith.mulf %get3A_298, %mul3A_300 : vector<16xf32>
      %swap3A_302 = arith.index_cast %scan3A_246 : i32 to index
      %swap3A_303 = arith.constant 64 : index
      %swap3A_304 = tpu.vector_load %arg6[%swap3A_302, %swap3A_303] {strides = array<i32>} : memref<128x128xf32, #tpu.memory_space<vmem>>, vector<1x16xf32>,
      %swap3A_305 = vector.shape_cast %swap3A_304 : vector<1x16xf32> to vector<16xf32>
      %swap3A_306 = vector.shape_cast %mul3A_301 : vector<16xf32> to vector<1x16xf32>
      tpu.vector_store %arg6[%swap3A_302, %swap3A_303], %swap3A_306 {strides = array<i32>} : memref<128x128xf32, #tpu.memory_space<vmem>>, vector<1x16xf32>,
      %get3A_307 = arith.index_cast %scan3A_246 : i32 to index
      %get3A_308 = arith.constant 80 : index
      %get3A_309 = tpu.vector_load %arg6[%get3A_307, %get3A_308] {strides = array<i32>} : memref<128x128xf32, #tpu.memory_space<vmem>>, vector<1x16xf32>,
      %get3A_310 = vector.shape_cast %get3A_309 : vector<1x16xf32> to vector<16xf32>
      %mul3A_311 = arith.constant 11.3137083 : f32
      %mul3A_312 = vector.broadcast %mul3A_311 : f32 to vector<16xf32>
      %mul3A_313 = arith.mulf %get3A_310, %mul3A_312 : vector<16xf32>
      %swap3A_314 = arith.index_cast %scan3A_246 : i32 to index
      %swap3A_315 = arith.constant 80 : index
      %swap3A_316 = tpu.vector_load %arg6[%swap3A_314, %swap3A_315] {strides = array<i32>} : memref<128x128xf32, #tpu.memory_space<vmem>>, vector<1x16xf32>,
      %swap3A_317 = vector.shape_cast %swap3A_316 : vector<1x16xf32> to vector<16xf32>
      %swap3A_318 = vector.shape_cast %mul3A_313 : vector<16xf32> to vector<1x16xf32>
      tpu.vector_store %arg6[%swap3A_314, %swap3A_315], %swap3A_318 {strides = array<i32>} : memref<128x128xf32, #tpu.memory_space<vmem>>, vector<1x16xf32>,
      %get3A_319 = arith.index_cast %scan3A_246 : i32 to index
      %get3A_320 = arith.constant 96 : index
      %get3A_321 = tpu.vector_load %arg6[%get3A_319, %get3A_320] {strides = array<i32>} : memref<128x128xf32, #tpu.memory_space<vmem>>, vector<1x16xf32>,
      %get3A_322 = vector.shape_cast %get3A_321 : vector<1x16xf32> to vector<16xf32>
      %mul3A_323 = arith.constant 11.3137083 : f32
      %mul3A_324 = vector.broadcast %mul3A_323 : f32 to vector<16xf32>
      %mul3A_325 = arith.mulf %get3A_322, %mul3A_324 : vector<16xf32>
      %swap3A_326 = arith.index_cast %scan3A_246 : i32 to index
      %swap3A_327 = arith.constant 96 : index
      %swap3A_328 = tpu.vector_load %arg6[%swap3A_326, %swap3A_327] {strides = array<i32>} : memref<128x128xf32, #tpu.memory_space<vmem>>, vector<1x16xf32>,
      %swap3A_329 = vector.shape_cast %swap3A_328 : vector<1x16xf32> to vector<16xf32>
      %swap3A_330 = vector.shape_cast %mul3A_325 : vector<16xf32> to vector<1x16xf32>
      tpu.vector_store %arg6[%swap3A_326, %swap3A_327], %swap3A_330 {strides = array<i32>} : memref<128x128xf32, #tpu.memory_space<vmem>>, vector<1x16xf32>,
      %get3A_331 = arith.index_cast %scan3A_246 : i32 to index
      %get3A_332 = arith.constant 112 : index
      %get3A_333 = tpu.vector_load %arg6[%get3A_331, %get3A_332] {strides = array<i32>} : memref<128x128xf32, #tpu.memory_space<vmem>>, vector<1x16xf32>,
      %get3A_334 = vector.shape_cast %get3A_333 : vector<1x16xf32> to vector<16xf32>
      %mul3A_335 = arith.constant 11.3137083 : f32
      %mul3A_336 = vector.broadcast %mul3A_335 : f32 to vector<16xf32>
      %mul3A_337 = arith.mulf %get3A_334, %mul3A_336 : vector<16xf32>
      %swap3A_338 = arith.index_cast %scan3A_246 : i32 to index
      %swap3A_339 = arith.constant 112 : index
      %swap3A_340 = tpu.vector_load %arg6[%swap3A_338, %swap3A_339] {strides = array<i32>} : memref<128x128xf32, #tpu.memory_space<vmem>>, vector<1x16xf32>,
      %swap3A_341 = vector.shape_cast %swap3A_340 : vector<1x16xf32> to vector<16xf32>
      %swap3A_342 = vector.shape_cast %mul3A_337 : vector<16xf32> to vector<1x16xf32>
      tpu.vector_store %arg6[%swap3A_338, %swap3A_339], %swap3A_342 {strides = array<i32>} : memref<128x128xf32, #tpu.memory_space<vmem>>, vector<1x16xf32>,
    }
    %scan3A_37 = arith.constant 128 : i32
    %add3A_38 = arith.constant 0 : i32
    %add3A_39 = arith.addi %mul3A_2, %add3A_38 : i32
    "tpu.region"() ({
      %run_scoped3A = tpu.sem_alloc : memref<!tpu.dma_semaphore, #tpu.memory_space<semaphore_mem>>
      %dma_start3A_150 = arith.constant 0 : i32
      %dma_start3A_151 = tpu.memref_slice %arg4[%add3A_39, %dma_start3A_150] : memref<204800x128xf32, #tpu.memory_space<hbm>> -> memref<128x128xf32, #tpu.memory_space<hbm>>
      %dma_start3A_152 = arith.constant 0 : i32
      %dma_start3A_153 = tpu.memref_slice %arg4[%add3A_39, %dma_start3A_152] : memref<204800x128xf32, #tpu.memory_space<hbm>> -> memref<128x128xf32, #tpu.memory_space<hbm>>
      tpu.enqueue_dma source(%arg6 : memref<128x128xf32, #tpu.memory_space<vmem>>) target(%dma_start3A_153 : memref<128x128xf32, #tpu.memory_space<hbm>>) target_semaphore(%run_scoped3A : memref<!tpu.dma_semaphore, #tpu.memory_space<semaphore_mem>>)
      %dma_wait3A_154 = arith.constant 0 : i32
      %dma_wait3A_155 = tpu.memref_slice %arg4[%add3A_39, %dma_wait3A_154] : memref<204800x128xf32, #tpu.memory_space<hbm>> -> memref<128x128xf32, #tpu.memory_space<hbm>>
      %dma_wait3A_156 = arith.constant 0 : i32
      %dma_wait3A_157 = tpu.memref_slice %arg4[%add3A_39, %dma_wait3A_156] : memref<204800x128xf32, #tpu.memory_space<hbm>> -> memref<128x128xf32, #tpu.memory_space<hbm>>
      tpu.wait_dma2 semaphore(%run_scoped3A : memref<!tpu.dma_semaphore, #tpu.memory_space<semaphore_mem>>) src(%arg6 : memref<128x128xf32, #tpu.memory_space<vmem>>) dst(%dma_wait3A_157 : memref<128x128xf32, #tpu.memory_space<hbm>>)
      tpu.yield
    }) : () -> ()
    %dma_start3A_40 = arith.constant 0 : i32
    %dma_start3A_41 = arith.constant 0 : i32
    %dma_start3A_42 = tpu.memref_slice %arg9[%dma_start3A_40, %dma_start3A_41] : memref<128x128xf32, #tpu.memory_space<vmem>> -> memref<128x128xf32, #tpu.memory_space<vmem>>
    %dma_start3A_43 = arith.constant 384 : i32
    %dma_start3A_44 = tpu.memref_slice %arg5[%dma_start3A_43] : memref<6400xi32, #tpu.memory_space<vmem>> -> memref<128xi32, #tpu.memory_space<vmem>>
    %dma_start3A_45 = arith.constant 0 : i32
    %dma_start3A_46 = arith.constant 0 : i32
    %dma_start3A_47 = tpu.memref_slice %arg3[%dma_start3A_45, %dma_start3A_46] : memref<100000x128xf32, #tpu.memory_space<hbm>> -> memref<100000x128xf32, #tpu.memory_space<hbm>>
    tpu.enqueue_indirect_dma source(%dma_start3A_47 : memref<100000x128xf32, #tpu.memory_space<hbm>>) target(%dma_start3A_42 : memref<128x128xf32, #tpu.memory_space<vmem>>) offsets(%dma_start3A_44 : memref<128xi32, #tpu.memory_space<vmem>>) semaphore(%arg14 : memref<!tpu.dma_semaphore, #tpu.memory_space<semaphore_mem>>)
    %dma_wait3A_48 = arith.constant 0 : i32
    %dma_wait3A_49 = arith.constant 0 : i32
    %dma_wait3A_50 = tpu.memref_slice %arg7[%dma_wait3A_48, %dma_wait3A_49] : memref<128x128xf32, #tpu.memory_space<vmem>> -> memref<128x128xf32, #tpu.memory_space<vmem>>
    %dma_wait3A_51 = arith.constant 128 : i32
    %dma_wait3A_52 = tpu.memref_slice %arg5[%dma_wait3A_51] : memref<6400xi32, #tpu.memory_space<vmem>> -> memref<128xi32, #tpu.memory_space<vmem>>
    %dma_wait3A_53 = arith.constant 0 : i32
    %dma_wait3A_54 = arith.constant 0 : i32
    %dma_wait3A_55 = tpu.memref_slice %arg3[%dma_wait3A_53, %dma_wait3A_54] : memref<100000x128xf32, #tpu.memory_space<hbm>> -> memref<100000x128xf32, #tpu.memory_space<hbm>>
    tpu.wait_indirect_dma semaphore(%arg12 : memref<!tpu.dma_semaphore, #tpu.memory_space<semaphore_mem>>) src(%dma_wait3A_55 : memref<100000x128xf32, #tpu.memory_space<hbm>>) dst(%dma_wait3A_50 : memref<128x128xf32, #tpu.memory_space<vmem>>)
    %scan3A_56 = arith.constant 0 : i32
    %scan3A_57 = arith.constant 0 : i32
    %scan3A_58 = arith.constant 128 : i32
    %scan3A_59 = arith.addi %scan3A_57, %scan3A_58 : i32
    %scan3A_60 = arith.constant 2 : i32
    scf.for %scan3A_150 = %scan3A_57 to %scan3A_59 step %scan3A_60  : i32 {
      %get3A = arith.index_cast %scan3A_150 : i32 to index
      %get3A_151 = arith.constant 0 : index
      %get3A_152 = tpu.vector_load %arg7[%get3A, %get3A_151] {strides = array<i32>} : memref<128x128xf32, #tpu.memory_space<vmem>>, vector<1x16xf32>,
      %get3A_153 = vector.shape_cast %get3A_152 : vector<1x16xf32> to vector<16xf32>
      %mul3A_154 = arith.constant 11.3137083 : f32
      %mul3A_155 = vector.broadcast %mul3A_154 : f32 to vector<16xf32>
      %mul3A_156 = arith.mulf %get3A_153, %mul3A_155 : vector<16xf32>
      %swap3A = arith.index_cast %scan3A_150 : i32 to index
      %swap3A_157 = arith.constant 0 : index
      %swap3A_158 = tpu.vector_load %arg7[%swap3A, %swap3A_157] {strides = array<i32>} : memref<128x128xf32, #tpu.memory_space<vmem>>, vector<1x16xf32>,
      %swap3A_159 = vector.shape_cast %swap3A_158 : vector<1x16xf32> to vector<16xf32>
      %swap3A_160 = vector.shape_cast %mul3A_156 : vector<16xf32> to vector<1x16xf32>
      tpu.vector_store %arg7[%swap3A, %swap3A_157], %swap3A_160 {strides = array<i32>} : memref<128x128xf32, #tpu.memory_space<vmem>>, vector<1x16xf32>,
      %get3A_161 = arith.index_cast %scan3A_150 : i32 to index
      %get3A_162 = arith.constant 16 : index
      %get3A_163 = tpu.vector_load %arg7[%get3A_161, %get3A_162] {strides = array<i32>} : memref<128x128xf32, #tpu.memory_space<vmem>>, vector<1x16xf32>,
      %get3A_164 = vector.shape_cast %get3A_163 : vector<1x16xf32> to vector<16xf32>
      %mul3A_165 = arith.constant 11.3137083 : f32
      %mul3A_166 = vector.broadcast %mul3A_165 : f32 to vector<16xf32>
      %mul3A_167 = arith.mulf %get3A_164, %mul3A_166 : vector<16xf32>
      %swap3A_168 = arith.index_cast %scan3A_150 : i32 to index
      %swap3A_169 = arith.constant 16 : index
      %swap3A_170 = tpu.vector_load %arg7[%swap3A_168, %swap3A_169] {strides = array<i32>} : memref<128x128xf32, #tpu.memory_space<vmem>>, vector<1x16xf32>,
      %swap3A_171 = vector.shape_cast %swap3A_170 : vector<1x16xf32> to vector<16xf32>
      %swap3A_172 = vector.shape_cast %mul3A_167 : vector<16xf32> to vector<1x16xf32>
      tpu.vector_store %arg7[%swap3A_168, %swap3A_169], %swap3A_172 {strides = array<i32>} : memref<128x128xf32, #tpu.memory_space<vmem>>, vector<1x16xf32>,
      %get3A_173 = arith.index_cast %scan3A_150 : i32 to index
      %get3A_174 = arith.constant 32 : index
      %get3A_175 = tpu.vector_load %arg7[%get3A_173, %get3A_174] {strides = array<i32>} : memref<128x128xf32, #tpu.memory_space<vmem>>, vector<1x16xf32>,
      %get3A_176 = vector.shape_cast %get3A_175 : vector<1x16xf32> to vector<16xf32>
      %mul3A_177 = arith.constant 11.3137083 : f32
      %mul3A_178 = vector.broadcast %mul3A_177 : f32 to vector<16xf32>
      %mul3A_179 = arith.mulf %get3A_176, %mul3A_178 : vector<16xf32>
      %swap3A_180 = arith.index_cast %scan3A_150 : i32 to index
      %swap3A_181 = arith.constant 32 : index
      %swap3A_182 = tpu.vector_load %arg7[%swap3A_180, %swap3A_181] {strides = array<i32>} : memref<128x128xf32, #tpu.memory_space<vmem>>, vector<1x16xf32>,
      %swap3A_183 = vector.shape_cast %swap3A_182 : vector<1x16xf32> to vector<16xf32>
      %swap3A_184 = vector.shape_cast %mul3A_179 : vector<16xf32> to vector<1x16xf32>
      tpu.vector_store %arg7[%swap3A_180, %swap3A_181], %swap3A_184 {strides = array<i32>} : memref<128x128xf32, #tpu.memory_space<vmem>>, vector<1x16xf32>,
      %get3A_185 = arith.index_cast %scan3A_150 : i32 to index
      %get3A_186 = arith.constant 48 : index
      %get3A_187 = tpu.vector_load %arg7[%get3A_185, %get3A_186] {strides = array<i32>} : memref<128x128xf32, #tpu.memory_space<vmem>>, vector<1x16xf32>,
      %get3A_188 = vector.shape_cast %get3A_187 : vector<1x16xf32> to vector<16xf32>
      %mul3A_189 = arith.constant 11.3137083 : f32
      %mul3A_190 = vector.broadcast %mul3A_189 : f32 to vector<16xf32>
      %mul3A_191 = arith.mulf %get3A_188, %mul3A_190 : vector<16xf32>
      %swap3A_192 = arith.index_cast %scan3A_150 : i32 to index
      %swap3A_193 = arith.constant 48 : index
      %swap3A_194 = tpu.vector_load %arg7[%swap3A_192, %swap3A_193] {strides = array<i32>} : memref<128x128xf32, #tpu.memory_space<vmem>>, vector<1x16xf32>,
      %swap3A_195 = vector.shape_cast %swap3A_194 : vector<1x16xf32> to vector<16xf32>
      %swap3A_196 = vector.shape_cast %mul3A_191 : vector<16xf32> to vector<1x16xf32>
      tpu.vector_store %arg7[%swap3A_192, %swap3A_193], %swap3A_196 {strides = array<i32>} : memref<128x128xf32, #tpu.memory_space<vmem>>, vector<1x16xf32>,
      %get3A_197 = arith.index_cast %scan3A_150 : i32 to index
      %get3A_198 = arith.constant 64 : index
      %get3A_199 = tpu.vector_load %arg7[%get3A_197, %get3A_198] {strides = array<i32>} : memref<128x128xf32, #tpu.memory_space<vmem>>, vector<1x16xf32>,
      %get3A_200 = vector.shape_cast %get3A_199 : vector<1x16xf32> to vector<16xf32>
      %mul3A_201 = arith.constant 11.3137083 : f32
      %mul3A_202 = vector.broadcast %mul3A_201 : f32 to vector<16xf32>
      %mul3A_203 = arith.mulf %get3A_200, %mul3A_202 : vector<16xf32>
      %swap3A_204 = arith.index_cast %scan3A_150 : i32 to index
      %swap3A_205 = arith.constant 64 : index
      %swap3A_206 = tpu.vector_load %arg7[%swap3A_204, %swap3A_205] {strides = array<i32>} : memref<128x128xf32, #tpu.memory_space<vmem>>, vector<1x16xf32>,
      %swap3A_207 = vector.shape_cast %swap3A_206 : vector<1x16xf32> to vector<16xf32>
      %swap3A_208 = vector.shape_cast %mul3A_203 : vector<16xf32> to vector<1x16xf32>
      tpu.vector_store %arg7[%swap3A_204, %swap3A_205], %swap3A_208 {strides = array<i32>} : memref<128x128xf32, #tpu.memory_space<vmem>>, vector<1x16xf32>,
      %get3A_209 = arith.index_cast %scan3A_150 : i32 to index
      %get3A_210 = arith.constant 80 : index
      %get3A_211 = tpu.vector_load %arg7[%get3A_209, %get3A_210] {strides = array<i32>} : memref<128x128xf32, #tpu.memory_space<vmem>>, vector<1x16xf32>,
      %get3A_212 = vector.shape_cast %get3A_211 : vector<1x16xf32> to vector<16xf32>
      %mul3A_213 = arith.constant 11.3137083 : f32
      %mul3A_214 = vector.broadcast %mul3A_213 : f32 to vector<16xf32>
      %mul3A_215 = arith.mulf %get3A_212, %mul3A_214 : vector<16xf32>
      %swap3A_216 = arith.index_cast %scan3A_150 : i32 to index
      %swap3A_217 = arith.constant 80 : index
      %swap3A_218 = tpu.vector_load %arg7[%swap3A_216, %swap3A_217] {strides = array<i32>} : memref<128x128xf32, #tpu.memory_space<vmem>>, vector<1x16xf32>,
      %swap3A_219 = vector.shape_cast %swap3A_218 : vector<1x16xf32> to vector<16xf32>
      %swap3A_220 = vector.shape_cast %mul3A_215 : vector<16xf32> to vector<1x16xf32>
      tpu.vector_store %arg7[%swap3A_216, %swap3A_217], %swap3A_220 {strides = array<i32>} : memref<128x128xf32, #tpu.memory_space<vmem>>, vector<1x16xf32>,
      %get3A_221 = arith.index_cast %scan3A_150 : i32 to index
      %get3A_222 = arith.constant 96 : index
      %get3A_223 = tpu.vector_load %arg7[%get3A_221, %get3A_222] {strides = array<i32>} : memref<128x128xf32, #tpu.memory_space<vmem>>, vector<1x16xf32>,
      %get3A_224 = vector.shape_cast %get3A_223 : vector<1x16xf32> to vector<16xf32>
      %mul3A_225 = arith.constant 11.3137083 : f32
      %mul3A_226 = vector.broadcast %mul3A_225 : f32 to vector<16xf32>
      %mul3A_227 = arith.mulf %get3A_224, %mul3A_226 : vector<16xf32>
      %swap3A_228 = arith.index_cast %scan3A_150 : i32 to index
      %swap3A_229 = arith.constant 96 : index
      %swap3A_230 = tpu.vector_load %arg7[%swap3A_228, %swap3A_229] {strides = array<i32>} : memref<128x128xf32, #tpu.memory_space<vmem>>, vector<1x16xf32>,
      %swap3A_231 = vector.shape_cast %swap3A_230 : vector<1x16xf32> to vector<16xf32>
      %swap3A_232 = vector.shape_cast %mul3A_227 : vector<16xf32> to vector<1x16xf32>
      tpu.vector_store %arg7[%swap3A_228, %swap3A_229], %swap3A_232 {strides = array<i32>} : memref<128x128xf32, #tpu.memory_space<vmem>>, vector<1x16xf32>,
      %get3A_233 = arith.index_cast %scan3A_150 : i32 to index
      %get3A_234 = arith.constant 112 : index
      %get3A_235 = tpu.vector_load %arg7[%get3A_233, %get3A_234] {strides = array<i32>} : memref<128x128xf32, #tpu.memory_space<vmem>>, vector<1x16xf32>,
      %get3A_236 = vector.shape_cast %get3A_235 : vector<1x16xf32> to vector<16xf32>
      %mul3A_237 = arith.constant 11.3137083 : f32
      %mul3A_238 = vector.broadcast %mul3A_237 : f32 to vector<16xf32>
      %mul3A_239 = arith.mulf %get3A_236, %mul3A_238 : vector<16xf32>
      %swap3A_240 = arith.index_cast %scan3A_150 : i32 to index
      %swap3A_241 = arith.constant 112 : index
      %swap3A_242 = tpu.vector_load %arg7[%swap3A_240, %swap3A_241] {strides = array<i32>} : memref<128x128xf32, #tpu.memory_space<vmem>>, vector<1x16xf32>,
      %swap3A_243 = vector.shape_cast %swap3A_242 : vector<1x16xf32> to vector<16xf32>
      %swap3A_244 = vector.shape_cast %mul3A_239 : vector<16xf32> to vector<1x16xf32>
      tpu.vector_store %arg7[%swap3A_240, %swap3A_241], %swap3A_244 {strides = array<i32>} : memref<128x128xf32, #tpu.memory_space<vmem>>, vector<1x16xf32>,
      %scan3A_245 = arith.constant 1 : i32
      %scan3A_246 = arith.addi %scan3A_150, %scan3A_245 : i32
      %get3A_247 = arith.index_cast %scan3A_246 : i32 to index
      %get3A_248 = arith.constant 0 : index
      %get3A_249 = tpu.vector_load %arg7[%get3A_247, %get3A_248] {strides = array<i32>} : memref<128x128xf32, #tpu.memory_space<vmem>>, vector<1x16xf32>,
      %get3A_250 = vector.shape_cast %get3A_249 : vector<1x16xf32> to vector<16xf32>
      %mul3A_251 = arith.constant 11.3137083 : f32
      %mul3A_252 = vector.broadcast %mul3A_251 : f32 to vector<16xf32>
      %mul3A_253 = arith.mulf %get3A_250, %mul3A_252 : vector<16xf32>
      %swap3A_254 = arith.index_cast %scan3A_246 : i32 to index
      %swap3A_255 = arith.constant 0 : index
      %swap3A_256 = tpu.vector_load %arg7[%swap3A_254, %swap3A_255] {strides = array<i32>} : memref<128x128xf32, #tpu.memory_space<vmem>>, vector<1x16xf32>,
      %swap3A_257 = vector.shape_cast %swap3A_256 : vector<1x16xf32> to vector<16xf32>
      %swap3A_258 = vector.shape_cast %mul3A_253 : vector<16xf32> to vector<1x16xf32>
      tpu.vector_store %arg7[%swap3A_254, %swap3A_255], %swap3A_258 {strides = array<i32>} : memref<128x128xf32, #tpu.memory_space<vmem>>, vector<1x16xf32>,
      %get3A_259 = arith.index_cast %scan3A_246 : i32 to index
      %get3A_260 = arith.constant 16 : index
      %get3A_261 = tpu.vector_load %arg7[%get3A_259, %get3A_260] {strides = array<i32>} : memref<128x128xf32, #tpu.memory_space<vmem>>, vector<1x16xf32>,
      %get3A_262 = vector.shape_cast %get3A_261 : vector<1x16xf32> to vector<16xf32>
      %mul3A_263 = arith.constant 11.3137083 : f32
      %mul3A_264 = vector.broadcast %mul3A_263 : f32 to vector<16xf32>
      %mul3A_265 = arith.mulf %get3A_262, %mul3A_264 : vector<16xf32>
      %swap3A_266 = arith.index_cast %scan3A_246 : i32 to index
      %swap3A_267 = arith.constant 16 : index
      %swap3A_268 = tpu.vector_load %arg7[%swap3A_266, %swap3A_267] {strides = array<i32>} : memref<128x128xf32, #tpu.memory_space<vmem>>, vector<1x16xf32>,
      %swap3A_269 = vector.shape_cast %swap3A_268 : vector<1x16xf32> to vector<16xf32>
      %swap3A_270 = vector.shape_cast %mul3A_265 : vector<16xf32> to vector<1x16xf32>
      tpu.vector_store %arg7[%swap3A_266, %swap3A_267], %swap3A_270 {strides = array<i32>} : memref<128x128xf32, #tpu.memory_space<vmem>>, vector<1x16xf32>,
      %get3A_271 = arith.index_cast %scan3A_246 : i32 to index
      %get3A_272 = arith.constant 32 : index
      %get3A_273 = tpu.vector_load %arg7[%get3A_271, %get3A_272] {strides = array<i32>} : memref<128x128xf32, #tpu.memory_space<vmem>>, vector<1x16xf32>,
      %get3A_274 = vector.shape_cast %get3A_273 : vector<1x16xf32> to vector<16xf32>
      %mul3A_275 = arith.constant 11.3137083 : f32
      %mul3A_276 = vector.broadcast %mul3A_275 : f32 to vector<16xf32>
      %mul3A_277 = arith.mulf %get3A_274, %mul3A_276 : vector<16xf32>
      %swap3A_278 = arith.index_cast %scan3A_246 : i32 to index
      %swap3A_279 = arith.constant 32 : index
      %swap3A_280 = tpu.vector_load %arg7[%swap3A_278, %swap3A_279] {strides = array<i32>} : memref<128x128xf32, #tpu.memory_space<vmem>>, vector<1x16xf32>,
      %swap3A_281 = vector.shape_cast %swap3A_280 : vector<1x16xf32> to vector<16xf32>
      %swap3A_282 = vector.shape_cast %mul3A_277 : vector<16xf32> to vector<1x16xf32>
      tpu.vector_store %arg7[%swap3A_278, %swap3A_279], %swap3A_282 {strides = array<i32>} : memref<128x128xf32, #tpu.memory_space<vmem>>, vector<1x16xf32>,
      %get3A_283 = arith.index_cast %scan3A_246 : i32 to index
      %get3A_284 = arith.constant 48 : index
      %get3A_285 = tpu.vector_load %arg7[%get3A_283, %get3A_284] {strides = array<i32>} : memref<128x128xf32, #tpu.memory_space<vmem>>, vector<1x16xf32>,
      %get3A_286 = vector.shape_cast %get3A_285 : vector<1x16xf32> to vector<16xf32>
      %mul3A_287 = arith.constant 11.3137083 : f32
      %mul3A_288 = vector.broadcast %mul3A_287 : f32 to vector<16xf32>
      %mul3A_289 = arith.mulf %get3A_286, %mul3A_288 : vector<16xf32>
      %swap3A_290 = arith.index_cast %scan3A_246 : i32 to index
      %swap3A_291 = arith.constant 48 : index
      %swap3A_292 = tpu.vector_load %arg7[%swap3A_290, %swap3A_291] {strides = array<i32>} : memref<128x128xf32, #tpu.memory_space<vmem>>, vector<1x16xf32>,
      %swap3A_293 = vector.shape_cast %swap3A_292 : vector<1x16xf32> to vector<16xf32>
      %swap3A_294 = vector.shape_cast %mul3A_289 : vector<16xf32> to vector<1x16xf32>
      tpu.vector_store %arg7[%swap3A_290, %swap3A_291], %swap3A_294 {strides = array<i32>} : memref<128x128xf32, #tpu.memory_space<vmem>>, vector<1x16xf32>,
      %get3A_295 = arith.index_cast %scan3A_246 : i32 to index
      %get3A_296 = arith.constant 64 : index
      %get3A_297 = tpu.vector_load %arg7[%get3A_295, %get3A_296] {strides = array<i32>} : memref<128x128xf32, #tpu.memory_space<vmem>>, vector<1x16xf32>,
      %get3A_298 = vector.shape_cast %get3A_297 : vector<1x16xf32> to vector<16xf32>
      %mul3A_299 = arith.constant 11.3137083 : f32
      %mul3A_300 = vector.broadcast %mul3A_299 : f32 to vector<16xf32>
      %mul3A_301 = arith.mulf %get3A_298, %mul3A_300 : vector<16xf32>
      %swap3A_302 = arith.index_cast %scan3A_246 : i32 to index
      %swap3A_303 = arith.constant 64 : index
      %swap3A_304 = tpu.vector_load %arg7[%swap3A_302, %swap3A_303] {strides = array<i32>} : memref<128x128xf32, #tpu.memory_space<vmem>>, vector<1x16xf32>,
      %swap3A_305 = vector.shape_cast %swap3A_304 : vector<1x16xf32> to vector<16xf32>
      %swap3A_306 = vector.shape_cast %mul3A_301 : vector<16xf32> to vector<1x16xf32>
      tpu.vector_store %arg7[%swap3A_302, %swap3A_303], %swap3A_306 {strides = array<i32>} : memref<128x128xf32, #tpu.memory_space<vmem>>, vector<1x16xf32>,
      %get3A_307 = arith.index_cast %scan3A_246 : i32 to index
      %get3A_308 = arith.constant 80 : index
      %get3A_309 = tpu.vector_load %arg7[%get3A_307, %get3A_308] {strides = array<i32>} : memref<128x128xf32, #tpu.memory_space<vmem>>, vector<1x16xf32>,
      %get3A_310 = vector.shape_cast %get3A_309 : vector<1x16xf32> to vector<16xf32>
      %mul3A_311 = arith.constant 11.3137083 : f32
      %mul3A_312 = vector.broadcast %mul3A_311 : f32 to vector<16xf32>
      %mul3A_313 = arith.mulf %get3A_310, %mul3A_312 : vector<16xf32>
      %swap3A_314 = arith.index_cast %scan3A_246 : i32 to index
      %swap3A_315 = arith.constant 80 : index
      %swap3A_316 = tpu.vector_load %arg7[%swap3A_314, %swap3A_315] {strides = array<i32>} : memref<128x128xf32, #tpu.memory_space<vmem>>, vector<1x16xf32>,
      %swap3A_317 = vector.shape_cast %swap3A_316 : vector<1x16xf32> to vector<16xf32>
      %swap3A_318 = vector.shape_cast %mul3A_313 : vector<16xf32> to vector<1x16xf32>
      tpu.vector_store %arg7[%swap3A_314, %swap3A_315], %swap3A_318 {strides = array<i32>} : memref<128x128xf32, #tpu.memory_space<vmem>>, vector<1x16xf32>,
      %get3A_319 = arith.index_cast %scan3A_246 : i32 to index
      %get3A_320 = arith.constant 96 : index
      %get3A_321 = tpu.vector_load %arg7[%get3A_319, %get3A_320] {strides = array<i32>} : memref<128x128xf32, #tpu.memory_space<vmem>>, vector<1x16xf32>,
      %get3A_322 = vector.shape_cast %get3A_321 : vector<1x16xf32> to vector<16xf32>
      %mul3A_323 = arith.constant 11.3137083 : f32
      %mul3A_324 = vector.broadcast %mul3A_323 : f32 to vector<16xf32>
      %mul3A_325 = arith.mulf %get3A_322, %mul3A_324 : vector<16xf32>
      %swap3A_326 = arith.index_cast %scan3A_246 : i32 to index
      %swap3A_327 = arith.constant 96 : index
      %swap3A_328 = tpu.vector_load %arg7[%swap3A_326, %swap3A_327] {strides = array<i32>} : memref<128x128xf32, #tpu.memory_space<vmem>>, vector<1x16xf32>,
      %swap3A_329 = vector.shape_cast %swap3A_328 : vector<1x16xf32> to vector<16xf32>
      %swap3A_330 = vector.shape_cast %mul3A_325 : vector<16xf32> to vector<1x16xf32>
      tpu.vector_store %arg7[%swap3A_326, %swap3A_327], %swap3A_330 {strides = array<i32>} : memref<128x128xf32, #tpu.memory_space<vmem>>, vector<1x16xf32>,
      %get3A_331 = arith.index_cast %scan3A_246 : i32 to index
      %get3A_332 = arith.constant 112 : index
      %get3A_333 = tpu.vector_load %arg7[%get3A_331, %get3A_332] {strides = array<i32>} : memref<128x128xf32, #tpu.memory_space<vmem>>, vector<1x16xf32>,
      %get3A_334 = vector.shape_cast %get3A_333 : vector<1x16xf32> to vector<16xf32>
      %mul3A_335 = arith.constant 11.3137083 : f32
      %mul3A_336 = vector.broadcast %mul3A_335 : f32 to vector<16xf32>
      %mul3A_337 = arith.mulf %get3A_334, %mul3A_336 : vector<16xf32>
      %swap3A_338 = arith.index_cast %scan3A_246 : i32 to index
      %swap3A_339 = arith.constant 112 : index
      %swap3A_340 = tpu.vector_load %arg7[%swap3A_338, %swap3A_339] {strides = array<i32>} : memref<128x128xf32, #tpu.memory_space<vmem>>, vector<1x16xf32>,
      %swap3A_341 = vector.shape_cast %swap3A_340 : vector<1x16xf32> to vector<16xf32>
      %swap3A_342 = vector.shape_cast %mul3A_337 : vector<16xf32> to vector<1x16xf32>
      tpu.vector_store %arg7[%swap3A_338, %swap3A_339], %swap3A_342 {strides = array<i32>} : memref<128x128xf32, #tpu.memory_space<vmem>>, vector<1x16xf32>,
    }
    %scan3A_61 = arith.constant 128 : i32
    %add3A_62 = arith.constant 128 : i32
    %add3A_63 = arith.addi %mul3A_2, %add3A_62 : i32
    "tpu.region"() ({
      %run_scoped3A = tpu.sem_alloc : memref<!tpu.dma_semaphore, #tpu.memory_space<semaphore_mem>>
      %dma_start3A_150 = arith.constant 0 : i32
      %dma_start3A_151 = tpu.memref_slice %arg4[%add3A_63, %dma_start3A_150] : memref<204800x128xf32, #tpu.memory_space<hbm>> -> memref<128x128xf32, #tpu.memory_space<hbm>>
      %dma_start3A_152 = arith.constant 0 : i32
      %dma_start3A_153 = tpu.memref_slice %arg4[%add3A_63, %dma_start3A_152] : memref<204800x128xf32, #tpu.memory_space<hbm>> -> memref<128x128xf32, #tpu.memory_space<hbm>>
      tpu.enqueue_dma source(%arg7 : memref<128x128xf32, #tpu.memory_space<vmem>>) target(%dma_start3A_153 : memref<128x128xf32, #tpu.memory_space<hbm>>) target_semaphore(%run_scoped3A : memref<!tpu.dma_semaphore, #tpu.memory_space<semaphore_mem>>)
      %dma_wait3A_154 = arith.constant 0 : i32
      %dma_wait3A_155 = tpu.memref_slice %arg4[%add3A_63, %dma_wait3A_154] : memref<204800x128xf32, #tpu.memory_space<hbm>> -> memref<128x128xf32, #tpu.memory_space<hbm>>
      %dma_wait3A_156 = arith.constant 0 : i32
      %dma_wait3A_157 = tpu.memref_slice %arg4[%add3A_63, %dma_wait3A_156] : memref<204800x128xf32, #tpu.memory_space<hbm>> -> memref<128x128xf32, #tpu.memory_space<hbm>>
      tpu.wait_dma2 semaphore(%run_scoped3A : memref<!tpu.dma_semaphore, #tpu.memory_space<semaphore_mem>>) src(%arg7 : memref<128x128xf32, #tpu.memory_space<vmem>>) dst(%dma_wait3A_157 : memref<128x128xf32, #tpu.memory_space<hbm>>)
      tpu.yield
    }) : () -> ()
    %dma_start3A_64 = arith.constant 0 : i32
    %dma_start3A_65 = arith.constant 0 : i32
    %dma_start3A_66 = tpu.memref_slice %arg10[%dma_start3A_64, %dma_start3A_65] : memref<128x128xf32, #tpu.memory_space<vmem>> -> memref<128x128xf32, #tpu.memory_space<vmem>>
    %dma_start3A_67 = arith.constant 512 : i32
    %dma_start3A_68 = tpu.memref_slice %arg5[%dma_start3A_67] : memref<6400xi32, #tpu.memory_space<vmem>> -> memref<128xi32, #tpu.memory_space<vmem>>
    %dma_start3A_69 = arith.constant 0 : i32
    %dma_start3A_70 = arith.constant 0 : i32
    %dma_start3A_71 = tpu.memref_slice %arg3[%dma_start3A_69, %dma_start3A_70] : memref<100000x128xf32, #tpu.memory_space<hbm>> -> memref<100000x128xf32, #tpu.memory_space<hbm>>
    tpu.enqueue_indirect_dma source(%dma_start3A_71 : memref<100000x128xf32, #tpu.memory_space<hbm>>) target(%dma_start3A_66 : memref<128x128xf32, #tpu.memory_space<vmem>>) offsets(%dma_start3A_68 : memref<128xi32, #tpu.memory_space<vmem>>) semaphore(%arg15 : memref<!tpu.dma_semaphore, #tpu.memory_space<semaphore_mem>>)
    %dma_wait3A_72 = arith.constant 0 : i32
    %dma_wait3A_73 = arith.constant 0 : i32
    %dma_wait3A_74 = tpu.memref_slice %arg8[%dma_wait3A_72, %dma_wait3A_73] : memref<128x128xf32, #tpu.memory_space<vmem>> -> memref<128x128xf32, #tpu.memory_space<vmem>>
    %dma_wait3A_75 = arith.constant 256 : i32
    %dma_wait3A_76 = tpu.memref_slice %arg5[%dma_wait3A_75] : memref<6400xi32, #tpu.memory_space<vmem>> -> memref<128xi32, #tpu.memory_space<vmem>>
    %dma_wait3A_77 = arith.constant 0 : i32
    %dma_wait3A_78 = arith.constant 0 : i32
    %dma_wait3A_79 = tpu.memref_slice %arg3[%dma_wait3A_77, %dma_wait3A_78] : memref<100000x128xf32, #tpu.memory_space<hbm>> -> memref<100000x128xf32, #tpu.memory_space<hbm>>
    tpu.wait_indirect_dma semaphore(%arg13 : memref<!tpu.dma_semaphore, #tpu.memory_space<semaphore_mem>>) src(%dma_wait3A_79 : memref<100000x128xf32, #tpu.memory_space<hbm>>) dst(%dma_wait3A_74 : memref<128x128xf32, #tpu.memory_space<vmem>>)
    %scan3A_80 = arith.constant 0 : i32
    %scan3A_81 = arith.constant 0 : i32
    %scan3A_82 = arith.constant 128 : i32
    %scan3A_83 = arith.addi %scan3A_81, %scan3A_82 : i32
    %scan3A_84 = arith.constant 2 : i32
    scf.for %scan3A_150 = %scan3A_81 to %scan3A_83 step %scan3A_84  : i32 {
      %get3A = arith.index_cast %scan3A_150 : i32 to index
      %get3A_151 = arith.constant 0 : index
      %get3A_152 = tpu.vector_load %arg8[%get3A, %get3A_151] {strides = array<i32>} : memref<128x128xf32, #tpu.memory_space<vmem>>, vector<1x16xf32>,
      %get3A_153 = vector.shape_cast %get3A_152 : vector<1x16xf32> to vector<16xf32>
      %mul3A_154 = arith.constant 11.3137083 : f32
      %mul3A_155 = vector.broadcast %mul3A_154 : f32 to vector<16xf32>
      %mul3A_156 = arith.mulf %get3A_153, %mul3A_155 : vector<16xf32>
      %swap3A = arith.index_cast %scan3A_150 : i32 to index
      %swap3A_157 = arith.constant 0 : index
      %swap3A_158 = tpu.vector_load %arg8[%swap3A, %swap3A_157] {strides = array<i32>} : memref<128x128xf32, #tpu.memory_space<vmem>>, vector<1x16xf32>,
      %swap3A_159 = vector.shape_cast %swap3A_158 : vector<1x16xf32> to vector<16xf32>
      %swap3A_160 = vector.shape_cast %mul3A_156 : vector<16xf32> to vector<1x16xf32>
      tpu.vector_store %arg8[%swap3A, %swap3A_157], %swap3A_160 {strides = array<i32>} : memref<128x128xf32, #tpu.memory_space<vmem>>, vector<1x16xf32>,
      %get3A_161 = arith.index_cast %scan3A_150 : i32 to index
      %get3A_162 = arith.constant 16 : index
      %get3A_163 = tpu.vector_load %arg8[%get3A_161, %get3A_162] {strides = array<i32>} : memref<128x128xf32, #tpu.memory_space<vmem>>, vector<1x16xf32>,
      %get3A_164 = vector.shape_cast %get3A_163 : vector<1x16xf32> to vector<16xf32>
      %mul3A_165 = arith.constant 11.3137083 : f32
      %mul3A_166 = vector.broadcast %mul3A_165 : f32 to vector<16xf32>
      %mul3A_167 = arith.mulf %get3A_164, %mul3A_166 : vector<16xf32>
      %swap3A_168 = arith.index_cast %scan3A_150 : i32 to index
      %swap3A_169 = arith.constant 16 : index
      %swap3A_170 = tpu.vector_load %arg8[%swap3A_168, %swap3A_169] {strides = array<i32>} : memref<128x128xf32, #tpu.memory_space<vmem>>, vector<1x16xf32>,
      %swap3A_171 = vector.shape_cast %swap3A_170 : vector<1x16xf32> to vector<16xf32>
      %swap3A_172 = vector.shape_cast %mul3A_167 : vector<16xf32> to vector<1x16xf32>
      tpu.vector_store %arg8[%swap3A_168, %swap3A_169], %swap3A_172 {strides = array<i32>} : memref<128x128xf32, #tpu.memory_space<vmem>>, vector<1x16xf32>,
      %get3A_173 = arith.index_cast %scan3A_150 : i32 to index
      %get3A_174 = arith.constant 32 : index
      %get3A_175 = tpu.vector_load %arg8[%get3A_173, %get3A_174] {strides = array<i32>} : memref<128x128xf32, #tpu.memory_space<vmem>>, vector<1x16xf32>,
      %get3A_176 = vector.shape_cast %get3A_175 : vector<1x16xf32> to vector<16xf32>
      %mul3A_177 = arith.constant 11.3137083 : f32
      %mul3A_178 = vector.broadcast %mul3A_177 : f32 to vector<16xf32>
      %mul3A_179 = arith.mulf %get3A_176, %mul3A_178 : vector<16xf32>
      %swap3A_180 = arith.index_cast %scan3A_150 : i32 to index
      %swap3A_181 = arith.constant 32 : index
      %swap3A_182 = tpu.vector_load %arg8[%swap3A_180, %swap3A_181] {strides = array<i32>} : memref<128x128xf32, #tpu.memory_space<vmem>>, vector<1x16xf32>,
      %swap3A_183 = vector.shape_cast %swap3A_182 : vector<1x16xf32> to vector<16xf32>
      %swap3A_184 = vector.shape_cast %mul3A_179 : vector<16xf32> to vector<1x16xf32>
      tpu.vector_store %arg8[%swap3A_180, %swap3A_181], %swap3A_184 {strides = array<i32>} : memref<128x128xf32, #tpu.memory_space<vmem>>, vector<1x16xf32>,
      %get3A_185 = arith.index_cast %scan3A_150 : i32 to index
      %get3A_186 = arith.constant 48 : index
      %get3A_187 = tpu.vector_load %arg8[%get3A_185, %get3A_186] {strides = array<i32>} : memref<128x128xf32, #tpu.memory_space<vmem>>, vector<1x16xf32>,
      %get3A_188 = vector.shape_cast %get3A_187 : vector<1x16xf32> to vector<16xf32>
      %mul3A_189 = arith.constant 11.3137083 : f32
      %mul3A_190 = vector.broadcast %mul3A_189 : f32 to vector<16xf32>
      %mul3A_191 = arith.mulf %get3A_188, %mul3A_190 : vector<16xf32>
      %swap3A_192 = arith.index_cast %scan3A_150 : i32 to index
      %swap3A_193 = arith.constant 48 : index
      %swap3A_194 = tpu.vector_load %arg8[%swap3A_192, %swap3A_193] {strides = array<i32>} : memref<128x128xf32, #tpu.memory_space<vmem>>, vector<1x16xf32>,
      %swap3A_195 = vector.shape_cast %swap3A_194 : vector<1x16xf32> to vector<16xf32>
      %swap3A_196 = vector.shape_cast %mul3A_191 : vector<16xf32> to vector<1x16xf32>
      tpu.vector_store %arg8[%swap3A_192, %swap3A_193], %swap3A_196 {strides = array<i32>} : memref<128x128xf32, #tpu.memory_space<vmem>>, vector<1x16xf32>,
      %get3A_197 = arith.index_cast %scan3A_150 : i32 to index
      %get3A_198 = arith.constant 64 : index
      %get3A_199 = tpu.vector_load %arg8[%get3A_197, %get3A_198] {strides = array<i32>} : memref<128x128xf32, #tpu.memory_space<vmem>>, vector<1x16xf32>,
      %get3A_200 = vector.shape_cast %get3A_199 : vector<1x16xf32> to vector<16xf32>
      %mul3A_201 = arith.constant 11.3137083 : f32
      %mul3A_202 = vector.broadcast %mul3A_201 : f32 to vector<16xf32>
      %mul3A_203 = arith.mulf %get3A_200, %mul3A_202 : vector<16xf32>
      %swap3A_204 = arith.index_cast %scan3A_150 : i32 to index
      %swap3A_205 = arith.constant 64 : index
      %swap3A_206 = tpu.vector_load %arg8[%swap3A_204, %swap3A_205] {strides = array<i32>} : memref<128x128xf32, #tpu.memory_space<vmem>>, vector<1x16xf32>,
      %swap3A_207 = vector.shape_cast %swap3A_206 : vector<1x16xf32> to vector<16xf32>
      %swap3A_208 = vector.shape_cast %mul3A_203 : vector<16xf32> to vector<1x16xf32>
      tpu.vector_store %arg8[%swap3A_204, %swap3A_205], %swap3A_208 {strides = array<i32>} : memref<128x128xf32, #tpu.memory_space<vmem>>, vector<1x16xf32>,
      %get3A_209 = arith.index_cast %scan3A_150 : i32 to index
      %get3A_210 = arith.constant 80 : index
      %get3A_211 = tpu.vector_load %arg8[%get3A_209, %get3A_210] {strides = array<i32>} : memref<128x128xf32, #tpu.memory_space<vmem>>, vector<1x16xf32>,
      %get3A_212 = vector.shape_cast %get3A_211 : vector<1x16xf32> to vector<16xf32>
      %mul3A_213 = arith.constant 11.3137083 : f32
      %mul3A_214 = vector.broadcast %mul3A_213 : f32 to vector<16xf32>
      %mul3A_215 = arith.mulf %get3A_212, %mul3A_214 : vector<16xf32>
      %swap3A_216 = arith.index_cast %scan3A_150 : i32 to index
      %swap3A_217 = arith.constant 80 : index
      %swap3A_218 = tpu.vector_load %arg8[%swap3A_216, %swap3A_217] {strides = array<i32>} : memref<128x128xf32, #tpu.memory_space<vmem>>, vector<1x16xf32>,
      %swap3A_219 = vector.shape_cast %swap3A_218 : vector<1x16xf32> to vector<16xf32>
      %swap3A_220 = vector.shape_cast %mul3A_215 : vector<16xf32> to vector<1x16xf32>
      tpu.vector_store %arg8[%swap3A_216, %swap3A_217], %swap3A_220 {strides = array<i32>} : memref<128x128xf32, #tpu.memory_space<vmem>>, vector<1x16xf32>,
      %get3A_221 = arith.index_cast %scan3A_150 : i32 to index
      %get3A_222 = arith.constant 96 : index
      %get3A_223 = tpu.vector_load %arg8[%get3A_221, %get3A_222] {strides = array<i32>} : memref<128x128xf32, #tpu.memory_space<vmem>>, vector<1x16xf32>,
      %get3A_224 = vector.shape_cast %get3A_223 : vector<1x16xf32> to vector<16xf32>
      %mul3A_225 = arith.constant 11.3137083 : f32
      %mul3A_226 = vector.broadcast %mul3A_225 : f32 to vector<16xf32>
      %mul3A_227 = arith.mulf %get3A_224, %mul3A_226 : vector<16xf32>
      %swap3A_228 = arith.index_cast %scan3A_150 : i32 to index
      %swap3A_229 = arith.constant 96 : index
      %swap3A_230 = tpu.vector_load %arg8[%swap3A_228, %swap3A_229] {strides = array<i32>} : memref<128x128xf32, #tpu.memory_space<vmem>>, vector<1x16xf32>,
      %swap3A_231 = vector.shape_cast %swap3A_230 : vector<1x16xf32> to vector<16xf32>
      %swap3A_232 = vector.shape_cast %mul3A_227 : vector<16xf32> to vector<1x16xf32>
      tpu.vector_store %arg8[%swap3A_228, %swap3A_229], %swap3A_232 {strides = array<i32>} : memref<128x128xf32, #tpu.memory_space<vmem>>, vector<1x16xf32>,
      %get3A_233 = arith.index_cast %scan3A_150 : i32 to index
      %get3A_234 = arith.constant 112 : index
      %get3A_235 = tpu.vector_load %arg8[%get3A_233, %get3A_234] {strides = array<i32>} : memref<128x128xf32, #tpu.memory_space<vmem>>, vector<1x16xf32>,
      %get3A_236 = vector.shape_cast %get3A_235 : vector<1x16xf32> to vector<16xf32>
      %mul3A_237 = arith.constant 11.3137083 : f32
      %mul3A_238 = vector.broadcast %mul3A_237 : f32 to vector<16xf32>
      %mul3A_239 = arith.mulf %get3A_236, %mul3A_238 : vector<16xf32>
      %swap3A_240 = arith.index_cast %scan3A_150 : i32 to index
      %swap3A_241 = arith.constant 112 : index
      %swap3A_242 = tpu.vector_load %arg8[%swap3A_240, %swap3A_241] {strides = array<i32>} : memref<128x128xf32, #tpu.memory_space<vmem>>, vector<1x16xf32>,
      %swap3A_243 = vector.shape_cast %swap3A_242 : vector<1x16xf32> to vector<16xf32>
      %swap3A_244 = vector.shape_cast %mul3A_239 : vector<16xf32> to vector<1x16xf32>
      tpu.vector_store %arg8[%swap3A_240, %swap3A_241], %swap3A_244 {strides = array<i32>} : memref<128x128xf32, #tpu.memory_space<vmem>>, vector<1x16xf32>,
      %scan3A_245 = arith.constant 1 : i32
      %scan3A_246 = arith.addi %scan3A_150, %scan3A_245 : i32
      %get3A_247 = arith.index_cast %scan3A_246 : i32 to index
      %get3A_248 = arith.constant 0 : index
      %get3A_249 = tpu.vector_load %arg8[%get3A_247, %get3A_248] {strides = array<i32>} : memref<128x128xf32, #tpu.memory_space<vmem>>, vector<1x16xf32>,
      %get3A_250 = vector.shape_cast %get3A_249 : vector<1x16xf32> to vector<16xf32>
      %mul3A_251 = arith.constant 11.3137083 : f32
      %mul3A_252 = vector.broadcast %mul3A_251 : f32 to vector<16xf32>
      %mul3A_253 = arith.mulf %get3A_250, %mul3A_252 : vector<16xf32>
      %swap3A_254 = arith.index_cast %scan3A_246 : i32 to index
      %swap3A_255 = arith.constant 0 : index
      %swap3A_256 = tpu.vector_load %arg8[%swap3A_254, %swap3A_255] {strides = array<i32>} : memref<128x128xf32, #tpu.memory_space<vmem>>, vector<1x16xf32>,
      %swap3A_257 = vector.shape_cast %swap3A_256 : vector<1x16xf32> to vector<16xf32>
      %swap3A_258 = vector.shape_cast %mul3A_253 : vector<16xf32> to vector<1x16xf32>
      tpu.vector_store %arg8[%swap3A_254, %swap3A_255], %swap3A_258 {strides = array<i32>} : memref<128x128xf32, #tpu.memory_space<vmem>>, vector<1x16xf32>,
      %get3A_259 = arith.index_cast %scan3A_246 : i32 to index
      %get3A_260 = arith.constant 16 : index
      %get3A_261 = tpu.vector_load %arg8[%get3A_259, %get3A_260] {strides = array<i32>} : memref<128x128xf32, #tpu.memory_space<vmem>>, vector<1x16xf32>,
      %get3A_262 = vector.shape_cast %get3A_261 : vector<1x16xf32> to vector<16xf32>
      %mul3A_263 = arith.constant 11.3137083 : f32
      %mul3A_264 = vector.broadcast %mul3A_263 : f32 to vector<16xf32>
      %mul3A_265 = arith.mulf %get3A_262, %mul3A_264 : vector<16xf32>
      %swap3A_266 = arith.index_cast %scan3A_246 : i32 to index
      %swap3A_267 = arith.constant 16 : index
      %swap3A_268 = tpu.vector_load %arg8[%swap3A_266, %swap3A_267] {strides = array<i32>} : memref<128x128xf32, #tpu.memory_space<vmem>>, vector<1x16xf32>,
      %swap3A_269 = vector.shape_cast %swap3A_268 : vector<1x16xf32> to vector<16xf32>
      %swap3A_270 = vector.shape_cast %mul3A_265 : vector<16xf32> to vector<1x16xf32>
      tpu.vector_store %arg8[%swap3A_266, %swap3A_267], %swap3A_270 {strides = array<i32>} : memref<128x128xf32, #tpu.memory_space<vmem>>, vector<1x16xf32>,
      %get3A_271 = arith.index_cast %scan3A_246 : i32 to index
      %get3A_272 = arith.constant 32 : index
      %get3A_273 = tpu.vector_load %arg8[%get3A_271, %get3A_272] {strides = array<i32>} : memref<128x128xf32, #tpu.memory_space<vmem>>, vector<1x16xf32>,
      %get3A_274 = vector.shape_cast %get3A_273 : vector<1x16xf32> to vector<16xf32>
      %mul3A_275 = arith.constant 11.3137083 : f32
      %mul3A_276 = vector.broadcast %mul3A_275 : f32 to vector<16xf32>
      %mul3A_277 = arith.mulf %get3A_274, %mul3A_276 : vector<16xf32>
      %swap3A_278 = arith.index_cast %scan3A_246 : i32 to index
      %swap3A_279 = arith.constant 32 : index
      %swap3A_280 = tpu.vector_load %arg8[%swap3A_278, %swap3A_279] {strides = array<i32>} : memref<128x128xf32, #tpu.memory_space<vmem>>, vector<1x16xf32>,
      %swap3A_281 = vector.shape_cast %swap3A_280 : vector<1x16xf32> to vector<16xf32>
      %swap3A_282 = vector.shape_cast %mul3A_277 : vector<16xf32> to vector<1x16xf32>
      tpu.vector_store %arg8[%swap3A_278, %swap3A_279], %swap3A_282 {strides = array<i32>} : memref<128x128xf32, #tpu.memory_space<vmem>>, vector<1x16xf32>,
      %get3A_283 = arith.index_cast %scan3A_246 : i32 to index
      %get3A_284 = arith.constant 48 : index
      %get3A_285 = tpu.vector_load %arg8[%get3A_283, %get3A_284] {strides = array<i32>} : memref<128x128xf32, #tpu.memory_space<vmem>>, vector<1x16xf32>,
      %get3A_286 = vector.shape_cast %get3A_285 : vector<1x16xf32> to vector<16xf32>
      %mul3A_287 = arith.constant 11.3137083 : f32
      %mul3A_288 = vector.broadcast %mul3A_287 : f32 to vector<16xf32>
      %mul3A_289 = arith.mulf %get3A_286, %mul3A_288 : vector<16xf32>
      %swap3A_290 = arith.index_cast %scan3A_246 : i32 to index
      %swap3A_291 = arith.constant 48 : index
      %swap3A_292 = tpu.vector_load %arg8[%swap3A_290, %swap3A_291] {strides = array<i32>} : memref<128x128xf32, #tpu.memory_space<vmem>>, vector<1x16xf32>,
      %swap3A_293 = vector.shape_cast %swap3A_292 : vector<1x16xf32> to vector<16xf32>
      %swap3A_294 = vector.shape_cast %mul3A_289 : vector<16xf32> to vector<1x16xf32>
      tpu.vector_store %arg8[%swap3A_290, %swap3A_291], %swap3A_294 {strides = array<i32>} : memref<128x128xf32, #tpu.memory_space<vmem>>, vector<1x16xf32>,
      %get3A_295 = arith.index_cast %scan3A_246 : i32 to index
      %get3A_296 = arith.constant 64 : index
      %get3A_297 = tpu.vector_load %arg8[%get3A_295, %get3A_296] {strides = array<i32>} : memref<128x128xf32, #tpu.memory_space<vmem>>, vector<1x16xf32>,
      %get3A_298 = vector.shape_cast %get3A_297 : vector<1x16xf32> to vector<16xf32>
      %mul3A_299 = arith.constant 11.3137083 : f32
      %mul3A_300 = vector.broadcast %mul3A_299 : f32 to vector<16xf32>
      %mul3A_301 = arith.mulf %get3A_298, %mul3A_300 : vector<16xf32>
      %swap3A_302 = arith.index_cast %scan3A_246 : i32 to index
      %swap3A_303 = arith.constant 64 : index
      %swap3A_304 = tpu.vector_load %arg8[%swap3A_302, %swap3A_303] {strides = array<i32>} : memref<128x128xf32, #tpu.memory_space<vmem>>, vector<1x16xf32>,
      %swap3A_305 = vector.shape_cast %swap3A_304 : vector<1x16xf32> to vector<16xf32>
      %swap3A_306 = vector.shape_cast %mul3A_301 : vector<16xf32> to vector<1x16xf32>
      tpu.vector_store %arg8[%swap3A_302, %swap3A_303], %swap3A_306 {strides = array<i32>} : memref<128x128xf32, #tpu.memory_space<vmem>>, vector<1x16xf32>,
      %get3A_307 = arith.index_cast %scan3A_246 : i32 to index
      %get3A_308 = arith.constant 80 : index
      %get3A_309 = tpu.vector_load %arg8[%get3A_307, %get3A_308] {strides = array<i32>} : memref<128x128xf32, #tpu.memory_space<vmem>>, vector<1x16xf32>,
      %get3A_310 = vector.shape_cast %get3A_309 : vector<1x16xf32> to vector<16xf32>
      %mul3A_311 = arith.constant 11.3137083 : f32
      %mul3A_312 = vector.broadcast %mul3A_311 : f32 to vector<16xf32>
      %mul3A_313 = arith.mulf %get3A_310, %mul3A_312 : vector<16xf32>
      %swap3A_314 = arith.index_cast %scan3A_246 : i32 to index
      %swap3A_315 = arith.constant 80 : index
      %swap3A_316 = tpu.vector_load %arg8[%swap3A_314, %swap3A_315] {strides = array<i32>} : memref<128x128xf32, #tpu.memory_space<vmem>>, vector<1x16xf32>,
      %swap3A_317 = vector.shape_cast %swap3A_316 : vector<1x16xf32> to vector<16xf32>
      %swap3A_318 = vector.shape_cast %mul3A_313 : vector<16xf32> to vector<1x16xf32>
      tpu.vector_store %arg8[%swap3A_314, %swap3A_315], %swap3A_318 {strides = array<i32>} : memref<128x128xf32, #tpu.memory_space<vmem>>, vector<1x16xf32>,
      %get3A_319 = arith.index_cast %scan3A_246 : i32 to index
      %get3A_320 = arith.constant 96 : index
      %get3A_321 = tpu.vector_load %arg8[%get3A_319, %get3A_320] {strides = array<i32>} : memref<128x128xf32, #tpu.memory_space<vmem>>, vector<1x16xf32>,
      %get3A_322 = vector.shape_cast %get3A_321 : vector<1x16xf32> to vector<16xf32>
      %mul3A_323 = arith.constant 11.3137083 : f32
      %mul3A_324 = vector.broadcast %mul3A_323 : f32 to vector<16xf32>
      %mul3A_325 = arith.mulf %get3A_322, %mul3A_324 : vector<16xf32>
      %swap3A_326 = arith.index_cast %scan3A_246 : i32 to index
      %swap3A_327 = arith.constant 96 : index
      %swap3A_328 = tpu.vector_load %arg8[%swap3A_326, %swap3A_327] {strides = array<i32>} : memref<128x128xf32, #tpu.memory_space<vmem>>, vector<1x16xf32>,
      %swap3A_329 = vector.shape_cast %swap3A_328 : vector<1x16xf32> to vector<16xf32>
      %swap3A_330 = vector.shape_cast %mul3A_325 : vector<16xf32> to vector<1x16xf32>
      tpu.vector_store %arg8[%swap3A_326, %swap3A_327], %swap3A_330 {strides = array<i32>} : memref<128x128xf32, #tpu.memory_space<vmem>>, vector<1x16xf32>,
      %get3A_331 = arith.index_cast %scan3A_246 : i32 to index
      %get3A_332 = arith.constant 112 : index
      %get3A_333 = tpu.vector_load %arg8[%get3A_331, %get3A_332] {strides = array<i32>} : memref<128x128xf32, #tpu.memory_space<vmem>>, vector<1x16xf32>,
      %get3A_334 = vector.shape_cast %get3A_333 : vector<1x16xf32> to vector<16xf32>
      %mul3A_335 = arith.constant 11.3137083 : f32
      %mul3A_336 = vector.broadcast %mul3A_335 : f32 to vector<16xf32>
      %mul3A_337 = arith.mulf %get3A_334, %mul3A_336 : vector<16xf32>
      %swap3A_338 = arith.index_cast %scan3A_246 : i32 to index
      %swap3A_339 = arith.constant 112 : index
      %swap3A_340 = tpu.vector_load %arg8[%swap3A_338, %swap3A_339] {strides = array<i32>} : memref<128x128xf32, #tpu.memory_space<vmem>>, vector<1x16xf32>,
      %swap3A_341 = vector.shape_cast %swap3A_340 : vector<1x16xf32> to vector<16xf32>
      %swap3A_342 = vector.shape_cast %mul3A_337 : vector<16xf32> to vector<1x16xf32>
      tpu.vector_store %arg8[%swap3A_338, %swap3A_339], %swap3A_342 {strides = array<i32>} : memref<128x128xf32, #tpu.memory_space<vmem>>, vector<1x16xf32>,
    }
    %scan3A_85 = arith.constant 128 : i32
    %add3A_86 = arith.constant 256 : i32
    %add3A_87 = arith.addi %mul3A_2, %add3A_86 : i32
    "tpu.region"() ({
      %run_scoped3A = tpu.sem_alloc : memref<!tpu.dma_semaphore, #tpu.memory_space<semaphore_mem>>
      %dma_start3A_150 = arith.constant 0 : i32
      %dma_start3A_151 = tpu.memref_slice %arg4[%add3A_87, %dma_start3A_150] : memref<204800x128xf32, #tpu.memory_space<hbm>> -> memref<128x128xf32, #tpu.memory_space<hbm>>
      %dma_start3A_152 = arith.constant 0 : i32
      %dma_start3A_153 = tpu.memref_slice %arg4[%add3A_87, %dma_start3A_152] : memref<204800x128xf32, #tpu.memory_space<hbm>> -> memref<128x128xf32, #tpu.memory_space<hbm>>
      tpu.enqueue_dma source(%arg8 : memref<128x128xf32, #tpu.memory_space<vmem>>) target(%dma_start3A_153 : memref<128x128xf32, #tpu.memory_space<hbm>>) target_semaphore(%run_scoped3A : memref<!tpu.dma_semaphore, #tpu.memory_space<semaphore_mem>>)
      %dma_wait3A_154 = arith.constant 0 : i32
      %dma_wait3A_155 = tpu.memref_slice %arg4[%add3A_87, %dma_wait3A_154] : memref<204800x128xf32, #tpu.memory_space<hbm>> -> memref<128x128xf32, #tpu.memory_space<hbm>>
      %dma_wait3A_156 = arith.constant 0 : i32
      %dma_wait3A_157 = tpu.memref_slice %arg4[%add3A_87, %dma_wait3A_156] : memref<204800x128xf32, #tpu.memory_space<hbm>> -> memref<128x128xf32, #tpu.memory_space<hbm>>
      tpu.wait_dma2 semaphore(%run_scoped3A : memref<!tpu.dma_semaphore, #tpu.memory_space<semaphore_mem>>) src(%arg8 : memref<128x128xf32, #tpu.memory_space<vmem>>) dst(%dma_wait3A_157 : memref<128x128xf32, #tpu.memory_space<hbm>>)
      tpu.yield
    }) : () -> ()
    %dma_start3A_88 = arith.constant 0 : i32
    %dma_start3A_89 = arith.constant 0 : i32
    %dma_start3A_90 = tpu.memref_slice %arg6[%dma_start3A_88, %dma_start3A_89] : memref<128x128xf32, #tpu.memory_space<vmem>> -> memref<128x128xf32, #tpu.memory_space<vmem>>
    %dma_start3A_91 = arith.constant 640 : i32
    %dma_start3A_92 = tpu.memref_slice %arg5[%dma_start3A_91] : memref<6400xi32, #tpu.memory_space<vmem>> -> memref<128xi32, #tpu.memory_space<vmem>>
    %dma_start3A_93 = arith.constant 0 : i32
    %dma_start3A_94 = arith.constant 0 : i32
    %dma_start3A_95 = tpu.memref_slice %arg3[%dma_start3A_93, %dma_start3A_94] : memref<100000x128xf32, #tpu.memory_space<hbm>> -> memref<100000x128xf32, #tpu.memory_space<hbm>>
    tpu.enqueue_indirect_dma source(%dma_start3A_95 : memref<100000x128xf32, #tpu.memory_space<hbm>>) target(%dma_start3A_90 : memref<128x128xf32, #tpu.memory_space<vmem>>) offsets(%dma_start3A_92 : memref<128xi32, #tpu.memory_space<vmem>>) semaphore(%arg11 : memref<!tpu.dma_semaphore, #tpu.memory_space<semaphore_mem>>)
    %dma_wait3A_96 = arith.constant 0 : i32
    %dma_wait3A_97 = arith.constant 0 : i32
    %dma_wait3A_98 = tpu.memref_slice %arg9[%dma_wait3A_96, %dma_wait3A_97] : memref<128x128xf32, #tpu.memory_space<vmem>> -> memref<128x128xf32, #tpu.memory_space<vmem>>
    %dma_wait3A_99 = arith.constant 384 : i32
    %dma_wait3A_100 = tpu.memref_slice %arg5[%dma_wait3A_99] : memref<6400xi32, #tpu.memory_space<vmem>> -> memref<128xi32, #tpu.memory_space<vmem>>
    %dma_wait3A_101 = arith.constant 0 : i32
    %dma_wait3A_102 = arith.constant 0 : i32
    %dma_wait3A_103 = tpu.memref_slice %arg3[%dma_wait3A_101, %dma_wait3A_102] : memref<100000x128xf32, #tpu.memory_space<hbm>> -> memref<100000x128xf32, #tpu.memory_space<hbm>>
    tpu.wait_indirect_dma semaphore(%arg14 : memref<!tpu.dma_semaphore, #tpu.memory_space<semaphore_mem>>) src(%dma_wait3A_103 : memref<100000x128xf32, #tpu.memory_space<hbm>>) dst(%dma_wait3A_98 : memref<128x128xf32, #tpu.memory_space<vmem>>)
    %scan3A_104 = arith.constant 0 : i32
    %scan3A_105 = arith.constant 0 : i32
    %scan3A_106 = arith.constant 128 : i32
    %scan3A_107 = arith.addi %scan3A_105, %scan3A_106 : i32
    %scan3A_108 = arith.constant 2 : i32
    scf.for %scan3A_150 = %scan3A_105 to %scan3A_107 step %scan3A_108  : i32 {
      %get3A = arith.index_cast %scan3A_150 : i32 to index
      %get3A_151 = arith.constant 0 : index
      %get3A_152 = tpu.vector_load %arg9[%get3A, %get3A_151] {strides = array<i32>} : memref<128x128xf32, #tpu.memory_space<vmem>>, vector<1x16xf32>,
      %get3A_153 = vector.shape_cast %get3A_152 : vector<1x16xf32> to vector<16xf32>
      %mul3A_154 = arith.constant 11.3137083 : f32
      %mul3A_155 = vector.broadcast %mul3A_154 : f32 to vector<16xf32>
      %mul3A_156 = arith.mulf %get3A_153, %mul3A_155 : vector<16xf32>
      %swap3A = arith.index_cast %scan3A_150 : i32 to index
      %swap3A_157 = arith.constant 0 : index
      %swap3A_158 = tpu.vector_load %arg9[%swap3A, %swap3A_157] {strides = array<i32>} : memref<128x128xf32, #tpu.memory_space<vmem>>, vector<1x16xf32>,
      %swap3A_159 = vector.shape_cast %swap3A_158 : vector<1x16xf32> to vector<16xf32>
      %swap3A_160 = vector.shape_cast %mul3A_156 : vector<16xf32> to vector<1x16xf32>
      tpu.vector_store %arg9[%swap3A, %swap3A_157], %swap3A_160 {strides = array<i32>} : memref<128x128xf32, #tpu.memory_space<vmem>>, vector<1x16xf32>,
      %get3A_161 = arith.index_cast %scan3A_150 : i32 to index
      %get3A_162 = arith.constant 16 : index
      %get3A_163 = tpu.vector_load %arg9[%get3A_161, %get3A_162] {strides = array<i32>} : memref<128x128xf32, #tpu.memory_space<vmem>>, vector<1x16xf32>,
      %get3A_164 = vector.shape_cast %get3A_163 : vector<1x16xf32> to vector<16xf32>
      %mul3A_165 = arith.constant 11.3137083 : f32
      %mul3A_166 = vector.broadcast %mul3A_165 : f32 to vector<16xf32>
      %mul3A_167 = arith.mulf %get3A_164, %mul3A_166 : vector<16xf32>
      %swap3A_168 = arith.index_cast %scan3A_150 : i32 to index
      %swap3A_169 = arith.constant 16 : index
      %swap3A_170 = tpu.vector_load %arg9[%swap3A_168, %swap3A_169] {strides = array<i32>} : memref<128x128xf32, #tpu.memory_space<vmem>>, vector<1x16xf32>,
      %swap3A_171 = vector.shape_cast %swap3A_170 : vector<1x16xf32> to vector<16xf32>
      %swap3A_172 = vector.shape_cast %mul3A_167 : vector<16xf32> to vector<1x16xf32>
      tpu.vector_store %arg9[%swap3A_168, %swap3A_169], %swap3A_172 {strides = array<i32>} : memref<128x128xf32, #tpu.memory_space<vmem>>, vector<1x16xf32>,
      %get3A_173 = arith.index_cast %scan3A_150 : i32 to index
      %get3A_174 = arith.constant 32 : index
      %get3A_175 = tpu.vector_load %arg9[%get3A_173, %get3A_174] {strides = array<i32>} : memref<128x128xf32, #tpu.memory_space<vmem>>, vector<1x16xf32>,
      %get3A_176 = vector.shape_cast %get3A_175 : vector<1x16xf32> to vector<16xf32>
      %mul3A_177 = arith.constant 11.3137083 : f32
      %mul3A_178 = vector.broadcast %mul3A_177 : f32 to vector<16xf32>
      %mul3A_179 = arith.mulf %get3A_176, %mul3A_178 : vector<16xf32>
      %swap3A_180 = arith.index_cast %scan3A_150 : i32 to index
      %swap3A_181 = arith.constant 32 : index
      %swap3A_182 = tpu.vector_load %arg9[%swap3A_180, %swap3A_181] {strides = array<i32>} : memref<128x128xf32, #tpu.memory_space<vmem>>, vector<1x16xf32>,
      %swap3A_183 = vector.shape_cast %swap3A_182 : vector<1x16xf32> to vector<16xf32>
      %swap3A_184 = vector.shape_cast %mul3A_179 : vector<16xf32> to vector<1x16xf32>
      tpu.vector_store %arg9[%swap3A_180, %swap3A_181], %swap3A_184 {strides = array<i32>} : memref<128x128xf32, #tpu.memory_space<vmem>>, vector<1x16xf32>,
      %get3A_185 = arith.index_cast %scan3A_150 : i32 to index
      %get3A_186 = arith.constant 48 : index
      %get3A_187 = tpu.vector_load %arg9[%get3A_185, %get3A_186] {strides = array<i32>} : memref<128x128xf32, #tpu.memory_space<vmem>>, vector<1x16xf32>,
      %get3A_188 = vector.shape_cast %get3A_187 : vector<1x16xf32> to vector<16xf32>
      %mul3A_189 = arith.constant 11.3137083 : f32
      %mul3A_190 = vector.broadcast %mul3A_189 : f32 to vector<16xf32>
      %mul3A_191 = arith.mulf %get3A_188, %mul3A_190 : vector<16xf32>
      %swap3A_192 = arith.index_cast %scan3A_150 : i32 to index
      %swap3A_193 = arith.constant 48 : index
      %swap3A_194 = tpu.vector_load %arg9[%swap3A_192, %swap3A_193] {strides = array<i32>} : memref<128x128xf32, #tpu.memory_space<vmem>>, vector<1x16xf32>,
      %swap3A_195 = vector.shape_cast %swap3A_194 : vector<1x16xf32> to vector<16xf32>
      %swap3A_196 = vector.shape_cast %mul3A_191 : vector<16xf32> to vector<1x16xf32>
      tpu.vector_store %arg9[%swap3A_192, %swap3A_193], %swap3A_196 {strides = array<i32>} : memref<128x128xf32, #tpu.memory_space<vmem>>, vector<1x16xf32>,
      %get3A_197 = arith.index_cast %scan3A_150 : i32 to index
      %get3A_198 = arith.constant 64 : index
      %get3A_199 = tpu.vector_load %arg9[%get3A_197, %get3A_198] {strides = array<i32>} : memref<128x128xf32, #tpu.memory_space<vmem>>, vector<1x16xf32>,
      %get3A_200 = vector.shape_cast %get3A_199 : vector<1x16xf32> to vector<16xf32>
      %mul3A_201 = arith.constant 11.3137083 : f32
      %mul3A_202 = vector.broadcast %mul3A_201 : f32 to vector<16xf32>
      %mul3A_203 = arith.mulf %get3A_200, %mul3A_202 : vector<16xf32>
      %swap3A_204 = arith.index_cast %scan3A_150 : i32 to index
      %swap3A_205 = arith.constant 64 : index
      %swap3A_206 = tpu.vector_load %arg9[%swap3A_204, %swap3A_205] {strides = array<i32>} : memref<128x128xf32, #tpu.memory_space<vmem>>, vector<1x16xf32>,
      %swap3A_207 = vector.shape_cast %swap3A_206 : vector<1x16xf32> to vector<16xf32>
      %swap3A_208 = vector.shape_cast %mul3A_203 : vector<16xf32> to vector<1x16xf32>
      tpu.vector_store %arg9[%swap3A_204, %swap3A_205], %swap3A_208 {strides = array<i32>} : memref<128x128xf32, #tpu.memory_space<vmem>>, vector<1x16xf32>,
      %get3A_209 = arith.index_cast %scan3A_150 : i32 to index
      %get3A_210 = arith.constant 80 : index
      %get3A_211 = tpu.vector_load %arg9[%get3A_209, %get3A_210] {strides = array<i32>} : memref<128x128xf32, #tpu.memory_space<vmem>>, vector<1x16xf32>,
      %get3A_212 = vector.shape_cast %get3A_211 : vector<1x16xf32> to vector<16xf32>
      %mul3A_213 = arith.constant 11.3137083 : f32
      %mul3A_214 = vector.broadcast %mul3A_213 : f32 to vector<16xf32>
      %mul3A_215 = arith.mulf %get3A_212, %mul3A_214 : vector<16xf32>
      %swap3A_216 = arith.index_cast %scan3A_150 : i32 to index
      %swap3A_217 = arith.constant 80 : index
      %swap3A_218 = tpu.vector_load %arg9[%swap3A_216, %swap3A_217] {strides = array<i32>} : memref<128x128xf32, #tpu.memory_space<vmem>>, vector<1x16xf32>,
      %swap3A_219 = vector.shape_cast %swap3A_218 : vector<1x16xf32> to vector<16xf32>
      %swap3A_220 = vector.shape_cast %mul3A_215 : vector<16xf32> to vector<1x16xf32>
      tpu.vector_store %arg9[%swap3A_216, %swap3A_217], %swap3A_220 {strides = array<i32>} : memref<128x128xf32, #tpu.memory_space<vmem>>, vector<1x16xf32>,
      %get3A_221 = arith.index_cast %scan3A_150 : i32 to index
      %get3A_222 = arith.constant 96 : index
      %get3A_223 = tpu.vector_load %arg9[%get3A_221, %get3A_222] {strides = array<i32>} : memref<128x128xf32, #tpu.memory_space<vmem>>, vector<1x16xf32>,
      %get3A_224 = vector.shape_cast %get3A_223 : vector<1x16xf32> to vector<16xf32>
      %mul3A_225 = arith.constant 11.3137083 : f32
      %mul3A_226 = vector.broadcast %mul3A_225 : f32 to vector<16xf32>
      %mul3A_227 = arith.mulf %get3A_224, %mul3A_226 : vector<16xf32>
      %swap3A_228 = arith.index_cast %scan3A_150 : i32 to index
      %swap3A_229 = arith.constant 96 : index
      %swap3A_230 = tpu.vector_load %arg9[%swap3A_228, %swap3A_229] {strides = array<i32>} : memref<128x128xf32, #tpu.memory_space<vmem>>, vector<1x16xf32>,
      %swap3A_231 = vector.shape_cast %swap3A_230 : vector<1x16xf32> to vector<16xf32>
      %swap3A_232 = vector.shape_cast %mul3A_227 : vector<16xf32> to vector<1x16xf32>
      tpu.vector_store %arg9[%swap3A_228, %swap3A_229], %swap3A_232 {strides = array<i32>} : memref<128x128xf32, #tpu.memory_space<vmem>>, vector<1x16xf32>,
      %get3A_233 = arith.index_cast %scan3A_150 : i32 to index
      %get3A_234 = arith.constant 112 : index
      %get3A_235 = tpu.vector_load %arg9[%get3A_233, %get3A_234] {strides = array<i32>} : memref<128x128xf32, #tpu.memory_space<vmem>>, vector<1x16xf32>,
      %get3A_236 = vector.shape_cast %get3A_235 : vector<1x16xf32> to vector<16xf32>
      %mul3A_237 = arith.constant 11.3137083 : f32
      %mul3A_238 = vector.broadcast %mul3A_237 : f32 to vector<16xf32>
      %mul3A_239 = arith.mulf %get3A_236, %mul3A_238 : vector<16xf32>
      %swap3A_240 = arith.index_cast %scan3A_150 : i32 to index
      %swap3A_241 = arith.constant 112 : index
      %swap3A_242 = tpu.vector_load %arg9[%swap3A_240, %swap3A_241] {strides = array<i32>} : memref<128x128xf32, #tpu.memory_space<vmem>>, vector<1x16xf32>,
      %swap3A_243 = vector.shape_cast %swap3A_242 : vector<1x16xf32> to vector<16xf32>
      %swap3A_244 = vector.shape_cast %mul3A_239 : vector<16xf32> to vector<1x16xf32>
      tpu.vector_store %arg9[%swap3A_240, %swap3A_241], %swap3A_244 {strides = array<i32>} : memref<128x128xf32, #tpu.memory_space<vmem>>, vector<1x16xf32>,
      %scan3A_245 = arith.constant 1 : i32
      %scan3A_246 = arith.addi %scan3A_150, %scan3A_245 : i32
      %get3A_247 = arith.index_cast %scan3A_246 : i32 to index
      %get3A_248 = arith.constant 0 : index
      %get3A_249 = tpu.vector_load %arg9[%get3A_247, %get3A_248] {strides = array<i32>} : memref<128x128xf32, #tpu.memory_space<vmem>>, vector<1x16xf32>,
      %get3A_250 = vector.shape_cast %get3A_249 : vector<1x16xf32> to vector<16xf32>
      %mul3A_251 = arith.constant 11.3137083 : f32
      %mul3A_252 = vector.broadcast %mul3A_251 : f32 to vector<16xf32>
      %mul3A_253 = arith.mulf %get3A_250, %mul3A_252 : vector<16xf32>
      %swap3A_254 = arith.index_cast %scan3A_246 : i32 to index
      %swap3A_255 = arith.constant 0 : index
      %swap3A_256 = tpu.vector_load %arg9[%swap3A_254, %swap3A_255] {strides = array<i32>} : memref<128x128xf32, #tpu.memory_space<vmem>>, vector<1x16xf32>,
      %swap3A_257 = vector.shape_cast %swap3A_256 : vector<1x16xf32> to vector<16xf32>
      %swap3A_258 = vector.shape_cast %mul3A_253 : vector<16xf32> to vector<1x16xf32>
      tpu.vector_store %arg9[%swap3A_254, %swap3A_255], %swap3A_258 {strides = array<i32>} : memref<128x128xf32, #tpu.memory_space<vmem>>, vector<1x16xf32>,
      %get3A_259 = arith.index_cast %scan3A_246 : i32 to index
      %get3A_260 = arith.constant 16 : index
      %get3A_261 = tpu.vector_load %arg9[%get3A_259, %get3A_260] {strides = array<i32>} : memref<128x128xf32, #tpu.memory_space<vmem>>, vector<1x16xf32>,
      %get3A_262 = vector.shape_cast %get3A_261 : vector<1x16xf32> to vector<16xf32>
      %mul3A_263 = arith.constant 11.3137083 : f32
      %mul3A_264 = vector.broadcast %mul3A_263 : f32 to vector<16xf32>
      %mul3A_265 = arith.mulf %get3A_262, %mul3A_264 : vector<16xf32>
      %swap3A_266 = arith.index_cast %scan3A_246 : i32 to index
      %swap3A_267 = arith.constant 16 : index
      %swap3A_268 = tpu.vector_load %arg9[%swap3A_266, %swap3A_267] {strides = array<i32>} : memref<128x128xf32, #tpu.memory_space<vmem>>, vector<1x16xf32>,
      %swap3A_269 = vector.shape_cast %swap3A_268 : vector<1x16xf32> to vector<16xf32>
      %swap3A_270 = vector.shape_cast %mul3A_265 : vector<16xf32> to vector<1x16xf32>
      tpu.vector_store %arg9[%swap3A_266, %swap3A_267], %swap3A_270 {strides = array<i32>} : memref<128x128xf32, #tpu.memory_space<vmem>>, vector<1x16xf32>,
      %get3A_271 = arith.index_cast %scan3A_246 : i32 to index
      %get3A_272 = arith.constant 32 : index
      %get3A_273 = tpu.vector_load %arg9[%get3A_271, %get3A_272] {strides = array<i32>} : memref<128x128xf32, #tpu.memory_space<vmem>>, vector<1x16xf32>,
      %get3A_274 = vector.shape_cast %get3A_273 : vector<1x16xf32> to vector<16xf32>
      %mul3A_275 = arith.constant 11.3137083 : f32
      %mul3A_276 = vector.broadcast %mul3A_275 : f32 to vector<16xf32>
      %mul3A_277 = arith.mulf %get3A_274, %mul3A_276 : vector<16xf32>
      %swap3A_278 = arith.index_cast %scan3A_246 : i32 to index
      %swap3A_279 = arith.constant 32 : index
      %swap3A_280 = tpu.vector_load %arg9[%swap3A_278, %swap3A_279] {strides = array<i32>} : memref<128x128xf32, #tpu.memory_space<vmem>>, vector<1x16xf32>,
      %swap3A_281 = vector.shape_cast %swap3A_280 : vector<1x16xf32> to vector<16xf32>
      %swap3A_282 = vector.shape_cast %mul3A_277 : vector<16xf32> to vector<1x16xf32>
      tpu.vector_store %arg9[%swap3A_278, %swap3A_279], %swap3A_282 {strides = array<i32>} : memref<128x128xf32, #tpu.memory_space<vmem>>, vector<1x16xf32>,
      %get3A_283 = arith.index_cast %scan3A_246 : i32 to index
      %get3A_284 = arith.constant 48 : index
      %get3A_285 = tpu.vector_load %arg9[%get3A_283, %get3A_284] {strides = array<i32>} : memref<128x128xf32, #tpu.memory_space<vmem>>, vector<1x16xf32>,
      %get3A_286 = vector.shape_cast %get3A_285 : vector<1x16xf32> to vector<16xf32>
      %mul3A_287 = arith.constant 11.3137083 : f32
      %mul3A_288 = vector.broadcast %mul3A_287 : f32 to vector<16xf32>
      %mul3A_289 = arith.mulf %get3A_286, %mul3A_288 : vector<16xf32>
      %swap3A_290 = arith.index_cast %scan3A_246 : i32 to index
      %swap3A_291 = arith.constant 48 : index
      %swap3A_292 = tpu.vector_load %arg9[%swap3A_290, %swap3A_291] {strides = array<i32>} : memref<128x128xf32, #tpu.memory_space<vmem>>, vector<1x16xf32>,
      %swap3A_293 = vector.shape_cast %swap3A_292 : vector<1x16xf32> to vector<16xf32>
      %swap3A_294 = vector.shape_cast %mul3A_289 : vector<16xf32> to vector<1x16xf32>
      tpu.vector_store %arg9[%swap3A_290, %swap3A_291], %swap3A_294 {strides = array<i32>} : memref<128x128xf32, #tpu.memory_space<vmem>>, vector<1x16xf32>,
      %get3A_295 = arith.index_cast %scan3A_246 : i32 to index
      %get3A_296 = arith.constant 64 : index
      %get3A_297 = tpu.vector_load %arg9[%get3A_295, %get3A_296] {strides = array<i32>} : memref<128x128xf32, #tpu.memory_space<vmem>>, vector<1x16xf32>,
      %get3A_298 = vector.shape_cast %get3A_297 : vector<1x16xf32> to vector<16xf32>
      %mul3A_299 = arith.constant 11.3137083 : f32
      %mul3A_300 = vector.broadcast %mul3A_299 : f32 to vector<16xf32>
      %mul3A_301 = arith.mulf %get3A_298, %mul3A_300 : vector<16xf32>
      %swap3A_302 = arith.index_cast %scan3A_246 : i32 to index
      %swap3A_303 = arith.constant 64 : index
      %swap3A_304 = tpu.vector_load %arg9[%swap3A_302, %swap3A_303] {strides = array<i32>} : memref<128x128xf32, #tpu.memory_space<vmem>>, vector<1x16xf32>,
      %swap3A_305 = vector.shape_cast %swap3A_304 : vector<1x16xf32> to vector<16xf32>
      %swap3A_306 = vector.shape_cast %mul3A_301 : vector<16xf32> to vector<1x16xf32>
      tpu.vector_store %arg9[%swap3A_302, %swap3A_303], %swap3A_306 {strides = array<i32>} : memref<128x128xf32, #tpu.memory_space<vmem>>, vector<1x16xf32>,
      %get3A_307 = arith.index_cast %scan3A_246 : i32 to index
      %get3A_308 = arith.constant 80 : index
      %get3A_309 = tpu.vector_load %arg9[%get3A_307, %get3A_308] {strides = array<i32>} : memref<128x128xf32, #tpu.memory_space<vmem>>, vector<1x16xf32>,
      %get3A_310 = vector.shape_cast %get3A_309 : vector<1x16xf32> to vector<16xf32>
      %mul3A_311 = arith.constant 11.3137083 : f32
      %mul3A_312 = vector.broadcast %mul3A_311 : f32 to vector<16xf32>
      %mul3A_313 = arith.mulf %get3A_310, %mul3A_312 : vector<16xf32>
      %swap3A_314 = arith.index_cast %scan3A_246 : i32 to index
      %swap3A_315 = arith.constant 80 : index
      %swap3A_316 = tpu.vector_load %arg9[%swap3A_314, %swap3A_315] {strides = array<i32>} : memref<128x128xf32, #tpu.memory_space<vmem>>, vector<1x16xf32>,
      %swap3A_317 = vector.shape_cast %swap3A_316 : vector<1x16xf32> to vector<16xf32>
      %swap3A_318 = vector.shape_cast %mul3A_313 : vector<16xf32> to vector<1x16xf32>
      tpu.vector_store %arg9[%swap3A_314, %swap3A_315], %swap3A_318 {strides = array<i32>} : memref<128x128xf32, #tpu.memory_space<vmem>>, vector<1x16xf32>,
      %get3A_319 = arith.index_cast %scan3A_246 : i32 to index
      %get3A_320 = arith.constant 96 : index
      %get3A_321 = tpu.vector_load %arg9[%get3A_319, %get3A_320] {strides = array<i32>} : memref<128x128xf32, #tpu.memory_space<vmem>>, vector<1x16xf32>,
      %get3A_322 = vector.shape_cast %get3A_321 : vector<1x16xf32> to vector<16xf32>
      %mul3A_323 = arith.constant 11.3137083 : f32
      %mul3A_324 = vector.broadcast %mul3A_323 : f32 to vector<16xf32>
      %mul3A_325 = arith.mulf %get3A_322, %mul3A_324 : vector<16xf32>
      %swap3A_326 = arith.index_cast %scan3A_246 : i32 to index
      %swap3A_327 = arith.constant 96 : index
      %swap3A_328 = tpu.vector_load %arg9[%swap3A_326, %swap3A_327] {strides = array<i32>} : memref<128x128xf32, #tpu.memory_space<vmem>>, vector<1x16xf32>,
      %swap3A_329 = vector.shape_cast %swap3A_328 : vector<1x16xf32> to vector<16xf32>
      %swap3A_330 = vector.shape_cast %mul3A_325 : vector<16xf32> to vector<1x16xf32>
      tpu.vector_store %arg9[%swap3A_326, %swap3A_327], %swap3A_330 {strides = array<i32>} : memref<128x128xf32, #tpu.memory_space<vmem>>, vector<1x16xf32>,
      %get3A_331 = arith.index_cast %scan3A_246 : i32 to index
      %get3A_332 = arith.constant 112 : index
      %get3A_333 = tpu.vector_load %arg9[%get3A_331, %get3A_332] {strides = array<i32>} : memref<128x128xf32, #tpu.memory_space<vmem>>, vector<1x16xf32>,
      %get3A_334 = vector.shape_cast %get3A_333 : vector<1x16xf32> to vector<16xf32>
      %mul3A_335 = arith.constant 11.3137083 : f32
      %mul3A_336 = vector.broadcast %mul3A_335 : f32 to vector<16xf32>
      %mul3A_337 = arith.mulf %get3A_334, %mul3A_336 : vector<16xf32>
      %swap3A_338 = arith.index_cast %scan3A_246 : i32 to index
      %swap3A_339 = arith.constant 112 : index
      %swap3A_340 = tpu.vector_load %arg9[%swap3A_338, %swap3A_339] {strides = array<i32>} : memref<128x128xf32, #tpu.memory_space<vmem>>, vector<1x16xf32>,
      %swap3A_341 = vector.shape_cast %swap3A_340 : vector<1x16xf32> to vector<16xf32>
      %swap3A_342 = vector.shape_cast %mul3A_337 : vector<16xf32> to vector<1x16xf32>
      tpu.vector_store %arg9[%swap3A_338, %swap3A_339], %swap3A_342 {strides = array<i32>} : memref<128x128xf32, #tpu.memory_space<vmem>>, vector<1x16xf32>,
    }
    %scan3A_109 = arith.constant 128 : i32
    %add3A_110 = arith.constant 384 : i32
    %add3A_111 = arith.addi %mul3A_2, %add3A_110 : i32
    "tpu.region"() ({
      %run_scoped3A = tpu.sem_alloc : memref<!tpu.dma_semaphore, #tpu.memory_space<semaphore_mem>>
      %dma_start3A_150 = arith.constant 0 : i32
      %dma_start3A_151 = tpu.memref_slice %arg4[%add3A_111, %dma_start3A_150] : memref<204800x128xf32, #tpu.memory_space<hbm>> -> memref<128x128xf32, #tpu.memory_space<hbm>>
      %dma_start3A_152 = arith.constant 0 : i32
      %dma_start3A_153 = tpu.memref_slice %arg4[%add3A_111, %dma_start3A_152] : memref<204800x128xf32, #tpu.memory_space<hbm>> -> memref<128x128xf32, #tpu.memory_space<hbm>>
      tpu.enqueue_dma source(%arg9 : memref<128x128xf32, #tpu.memory_space<vmem>>) target(%dma_start3A_153 : memref<128x128xf32, #tpu.memory_space<hbm>>) target_semaphore(%run_scoped3A : memref<!tpu.dma_semaphore, #tpu.memory_space<semaphore_mem>>)
      %dma_wait3A_154 = arith.constant 0 : i32
      %dma_wait3A_155 = tpu.memref_slice %arg4[%add3A_111, %dma_wait3A_154] : memref<204800x128xf32, #tpu.memory_space<hbm>> -> memref<128x128xf32, #tpu.memory_space<hbm>>
      %dma_wait3A_156 = arith.constant 0 : i32
      %dma_wait3A_157 = tpu.memref_slice %arg4[%add3A_111, %dma_wait3A_156] : memref<204800x128xf32, #tpu.memory_space<hbm>> -> memref<128x128xf32, #tpu.memory_space<hbm>>
      tpu.wait_dma2 semaphore(%run_scoped3A : memref<!tpu.dma_semaphore, #tpu.memory_space<semaphore_mem>>) src(%arg9 : memref<128x128xf32, #tpu.memory_space<vmem>>) dst(%dma_wait3A_157 : memref<128x128xf32, #tpu.memory_space<hbm>>)
      tpu.yield
    }) : () -> ()
    %dma_start3A_112 = arith.constant 0 : i32
    %dma_start3A_113 = arith.constant 0 : i32
    %dma_start3A_114 = tpu.memref_slice %arg7[%dma_start3A_112, %dma_start3A_113] : memref<128x128xf32, #tpu.memory_space<vmem>> -> memref<128x128xf32, #tpu.memory_space<vmem>>
    %dma_start3A_115 = arith.constant 768 : i32
    %dma_start3A_116 = tpu.memref_slice %arg5[%dma_start3A_115] : memref<6400xi32, #tpu.memory_space<vmem>> -> memref<128xi32, #tpu.memory_space<vmem>>
    %dma_start3A_117 = arith.constant 0 : i32
    %dma_start3A_118 = arith.constant 0 : i32
    %dma_start3A_119 = tpu.memref_slice %arg3[%dma_start3A_117, %dma_start3A_118] : memref<100000x128xf32, #tpu.memory_space<hbm>> -> memref<100000x128xf32, #tpu.memory_space<hbm>>
    tpu.enqueue_indirect_dma source(%dma_start3A_119 : memref<100000x128xf32, #tpu.memory_space<hbm>>) target(%dma_start3A_114 : memref<128x128xf32, #tpu.memory_space<vmem>>) offsets(%dma_start3A_116 : memref<128xi32, #tpu.memory_space<vmem>>) semaphore(%arg12 : memref<!tpu.dma_semaphore, #tpu.memory_space<semaphore_mem>>)
    %dma_wait3A_120 = arith.constant 0 : i32
    %dma_wait3A_121 = arith.constant 0 : i32
    %dma_wait3A_122 = tpu.memref_slice %arg10[%dma_wait3A_120, %dma_wait3A_121] : memref<128x128xf32, #tpu.memory_space<vmem>> -> memref<128x128xf32, #tpu.memory_space<vmem>>
    %dma_wait3A_123 = arith.constant 512 : i32
    %dma_wait3A_124 = tpu.memref_slice %arg5[%dma_wait3A_123] : memref<6400xi32, #tpu.memory_space<vmem>> -> memref<128xi32, #tpu.memory_space<vmem>>
    %dma_wait3A_125 = arith.constant 0 : i32
    %dma_wait3A_126 = arith.constant 0 : i32
    %dma_wait3A_127 = tpu.memref_slice %arg3[%dma_wait3A_125, %dma_wait3A_126] : memref<100000x128xf32, #tpu.memory_space<hbm>> -> memref<100000x128xf32, #tpu.memory_space<hbm>>
    tpu.wait_indirect_dma semaphore(%arg15 : memref<!tpu.dma_semaphore, #tpu.memory_space<semaphore_mem>>) src(%dma_wait3A_127 : memref<100000x128xf32, #tpu.memory_space<hbm>>) dst(%dma_wait3A_122 : memref<128x128xf32, #tpu.memory_space<vmem>>)
    %scan3A_128 = arith.constant 0 : i32
    %scan3A_129 = arith.constant 0 : i32
    %scan3A_130 = arith.constant 128 : i32
    %scan3A_131 = arith.addi %scan3A_129, %scan3A_130 : i32
    %scan3A_132 = arith.constant 2 : i32
    scf.for %scan3A_150 = %scan3A_129 to %scan3A_131 step %scan3A_132  : i32 {
      %get3A = arith.index_cast %scan3A_150 : i32 to index
      %get3A_151 = arith.constant 0 : index
      %get3A_152 = tpu.vector_load %arg10[%get3A, %get3A_151] {strides = array<i32>} : memref<128x128xf32, #tpu.memory_space<vmem>>, vector<1x16xf32>,
      %get3A_153 = vector.shape_cast %get3A_152 : vector<1x16xf32> to vector<16xf32>
      %mul3A_154 = arith.constant 11.3137083 : f32
      %mul3A_155 = vector.broadcast %mul3A_154 : f32 to vector<16xf32>
      %mul3A_156 = arith.mulf %get3A_153, %mul3A_155 : vector<16xf32>
      %swap3A = arith.index_cast %scan3A_150 : i32 to index
      %swap3A_157 = arith.constant 0 : index
      %swap3A_158 = tpu.vector_load %arg10[%swap3A, %swap3A_157] {strides = array<i32>} : memref<128x128xf32, #tpu.memory_space<vmem>>, vector<1x16xf32>,
      %swap3A_159 = vector.shape_cast %swap3A_158 : vector<1x16xf32> to vector<16xf32>
      %swap3A_160 = vector.shape_cast %mul3A_156 : vector<16xf32> to vector<1x16xf32>
      tpu.vector_store %arg10[%swap3A, %swap3A_157], %swap3A_160 {strides = array<i32>} : memref<128x128xf32, #tpu.memory_space<vmem>>, vector<1x16xf32>,
      %get3A_161 = arith.index_cast %scan3A_150 : i32 to index
      %get3A_162 = arith.constant 16 : index
      %get3A_163 = tpu.vector_load %arg10[%get3A_161, %get3A_162] {strides = array<i32>} : memref<128x128xf32, #tpu.memory_space<vmem>>, vector<1x16xf32>,
      %get3A_164 = vector.shape_cast %get3A_163 : vector<1x16xf32> to vector<16xf32>
      %mul3A_165 = arith.constant 11.3137083 : f32
      %mul3A_166 = vector.broadcast %mul3A_165 : f32 to vector<16xf32>
      %mul3A_167 = arith.mulf %get3A_164, %mul3A_166 : vector<16xf32>
      %swap3A_168 = arith.index_cast %scan3A_150 : i32 to index
      %swap3A_169 = arith.constant 16 : index
      %swap3A_170 = tpu.vector_load %arg10[%swap3A_168, %swap3A_169] {strides = array<i32>} : memref<128x128xf32, #tpu.memory_space<vmem>>, vector<1x16xf32>,
      %swap3A_171 = vector.shape_cast %swap3A_170 : vector<1x16xf32> to vector<16xf32>
      %swap3A_172 = vector.shape_cast %mul3A_167 : vector<16xf32> to vector<1x16xf32>
      tpu.vector_store %arg10[%swap3A_168, %swap3A_169], %swap3A_172 {strides = array<i32>} : memref<128x128xf32, #tpu.memory_space<vmem>>, vector<1x16xf32>,
      %get3A_173 = arith.index_cast %scan3A_150 : i32 to index
      %get3A_174 = arith.constant 32 : index
      %get3A_175 = tpu.vector_load %arg10[%get3A_173, %get3A_174] {strides = array<i32>} : memref<128x128xf32, #tpu.memory_space<vmem>>, vector<1x16xf32>,
      %get3A_176 = vector.shape_cast %get3A_175 : vector<1x16xf32> to vector<16xf32>
      %mul3A_177 = arith.constant 11.3137083 : f32
      %mul3A_178 = vector.broadcast %mul3A_177 : f32 to vector<16xf32>
      %mul3A_179 = arith.mulf %get3A_176, %mul3A_178 : vector<16xf32>
      %swap3A_180 = arith.index_cast %scan3A_150 : i32 to index
      %swap3A_181 = arith.constant 32 : index
      %swap3A_182 = tpu.vector_load %arg10[%swap3A_180, %swap3A_181] {strides = array<i32>} : memref<128x128xf32, #tpu.memory_space<vmem>>, vector<1x16xf32>,
      %swap3A_183 = vector.shape_cast %swap3A_182 : vector<1x16xf32> to vector<16xf32>
      %swap3A_184 = vector.shape_cast %mul3A_179 : vector<16xf32> to vector<1x16xf32>
      tpu.vector_store %arg10[%swap3A_180, %swap3A_181], %swap3A_184 {strides = array<i32>} : memref<128x128xf32, #tpu.memory_space<vmem>>, vector<1x16xf32>,
      %get3A_185 = arith.index_cast %scan3A_150 : i32 to index
      %get3A_186 = arith.constant 48 : index
      %get3A_187 = tpu.vector_load %arg10[%get3A_185, %get3A_186] {strides = array<i32>} : memref<128x128xf32, #tpu.memory_space<vmem>>, vector<1x16xf32>,
      %get3A_188 = vector.shape_cast %get3A_187 : vector<1x16xf32> to vector<16xf32>
      %mul3A_189 = arith.constant 11.3137083 : f32
      %mul3A_190 = vector.broadcast %mul3A_189 : f32 to vector<16xf32>
      %mul3A_191 = arith.mulf %get3A_188, %mul3A_190 : vector<16xf32>
      %swap3A_192 = arith.index_cast %scan3A_150 : i32 to index
      %swap3A_193 = arith.constant 48 : index
      %swap3A_194 = tpu.vector_load %arg10[%swap3A_192, %swap3A_193] {strides = array<i32>} : memref<128x128xf32, #tpu.memory_space<vmem>>, vector<1x16xf32>,
      %swap3A_195 = vector.shape_cast %swap3A_194 : vector<1x16xf32> to vector<16xf32>
      %swap3A_196 = vector.shape_cast %mul3A_191 : vector<16xf32> to vector<1x16xf32>
      tpu.vector_store %arg10[%swap3A_192, %swap3A_193], %swap3A_196 {strides = array<i32>} : memref<128x128xf32, #tpu.memory_space<vmem>>, vector<1x16xf32>,
      %get3A_197 = arith.index_cast %scan3A_150 : i32 to index
      %get3A_198 = arith.constant 64 : index
      %get3A_199 = tpu.vector_load %arg10[%get3A_197, %get3A_198] {strides = array<i32>} : memref<128x128xf32, #tpu.memory_space<vmem>>, vector<1x16xf32>,
      %get3A_200 = vector.shape_cast %get3A_199 : vector<1x16xf32> to vector<16xf32>
      %mul3A_201 = arith.constant 11.3137083 : f32
      %mul3A_202 = vector.broadcast %mul3A_201 : f32 to vector<16xf32>
      %mul3A_203 = arith.mulf %get3A_200, %mul3A_202 : vector<16xf32>
      %swap3A_204 = arith.index_cast %scan3A_150 : i32 to index
      %swap3A_205 = arith.constant 64 : index
      %swap3A_206 = tpu.vector_load %arg10[%swap3A_204, %swap3A_205] {strides = array<i32>} : memref<128x128xf32, #tpu.memory_space<vmem>>, vector<1x16xf32>,
      %swap3A_207 = vector.shape_cast %swap3A_206 : vector<1x16xf32> to vector<16xf32>
      %swap3A_208 = vector.shape_cast %mul3A_203 : vector<16xf32> to vector<1x16xf32>
      tpu.vector_store %arg10[%swap3A_204, %swap3A_205], %swap3A_208 {strides = array<i32>} : memref<128x128xf32, #tpu.memory_space<vmem>>, vector<1x16xf32>,
      %get3A_209 = arith.index_cast %scan3A_150 : i32 to index
      %get3A_210 = arith.constant 80 : index
      %get3A_211 = tpu.vector_load %arg10[%get3A_209, %get3A_210] {strides = array<i32>} : memref<128x128xf32, #tpu.memory_space<vmem>>, vector<1x16xf32>,
      %get3A_212 = vector.shape_cast %get3A_211 : vector<1x16xf32> to vector<16xf32>
      %mul3A_213 = arith.constant 11.3137083 : f32
      %mul3A_214 = vector.broadcast %mul3A_213 : f32 to vector<16xf32>
      %mul3A_215 = arith.mulf %get3A_212, %mul3A_214 : vector<16xf32>
      %swap3A_216 = arith.index_cast %scan3A_150 : i32 to index
      %swap3A_217 = arith.constant 80 : index
      %swap3A_218 = tpu.vector_load %arg10[%swap3A_216, %swap3A_217] {strides = array<i32>} : memref<128x128xf32, #tpu.memory_space<vmem>>, vector<1x16xf32>,
      %swap3A_219 = vector.shape_cast %swap3A_218 : vector<1x16xf32> to vector<16xf32>
      %swap3A_220 = vector.shape_cast %mul3A_215 : vector<16xf32> to vector<1x16xf32>
      tpu.vector_store %arg10[%swap3A_216, %swap3A_217], %swap3A_220 {strides = array<i32>} : memref<128x128xf32, #tpu.memory_space<vmem>>, vector<1x16xf32>,
      %get3A_221 = arith.index_cast %scan3A_150 : i32 to index
      %get3A_222 = arith.constant 96 : index
      %get3A_223 = tpu.vector_load %arg10[%get3A_221, %get3A_222] {strides = array<i32>} : memref<128x128xf32, #tpu.memory_space<vmem>>, vector<1x16xf32>,
      %get3A_224 = vector.shape_cast %get3A_223 : vector<1x16xf32> to vector<16xf32>
      %mul3A_225 = arith.constant 11.3137083 : f32
      %mul3A_226 = vector.broadcast %mul3A_225 : f32 to vector<16xf32>
      %mul3A_227 = arith.mulf %get3A_224, %mul3A_226 : vector<16xf32>
      %swap3A_228 = arith.index_cast %scan3A_150 : i32 to index
      %swap3A_229 = arith.constant 96 : index
      %swap3A_230 = tpu.vector_load %arg10[%swap3A_228, %swap3A_229] {strides = array<i32>} : memref<128x128xf32, #tpu.memory_space<vmem>>, vector<1x16xf32>,
      %swap3A_231 = vector.shape_cast %swap3A_230 : vector<1x16xf32> to vector<16xf32>
      %swap3A_232 = vector.shape_cast %mul3A_227 : vector<16xf32> to vector<1x16xf32>
      tpu.vector_store %arg10[%swap3A_228, %swap3A_229], %swap3A_232 {strides = array<i32>} : memref<128x128xf32, #tpu.memory_space<vmem>>, vector<1x16xf32>,
      %get3A_233 = arith.index_cast %scan3A_150 : i32 to index
      %get3A_234 = arith.constant 112 : index
      %get3A_235 = tpu.vector_load %arg10[%get3A_233, %get3A_234] {strides = array<i32>} : memref<128x128xf32, #tpu.memory_space<vmem>>, vector<1x16xf32>,
      %get3A_236 = vector.shape_cast %get3A_235 : vector<1x16xf32> to vector<16xf32>
      %mul3A_237 = arith.constant 11.3137083 : f32
      %mul3A_238 = vector.broadcast %mul3A_237 : f32 to vector<16xf32>
      %mul3A_239 = arith.mulf %get3A_236, %mul3A_238 : vector<16xf32>
      %swap3A_240 = arith.index_cast %scan3A_150 : i32 to index
      %swap3A_241 = arith.constant 112 : index
      %swap3A_242 = tpu.vector_load %arg10[%swap3A_240, %swap3A_241] {strides = array<i32>} : memref<128x128xf32, #tpu.memory_space<vmem>>, vector<1x16xf32>,
      %swap3A_243 = vector.shape_cast %swap3A_242 : vector<1x16xf32> to vector<16xf32>
      %swap3A_244 = vector.shape_cast %mul3A_239 : vector<16xf32> to vector<1x16xf32>
      tpu.vector_store %arg10[%swap3A_240, %swap3A_241], %swap3A_244 {strides = array<i32>} : memref<128x128xf32, #tpu.memory_space<vmem>>, vector<1x16xf32>,
      %scan3A_245 = arith.constant 1 : i32
      %scan3A_246 = arith.addi %scan3A_150, %scan3A_245 : i32
      %get3A_247 = arith.index_cast %scan3A_246 : i32 to index
      %get3A_248 = arith.constant 0 : index
      %get3A_249 = tpu.vector_load %arg10[%get3A_247, %get3A_248] {strides = array<i32>} : memref<128x128xf32, #tpu.memory_space<vmem>>, vector<1x16xf32>,
      %get3A_250 = vector.shape_cast %get3A_249 : vector<1x16xf32> to vector<16xf32>
      %mul3A_251 = arith.constant 11.3137083 : f32
      %mul3A_252 = vector.broadcast %mul3A_251 : f32 to vector<16xf32>
      %mul3A_253 = arith.mulf %get3A_250, %mul3A_252 : vector<16xf32>
      %swap3A_254 = arith.index_cast %scan3A_246 : i32 to index
      %swap3A_255 = arith.constant 0 : index
      %swap3A_256 = tpu.vector_load %arg10[%swap3A_254, %swap3A_255] {strides = array<i32>} : memref<128x128xf32, #tpu.memory_space<vmem>>, vector<1x16xf32>,
      %swap3A_257 = vector.shape_cast %swap3A_256 : vector<1x16xf32> to vector<16xf32>
      %swap3A_258 = vector.shape_cast %mul3A_253 : vector<16xf32> to vector<1x16xf32>
      tpu.vector_store %arg10[%swap3A_254, %swap3A_255], %swap3A_258 {strides = array<i32>} : memref<128x128xf32, #tpu.memory_space<vmem>>, vector<1x16xf32>,
      %get3A_259 = arith.index_cast %scan3A_246 : i32 to index
      %get3A_260 = arith.constant 16 : index
      %get3A_261 = tpu.vector_load %arg10[%get3A_259, %get3A_260] {strides = array<i32>} : memref<128x128xf32, #tpu.memory_space<vmem>>, vector<1x16xf32>,
      %get3A_262 = vector.shape_cast %get3A_261 : vector<1x16xf32> to vector<16xf32>
      %mul3A_263 = arith.constant 11.3137083 : f32
      %mul3A_264 = vector.broadcast %mul3A_263 : f32 to vector<16xf32>
      %mul3A_265 = arith.mulf %get3A_262, %mul3A_264 : vector<16xf32>
      %swap3A_266 = arith.index_cast %scan3A_246 : i32 to index
      %swap3A_267 = arith.constant 16 : index
      %swap3A_268 = tpu.vector_load %arg10[%swap3A_266, %swap3A_267] {strides = array<i32>} : memref<128x128xf32, #tpu.memory_space<vmem>>, vector<1x16xf32>,
      %swap3A_269 = vector.shape_cast %swap3A_268 : vector<1x16xf32> to vector<16xf32>
      %swap3A_270 = vector.shape_cast %mul3A_265 : vector<16xf32> to vector<1x16xf32>
      tpu.vector_store %arg10[%swap3A_266, %swap3A_267], %swap3A_270 {strides = array<i32>} : memref<128x128xf32, #tpu.memory_space<vmem>>, vector<1x16xf32>,
      %get3A_271 = arith.index_cast %scan3A_246 : i32 to index
      %get3A_272 = arith.constant 32 : index
      %get3A_273 = tpu.vector_load %arg10[%get3A_271, %get3A_272] {strides = array<i32>} : memref<128x128xf32, #tpu.memory_space<vmem>>, vector<1x16xf32>,
      %get3A_274 = vector.shape_cast %get3A_273 : vector<1x16xf32> to vector<16xf32>
      %mul3A_275 = arith.constant 11.3137083 : f32
      %mul3A_276 = vector.broadcast %mul3A_275 : f32 to vector<16xf32>
      %mul3A_277 = arith.mulf %get3A_274, %mul3A_276 : vector<16xf32>
      %swap3A_278 = arith.index_cast %scan3A_246 : i32 to index
      %swap3A_279 = arith.constant 32 : index
      %swap3A_280 = tpu.vector_load %arg10[%swap3A_278, %swap3A_279] {strides = array<i32>} : memref<128x128xf32, #tpu.memory_space<vmem>>, vector<1x16xf32>,
      %swap3A_281 = vector.shape_cast %swap3A_280 : vector<1x16xf32> to vector<16xf32>
      %swap3A_282 = vector.shape_cast %mul3A_277 : vector<16xf32> to vector<1x16xf32>
      tpu.vector_store %arg10[%swap3A_278, %swap3A_279], %swap3A_282 {strides = array<i32>} : memref<128x128xf32, #tpu.memory_space<vmem>>, vector<1x16xf32>,
      %get3A_283 = arith.index_cast %scan3A_246 : i32 to index
      %get3A_284 = arith.constant 48 : index
      %get3A_285 = tpu.vector_load %arg10[%get3A_283, %get3A_284] {strides = array<i32>} : memref<128x128xf32, #tpu.memory_space<vmem>>, vector<1x16xf32>,
      %get3A_286 = vector.shape_cast %get3A_285 : vector<1x16xf32> to vector<16xf32>
      %mul3A_287 = arith.constant 11.3137083 : f32
      %mul3A_288 = vector.broadcast %mul3A_287 : f32 to vector<16xf32>
      %mul3A_289 = arith.mulf %get3A_286, %mul3A_288 : vector<16xf32>
      %swap3A_290 = arith.index_cast %scan3A_246 : i32 to index
      %swap3A_291 = arith.constant 48 : index
      %swap3A_292 = tpu.vector_load %arg10[%swap3A_290, %swap3A_291] {strides = array<i32>} : memref<128x128xf32, #tpu.memory_space<vmem>>, vector<1x16xf32>,
      %swap3A_293 = vector.shape_cast %swap3A_292 : vector<1x16xf32> to vector<16xf32>
      %swap3A_294 = vector.shape_cast %mul3A_289 : vector<16xf32> to vector<1x16xf32>
      tpu.vector_store %arg10[%swap3A_290, %swap3A_291], %swap3A_294 {strides = array<i32>} : memref<128x128xf32, #tpu.memory_space<vmem>>, vector<1x16xf32>,
      %get3A_295 = arith.index_cast %scan3A_246 : i32 to index
      %get3A_296 = arith.constant 64 : index
      %get3A_297 = tpu.vector_load %arg10[%get3A_295, %get3A_296] {strides = array<i32>} : memref<128x128xf32, #tpu.memory_space<vmem>>, vector<1x16xf32>,
      %get3A_298 = vector.shape_cast %get3A_297 : vector<1x16xf32> to vector<16xf32>
      %mul3A_299 = arith.constant 11.3137083 : f32
      %mul3A_300 = vector.broadcast %mul3A_299 : f32 to vector<16xf32>
      %mul3A_301 = arith.mulf %get3A_298, %mul3A_300 : vector<16xf32>
      %swap3A_302 = arith.index_cast %scan3A_246 : i32 to index
      %swap3A_303 = arith.constant 64 : index
      %swap3A_304 = tpu.vector_load %arg10[%swap3A_302, %swap3A_303] {strides = array<i32>} : memref<128x128xf32, #tpu.memory_space<vmem>>, vector<1x16xf32>,
      %swap3A_305 = vector.shape_cast %swap3A_304 : vector<1x16xf32> to vector<16xf32>
      %swap3A_306 = vector.shape_cast %mul3A_301 : vector<16xf32> to vector<1x16xf32>
      tpu.vector_store %arg10[%swap3A_302, %swap3A_303], %swap3A_306 {strides = array<i32>} : memref<128x128xf32, #tpu.memory_space<vmem>>, vector<1x16xf32>,
      %get3A_307 = arith.index_cast %scan3A_246 : i32 to index
      %get3A_308 = arith.constant 80 : index
      %get3A_309 = tpu.vector_load %arg10[%get3A_307, %get3A_308] {strides = array<i32>} : memref<128x128xf32, #tpu.memory_space<vmem>>, vector<1x16xf32>,
      %get3A_310 = vector.shape_cast %get3A_309 : vector<1x16xf32> to vector<16xf32>
      %mul3A_311 = arith.constant 11.3137083 : f32
      %mul3A_312 = vector.broadcast %mul3A_311 : f32 to vector<16xf32>
      %mul3A_313 = arith.mulf %get3A_310, %mul3A_312 : vector<16xf32>
      %swap3A_314 = arith.index_cast %scan3A_246 : i32 to index
      %swap3A_315 = arith.constant 80 : index
      %swap3A_316 = tpu.vector_load %arg10[%swap3A_314, %swap3A_315] {strides = array<i32>} : memref<128x128xf32, #tpu.memory_space<vmem>>, vector<1x16xf32>,
      %swap3A_317 = vector.shape_cast %swap3A_316 : vector<1x16xf32> to vector<16xf32>
      %swap3A_318 = vector.shape_cast %mul3A_313 : vector<16xf32> to vector<1x16xf32>
      tpu.vector_store %arg10[%swap3A_314, %swap3A_315], %swap3A_318 {strides = array<i32>} : memref<128x128xf32, #tpu.memory_space<vmem>>, vector<1x16xf32>,
      %get3A_319 = arith.index_cast %scan3A_246 : i32 to index
      %get3A_320 = arith.constant 96 : index
      %get3A_321 = tpu.vector_load %arg10[%get3A_319, %get3A_320] {strides = array<i32>} : memref<128x128xf32, #tpu.memory_space<vmem>>, vector<1x16xf32>,
      %get3A_322 = vector.shape_cast %get3A_321 : vector<1x16xf32> to vector<16xf32>
      %mul3A_323 = arith.constant 11.3137083 : f32
      %mul3A_324 = vector.broadcast %mul3A_323 : f32 to vector<16xf32>
      %mul3A_325 = arith.mulf %get3A_322, %mul3A_324 : vector<16xf32>
      %swap3A_326 = arith.index_cast %scan3A_246 : i32 to index
      %swap3A_327 = arith.constant 96 : index
      %swap3A_328 = tpu.vector_load %arg10[%swap3A_326, %swap3A_327] {strides = array<i32>} : memref<128x128xf32, #tpu.memory_space<vmem>>, vector<1x16xf32>,
      %swap3A_329 = vector.shape_cast %swap3A_328 : vector<1x16xf32> to vector<16xf32>
      %swap3A_330 = vector.shape_cast %mul3A_325 : vector<16xf32> to vector<1x16xf32>
      tpu.vector_store %arg10[%swap3A_326, %swap3A_327], %swap3A_330 {strides = array<i32>} : memref<128x128xf32, #tpu.memory_space<vmem>>, vector<1x16xf32>,
      %get3A_331 = arith.index_cast %scan3A_246 : i32 to index
      %get3A_332 = arith.constant 112 : index
      %get3A_333 = tpu.vector_load %arg10[%get3A_331, %get3A_332] {strides = array<i32>} : memref<128x128xf32, #tpu.memory_space<vmem>>, vector<1x16xf32>,
      %get3A_334 = vector.shape_cast %get3A_333 : vector<1x16xf32> to vector<16xf32>
      %mul3A_335 = arith.constant 11.3137083 : f32
      %mul3A_336 = vector.broadcast %mul3A_335 : f32 to vector<16xf32>
      %mul3A_337 = arith.mulf %get3A_334, %mul3A_336 : vector<16xf32>
      %swap3A_338 = arith.index_cast %scan3A_246 : i32 to index
      %swap3A_339 = arith.constant 112 : index
      %swap3A_340 = tpu.vector_load %arg10[%swap3A_338, %swap3A_339] {strides = array<i32>} : memref<128x128xf32, #tpu.memory_space<vmem>>, vector<1x16xf32>,
      %swap3A_341 = vector.shape_cast %swap3A_340 : vector<1x16xf32> to vector<16xf32>
      %swap3A_342 = vector.shape_cast %mul3A_337 : vector<16xf32> to vector<1x16xf32>
      tpu.vector_store %arg10[%swap3A_338, %swap3A_339], %swap3A_342 {strides = array<i32>} : memref<128x128xf32, #tpu.memory_space<vmem>>, vector<1x16xf32>,
    }
    %scan3A_133 = arith.constant 128 : i32
    %add3A_134 = arith.constant 512 : i32
    %add3A_135 = arith.addi %mul3A_2, %add3A_134 : i32
    "tpu.region"() ({
      %run_scoped3A = tpu.sem_alloc : memref<!tpu.dma_semaphore, #tpu.memory_space<semaphore_mem>>
      %dma_start3A_150 = arith.constant 0 : i32
      %dma_start3A_151 = tpu.memref_slice %arg4[%add3A_135, %dma_start3A_150] : memref<204800x128xf32, #tpu.memory_space<hbm>> -> memref<128x128xf32, #tpu.memory_space<hbm>>
      %dma_start3A_152 = arith.constant 0 : i32
      %dma_start3A_153 = tpu.memref_slice %arg4[%add3A_135, %dma_start3A_152] : memref<204800x128xf32, #tpu.memory_space<hbm>> -> memref<128x128xf32, #tpu.memory_space<hbm>>
      tpu.enqueue_dma source(%arg10 : memref<128x128xf32, #tpu.memory_space<vmem>>) target(%dma_start3A_153 : memref<128x128xf32, #tpu.memory_space<hbm>>) target_semaphore(%run_scoped3A : memref<!tpu.dma_semaphore, #tpu.memory_space<semaphore_mem>>)
      %dma_wait3A_154 = arith.constant 0 : i32
      %dma_wait3A_155 = tpu.memref_slice %arg4[%add3A_135, %dma_wait3A_154] : memref<204800x128xf32, #tpu.memory_space<hbm>> -> memref<128x128xf32, #tpu.memory_space<hbm>>
      %dma_wait3A_156 = arith.constant 0 : i32
      %dma_wait3A_157 = tpu.memref_slice %arg4[%add3A_135, %dma_wait3A_156] : memref<204800x128xf32, #tpu.memory_space<hbm>> -> memref<128x128xf32, #tpu.memory_space<hbm>>
      tpu.wait_dma2 semaphore(%run_scoped3A : memref<!tpu.dma_semaphore, #tpu.memory_space<semaphore_mem>>) src(%arg10 : memref<128x128xf32, #tpu.memory_space<vmem>>) dst(%dma_wait3A_157 : memref<128x128xf32, #tpu.memory_space<hbm>>)
      tpu.yield
    }) : () -> ()
    %dma_start3A_136 = arith.constant 0 : i32
    %dma_start3A_137 = arith.constant 0 : i32
    %dma_start3A_138 = tpu.memref_slice %arg8[%dma_start3A_136, %dma_start3A_137] : memref<128x128xf32, #tpu.memory_space<vmem>> -> memref<128x128xf32, #tpu.memory_space<vmem>>
    %dma_start3A_139 = arith.constant 896 : i32
    %dma_start3A_140 = tpu.memref_slice %arg5[%dma_start3A_139] : memref<6400xi32, #tpu.memory_space<vmem>> -> memref<128xi32, #tpu.memory_space<vmem>>
    %dma_start3A_141 = arith.constant 0 : i32
    %dma_start3A_142 = arith.constant 0 : i32
    %dma_start3A_143 = tpu.memref_slice %arg3[%dma_start3A_141, %dma_start3A_142] : memref<100000x128xf32, #tpu.memory_space<hbm>> -> memref<100000x128xf32, #tpu.memory_space<hbm>>
    tpu.enqueue_indirect_dma source(%dma_start3A_143 : memref<100000x128xf32, #tpu.memory_space<hbm>>) target(%dma_start3A_138 : memref<128x128xf32, #tpu.memory_space<vmem>>) offsets(%dma_start3A_140 : memref<128xi32, #tpu.memory_space<vmem>>) semaphore(%arg13 : memref<!tpu.dma_semaphore, #tpu.memory_space<semaphore_mem>>)
    %scan3A_144 = arith.constant 0 : i32
    %scan3A_145 = arith.constant 1 : i32
    %scan3A_146 = arith.constant 9 : i32
    %scan3A_147 = arith.addi %scan3A_145, %scan3A_146 : i32
    %scan3A_148 = arith.constant 1 : i32
    scf.for %scan3A_150 = %scan3A_145 to %scan3A_147 step %scan3A_148  : i32 {
      %mul3A_151 = arith.constant 5 : i32
      %mul3A_152 = arith.muli %scan3A_150, %mul3A_151 : i32
      %add3A_153 = arith.constant 0 : i32
      %add3A_154 = arith.addi %mul3A_152, %add3A_153 : i32
      %add3A_155 = arith.constant 3 : i32
      %add3A_156 = arith.addi %add3A_154, %add3A_155 : i32
      %lt3A = arith.constant 50 : i32
      %lt3A_157 = arith.cmpi slt, %add3A_156, %lt3A : i32
      %convert_element_type3A = arith.extui %lt3A_157 : i1 to i32
      %cond3A = arith.constant 0 : i32
      %cond3A_158 = arith.cmpi ne, %convert_element_type3A, %cond3A : i32
      scf.if %cond3A_158 {
        %mul3A_295 = arith.constant 128 : i32
        %mul3A_296 = arith.muli %add3A_156, %mul3A_295 : i32
        %add3A_297 = arith.constant 0 : i32
        %add3A_298 = arith.addi %mul3A_296, %add3A_297 : i32
        %dma_start3A_299 = arith.constant 0 : i32
        %dma_start3A_300 = arith.constant 0 : i32
        %dma_start3A_301 = tpu.memref_slice %arg9[%dma_start3A_299, %dma_start3A_300] : memref<128x128xf32, #tpu.memory_space<vmem>> -> memref<128x128xf32, #tpu.memory_space<vmem>>
        %dma_start3A_302 = tpu.memref_slice %arg5[%add3A_298] : memref<6400xi32, #tpu.memory_space<vmem>> -> memref<128xi32, #tpu.memory_space<vmem>>
        %dma_start3A_303 = arith.constant 0 : i32
        %dma_start3A_304 = arith.constant 0 : i32
        %dma_start3A_305 = tpu.memref_slice %arg3[%dma_start3A_303, %dma_start3A_304] : memref<100000x128xf32, #tpu.memory_space<hbm>> -> memref<100000x128xf32, #tpu.memory_space<hbm>>
        tpu.enqueue_indirect_dma source(%dma_start3A_305 : memref<100000x128xf32, #tpu.memory_space<hbm>>) target(%dma_start3A_301 : memref<128x128xf32, #tpu.memory_space<vmem>>) offsets(%dma_start3A_302 : memref<128xi32, #tpu.memory_space<vmem>>) semaphore(%arg14 : memref<!tpu.dma_semaphore, #tpu.memory_space<semaphore_mem>>)
      } else {
      }
      %mul3A_159 = arith.constant 128 : i32
      %mul3A_160 = arith.muli %add3A_154, %mul3A_159 : i32
      %add3A_161 = arith.constant 0 : i32
      %add3A_162 = arith.addi %mul3A_160, %add3A_161 : i32
      %dma_wait3A_163 = arith.constant 0 : i32
      %dma_wait3A_164 = arith.constant 0 : i32
      %dma_wait3A_165 = tpu.memref_slice %arg6[%dma_wait3A_163, %dma_wait3A_164] : memref<128x128xf32, #tpu.memory_space<vmem>> -> memref<128x128xf32, #tpu.memory_space<vmem>>
      %dma_wait3A_166 = tpu.memref_slice %arg5[%add3A_162] : memref<6400xi32, #tpu.memory_space<vmem>> -> memref<128xi32, #tpu.memory_space<vmem>>
      %dma_wait3A_167 = arith.constant 0 : i32
      %dma_wait3A_168 = arith.constant 0 : i32
      %dma_wait3A_169 = tpu.memref_slice %arg3[%dma_wait3A_167, %dma_wait3A_168] : memref<100000x128xf32, #tpu.memory_space<hbm>> -> memref<100000x128xf32, #tpu.memory_space<hbm>>
      tpu.wait_indirect_dma semaphore(%arg11 : memref<!tpu.dma_semaphore, #tpu.memory_space<semaphore_mem>>) src(%dma_wait3A_169 : memref<100000x128xf32, #tpu.memory_space<hbm>>) dst(%dma_wait3A_165 : memref<128x128xf32, #tpu.memory_space<vmem>>)
      %scan3A_170 = arith.constant 0 : i32
      %scan3A_171 = arith.constant 0 : i32
      %scan3A_172 = arith.constant 128 : i32
      %scan3A_173 = arith.addi %scan3A_171, %scan3A_172 : i32
      %scan3A_174 = arith.constant 2 : i32
      scf.for %scan3A_295 = %scan3A_171 to %scan3A_173 step %scan3A_174  : i32 {
        %get3A = arith.index_cast %scan3A_295 : i32 to index
        %get3A_296 = arith.constant 0 : index
        %get3A_297 = tpu.vector_load %arg6[%get3A, %get3A_296] {strides = array<i32>} : memref<128x128xf32, #tpu.memory_space<vmem>>, vector<1x16xf32>,
        %get3A_298 = vector.shape_cast %get3A_297 : vector<1x16xf32> to vector<16xf32>
        %mul3A_299 = arith.constant 11.3137083 : f32
        %mul3A_300 = vector.broadcast %mul3A_299 : f32 to vector<16xf32>
        %mul3A_301 = arith.mulf %get3A_298, %mul3A_300 : vector<16xf32>
        %swap3A = arith.index_cast %scan3A_295 : i32 to index
        %swap3A_302 = arith.constant 0 : index
        %swap3A_303 = tpu.vector_load %arg6[%swap3A, %swap3A_302] {strides = array<i32>} : memref<128x128xf32, #tpu.memory_space<vmem>>, vector<1x16xf32>,
        %swap3A_304 = vector.shape_cast %swap3A_303 : vector<1x16xf32> to vector<16xf32>
        %swap3A_305 = vector.shape_cast %mul3A_301 : vector<16xf32> to vector<1x16xf32>
        tpu.vector_store %arg6[%swap3A, %swap3A_302], %swap3A_305 {strides = array<i32>} : memref<128x128xf32, #tpu.memory_space<vmem>>, vector<1x16xf32>,
        %get3A_306 = arith.index_cast %scan3A_295 : i32 to index
        %get3A_307 = arith.constant 16 : index
        %get3A_308 = tpu.vector_load %arg6[%get3A_306, %get3A_307] {strides = array<i32>} : memref<128x128xf32, #tpu.memory_space<vmem>>, vector<1x16xf32>,
        %get3A_309 = vector.shape_cast %get3A_308 : vector<1x16xf32> to vector<16xf32>
        %mul3A_310 = arith.constant 11.3137083 : f32
        %mul3A_311 = vector.broadcast %mul3A_310 : f32 to vector<16xf32>
        %mul3A_312 = arith.mulf %get3A_309, %mul3A_311 : vector<16xf32>
        %swap3A_313 = arith.index_cast %scan3A_295 : i32 to index
        %swap3A_314 = arith.constant 16 : index
        %swap3A_315 = tpu.vector_load %arg6[%swap3A_313, %swap3A_314] {strides = array<i32>} : memref<128x128xf32, #tpu.memory_space<vmem>>, vector<1x16xf32>,
        %swap3A_316 = vector.shape_cast %swap3A_315 : vector<1x16xf32> to vector<16xf32>
        %swap3A_317 = vector.shape_cast %mul3A_312 : vector<16xf32> to vector<1x16xf32>
        tpu.vector_store %arg6[%swap3A_313, %swap3A_314], %swap3A_317 {strides = array<i32>} : memref<128x128xf32, #tpu.memory_space<vmem>>, vector<1x16xf32>,
        %get3A_318 = arith.index_cast %scan3A_295 : i32 to index
        %get3A_319 = arith.constant 32 : index
        %get3A_320 = tpu.vector_load %arg6[%get3A_318, %get3A_319] {strides = array<i32>} : memref<128x128xf32, #tpu.memory_space<vmem>>, vector<1x16xf32>,
        %get3A_321 = vector.shape_cast %get3A_320 : vector<1x16xf32> to vector<16xf32>
        %mul3A_322 = arith.constant 11.3137083 : f32
        %mul3A_323 = vector.broadcast %mul3A_322 : f32 to vector<16xf32>
        %mul3A_324 = arith.mulf %get3A_321, %mul3A_323 : vector<16xf32>
        %swap3A_325 = arith.index_cast %scan3A_295 : i32 to index
        %swap3A_326 = arith.constant 32 : index
        %swap3A_327 = tpu.vector_load %arg6[%swap3A_325, %swap3A_326] {strides = array<i32>} : memref<128x128xf32, #tpu.memory_space<vmem>>, vector<1x16xf32>,
        %swap3A_328 = vector.shape_cast %swap3A_327 : vector<1x16xf32> to vector<16xf32>
        %swap3A_329 = vector.shape_cast %mul3A_324 : vector<16xf32> to vector<1x16xf32>
        tpu.vector_store %arg6[%swap3A_325, %swap3A_326], %swap3A_329 {strides = array<i32>} : memref<128x128xf32, #tpu.memory_space<vmem>>, vector<1x16xf32>,
        %get3A_330 = arith.index_cast %scan3A_295 : i32 to index
        %get3A_331 = arith.constant 48 : index
        %get3A_332 = tpu.vector_load %arg6[%get3A_330, %get3A_331] {strides = array<i32>} : memref<128x128xf32, #tpu.memory_space<vmem>>, vector<1x16xf32>,
        %get3A_333 = vector.shape_cast %get3A_332 : vector<1x16xf32> to vector<16xf32>
        %mul3A_334 = arith.constant 11.3137083 : f32
        %mul3A_335 = vector.broadcast %mul3A_334 : f32 to vector<16xf32>
        %mul3A_336 = arith.mulf %get3A_333, %mul3A_335 : vector<16xf32>
        %swap3A_337 = arith.index_cast %scan3A_295 : i32 to index
        %swap3A_338 = arith.constant 48 : index
        %swap3A_339 = tpu.vector_load %arg6[%swap3A_337, %swap3A_338] {strides = array<i32>} : memref<128x128xf32, #tpu.memory_space<vmem>>, vector<1x16xf32>,
        %swap3A_340 = vector.shape_cast %swap3A_339 : vector<1x16xf32> to vector<16xf32>
        %swap3A_341 = vector.shape_cast %mul3A_336 : vector<16xf32> to vector<1x16xf32>
        tpu.vector_store %arg6[%swap3A_337, %swap3A_338], %swap3A_341 {strides = array<i32>} : memref<128x128xf32, #tpu.memory_space<vmem>>, vector<1x16xf32>,
        %get3A_342 = arith.index_cast %scan3A_295 : i32 to index
        %get3A_343 = arith.constant 64 : index
        %get3A_344 = tpu.vector_load %arg6[%get3A_342, %get3A_343] {strides = array<i32>} : memref<128x128xf32, #tpu.memory_space<vmem>>, vector<1x16xf32>,
        %get3A_345 = vector.shape_cast %get3A_344 : vector<1x16xf32> to vector<16xf32>
        %mul3A_346 = arith.constant 11.3137083 : f32
        %mul3A_347 = vector.broadcast %mul3A_346 : f32 to vector<16xf32>
        %mul3A_348 = arith.mulf %get3A_345, %mul3A_347 : vector<16xf32>
        %swap3A_349 = arith.index_cast %scan3A_295 : i32 to index
        %swap3A_350 = arith.constant 64 : index
        %swap3A_351 = tpu.vector_load %arg6[%swap3A_349, %swap3A_350] {strides = array<i32>} : memref<128x128xf32, #tpu.memory_space<vmem>>, vector<1x16xf32>,
        %swap3A_352 = vector.shape_cast %swap3A_351 : vector<1x16xf32> to vector<16xf32>
        %swap3A_353 = vector.shape_cast %mul3A_348 : vector<16xf32> to vector<1x16xf32>
        tpu.vector_store %arg6[%swap3A_349, %swap3A_350], %swap3A_353 {strides = array<i32>} : memref<128x128xf32, #tpu.memory_space<vmem>>, vector<1x16xf32>,
        %get3A_354 = arith.index_cast %scan3A_295 : i32 to index
        %get3A_355 = arith.constant 80 : index
        %get3A_356 = tpu.vector_load %arg6[%get3A_354, %get3A_355] {strides = array<i32>} : memref<128x128xf32, #tpu.memory_space<vmem>>, vector<1x16xf32>,
        %get3A_357 = vector.shape_cast %get3A_356 : vector<1x16xf32> to vector<16xf32>
        %mul3A_358 = arith.constant 11.3137083 : f32
        %mul3A_359 = vector.broadcast %mul3A_358 : f32 to vector<16xf32>
        %mul3A_360 = arith.mulf %get3A_357, %mul3A_359 : vector<16xf32>
        %swap3A_361 = arith.index_cast %scan3A_295 : i32 to index
        %swap3A_362 = arith.constant 80 : index
        %swap3A_363 = tpu.vector_load %arg6[%swap3A_361, %swap3A_362] {strides = array<i32>} : memref<128x128xf32, #tpu.memory_space<vmem>>, vector<1x16xf32>,
        %swap3A_364 = vector.shape_cast %swap3A_363 : vector<1x16xf32> to vector<16xf32>
        %swap3A_365 = vector.shape_cast %mul3A_360 : vector<16xf32> to vector<1x16xf32>
        tpu.vector_store %arg6[%swap3A_361, %swap3A_362], %swap3A_365 {strides = array<i32>} : memref<128x128xf32, #tpu.memory_space<vmem>>, vector<1x16xf32>,
        %get3A_366 = arith.index_cast %scan3A_295 : i32 to index
        %get3A_367 = arith.constant 96 : index
        %get3A_368 = tpu.vector_load %arg6[%get3A_366, %get3A_367] {strides = array<i32>} : memref<128x128xf32, #tpu.memory_space<vmem>>, vector<1x16xf32>,
        %get3A_369 = vector.shape_cast %get3A_368 : vector<1x16xf32> to vector<16xf32>
        %mul3A_370 = arith.constant 11.3137083 : f32
        %mul3A_371 = vector.broadcast %mul3A_370 : f32 to vector<16xf32>
        %mul3A_372 = arith.mulf %get3A_369, %mul3A_371 : vector<16xf32>
        %swap3A_373 = arith.index_cast %scan3A_295 : i32 to index
        %swap3A_374 = arith.constant 96 : index
        %swap3A_375 = tpu.vector_load %arg6[%swap3A_373, %swap3A_374] {strides = array<i32>} : memref<128x128xf32, #tpu.memory_space<vmem>>, vector<1x16xf32>,
        %swap3A_376 = vector.shape_cast %swap3A_375 : vector<1x16xf32> to vector<16xf32>
        %swap3A_377 = vector.shape_cast %mul3A_372 : vector<16xf32> to vector<1x16xf32>
        tpu.vector_store %arg6[%swap3A_373, %swap3A_374], %swap3A_377 {strides = array<i32>} : memref<128x128xf32, #tpu.memory_space<vmem>>, vector<1x16xf32>,
        %get3A_378 = arith.index_cast %scan3A_295 : i32 to index
        %get3A_379 = arith.constant 112 : index
        %get3A_380 = tpu.vector_load %arg6[%get3A_378, %get3A_379] {strides = array<i32>} : memref<128x128xf32, #tpu.memory_space<vmem>>, vector<1x16xf32>,
        %get3A_381 = vector.shape_cast %get3A_380 : vector<1x16xf32> to vector<16xf32>
        %mul3A_382 = arith.constant 11.3137083 : f32
        %mul3A_383 = vector.broadcast %mul3A_382 : f32 to vector<16xf32>
        %mul3A_384 = arith.mulf %get3A_381, %mul3A_383 : vector<16xf32>
        %swap3A_385 = arith.index_cast %scan3A_295 : i32 to index
        %swap3A_386 = arith.constant 112 : index
        %swap3A_387 = tpu.vector_load %arg6[%swap3A_385, %swap3A_386] {strides = array<i32>} : memref<128x128xf32, #tpu.memory_space<vmem>>, vector<1x16xf32>,
        %swap3A_388 = vector.shape_cast %swap3A_387 : vector<1x16xf32> to vector<16xf32>
        %swap3A_389 = vector.shape_cast %mul3A_384 : vector<16xf32> to vector<1x16xf32>
        tpu.vector_store %arg6[%swap3A_385, %swap3A_386], %swap3A_389 {strides = array<i32>} : memref<128x128xf32, #tpu.memory_space<vmem>>, vector<1x16xf32>,
        %scan3A_390 = arith.constant 1 : i32
        %scan3A_391 = arith.addi %scan3A_295, %scan3A_390 : i32
        %get3A_392 = arith.index_cast %scan3A_391 : i32 to index
        %get3A_393 = arith.constant 0 : index
        %get3A_394 = tpu.vector_load %arg6[%get3A_392, %get3A_393] {strides = array<i32>} : memref<128x128xf32, #tpu.memory_space<vmem>>, vector<1x16xf32>,
        %get3A_395 = vector.shape_cast %get3A_394 : vector<1x16xf32> to vector<16xf32>
        %mul3A_396 = arith.constant 11.3137083 : f32
        %mul3A_397 = vector.broadcast %mul3A_396 : f32 to vector<16xf32>
        %mul3A_398 = arith.mulf %get3A_395, %mul3A_397 : vector<16xf32>
        %swap3A_399 = arith.index_cast %scan3A_391 : i32 to index
        %swap3A_400 = arith.constant 0 : index
        %swap3A_401 = tpu.vector_load %arg6[%swap3A_399, %swap3A_400] {strides = array<i32>} : memref<128x128xf32, #tpu.memory_space<vmem>>, vector<1x16xf32>,
        %swap3A_402 = vector.shape_cast %swap3A_401 : vector<1x16xf32> to vector<16xf32>
        %swap3A_403 = vector.shape_cast %mul3A_398 : vector<16xf32> to vector<1x16xf32>
        tpu.vector_store %arg6[%swap3A_399, %swap3A_400], %swap3A_403 {strides = array<i32>} : memref<128x128xf32, #tpu.memory_space<vmem>>, vector<1x16xf32>,
        %get3A_404 = arith.index_cast %scan3A_391 : i32 to index
        %get3A_405 = arith.constant 16 : index
        %get3A_406 = tpu.vector_load %arg6[%get3A_404, %get3A_405] {strides = array<i32>} : memref<128x128xf32, #tpu.memory_space<vmem>>, vector<1x16xf32>,
        %get3A_407 = vector.shape_cast %get3A_406 : vector<1x16xf32> to vector<16xf32>
        %mul3A_408 = arith.constant 11.3137083 : f32
        %mul3A_409 = vector.broadcast %mul3A_408 : f32 to vector<16xf32>
        %mul3A_410 = arith.mulf %get3A_407, %mul3A_409 : vector<16xf32>
        %swap3A_411 = arith.index_cast %scan3A_391 : i32 to index
        %swap3A_412 = arith.constant 16 : index
        %swap3A_413 = tpu.vector_load %arg6[%swap3A_411, %swap3A_412] {strides = array<i32>} : memref<128x128xf32, #tpu.memory_space<vmem>>, vector<1x16xf32>,
        %swap3A_414 = vector.shape_cast %swap3A_413 : vector<1x16xf32> to vector<16xf32>
        %swap3A_415 = vector.shape_cast %mul3A_410 : vector<16xf32> to vector<1x16xf32>
        tpu.vector_store %arg6[%swap3A_411, %swap3A_412], %swap3A_415 {strides = array<i32>} : memref<128x128xf32, #tpu.memory_space<vmem>>, vector<1x16xf32>,
        %get3A_416 = arith.index_cast %scan3A_391 : i32 to index
        %get3A_417 = arith.constant 32 : index
        %get3A_418 = tpu.vector_load %arg6[%get3A_416, %get3A_417] {strides = array<i32>} : memref<128x128xf32, #tpu.memory_space<vmem>>, vector<1x16xf32>,
        %get3A_419 = vector.shape_cast %get3A_418 : vector<1x16xf32> to vector<16xf32>
        %mul3A_420 = arith.constant 11.3137083 : f32
        %mul3A_421 = vector.broadcast %mul3A_420 : f32 to vector<16xf32>
        %mul3A_422 = arith.mulf %get3A_419, %mul3A_421 : vector<16xf32>
        %swap3A_423 = arith.index_cast %scan3A_391 : i32 to index
        %swap3A_424 = arith.constant 32 : index
        %swap3A_425 = tpu.vector_load %arg6[%swap3A_423, %swap3A_424] {strides = array<i32>} : memref<128x128xf32, #tpu.memory_space<vmem>>, vector<1x16xf32>,
        %swap3A_426 = vector.shape_cast %swap3A_425 : vector<1x16xf32> to vector<16xf32>
        %swap3A_427 = vector.shape_cast %mul3A_422 : vector<16xf32> to vector<1x16xf32>
        tpu.vector_store %arg6[%swap3A_423, %swap3A_424], %swap3A_427 {strides = array<i32>} : memref<128x128xf32, #tpu.memory_space<vmem>>, vector<1x16xf32>,
        %get3A_428 = arith.index_cast %scan3A_391 : i32 to index
        %get3A_429 = arith.constant 48 : index
        %get3A_430 = tpu.vector_load %arg6[%get3A_428, %get3A_429] {strides = array<i32>} : memref<128x128xf32, #tpu.memory_space<vmem>>, vector<1x16xf32>,
        %get3A_431 = vector.shape_cast %get3A_430 : vector<1x16xf32> to vector<16xf32>
        %mul3A_432 = arith.constant 11.3137083 : f32
        %mul3A_433 = vector.broadcast %mul3A_432 : f32 to vector<16xf32>
        %mul3A_434 = arith.mulf %get3A_431, %mul3A_433 : vector<16xf32>
        %swap3A_435 = arith.index_cast %scan3A_391 : i32 to index
        %swap3A_436 = arith.constant 48 : index
        %swap3A_437 = tpu.vector_load %arg6[%swap3A_435, %swap3A_436] {strides = array<i32>} : memref<128x128xf32, #tpu.memory_space<vmem>>, vector<1x16xf32>,
        %swap3A_438 = vector.shape_cast %swap3A_437 : vector<1x16xf32> to vector<16xf32>
        %swap3A_439 = vector.shape_cast %mul3A_434 : vector<16xf32> to vector<1x16xf32>
        tpu.vector_store %arg6[%swap3A_435, %swap3A_436], %swap3A_439 {strides = array<i32>} : memref<128x128xf32, #tpu.memory_space<vmem>>, vector<1x16xf32>,
        %get3A_440 = arith.index_cast %scan3A_391 : i32 to index
        %get3A_441 = arith.constant 64 : index
        %get3A_442 = tpu.vector_load %arg6[%get3A_440, %get3A_441] {strides = array<i32>} : memref<128x128xf32, #tpu.memory_space<vmem>>, vector<1x16xf32>,
        %get3A_443 = vector.shape_cast %get3A_442 : vector<1x16xf32> to vector<16xf32>
        %mul3A_444 = arith.constant 11.3137083 : f32
        %mul3A_445 = vector.broadcast %mul3A_444 : f32 to vector<16xf32>
        %mul3A_446 = arith.mulf %get3A_443, %mul3A_445 : vector<16xf32>
        %swap3A_447 = arith.index_cast %scan3A_391 : i32 to index
        %swap3A_448 = arith.constant 64 : index
        %swap3A_449 = tpu.vector_load %arg6[%swap3A_447, %swap3A_448] {strides = array<i32>} : memref<128x128xf32, #tpu.memory_space<vmem>>, vector<1x16xf32>,
        %swap3A_450 = vector.shape_cast %swap3A_449 : vector<1x16xf32> to vector<16xf32>
        %swap3A_451 = vector.shape_cast %mul3A_446 : vector<16xf32> to vector<1x16xf32>
        tpu.vector_store %arg6[%swap3A_447, %swap3A_448], %swap3A_451 {strides = array<i32>} : memref<128x128xf32, #tpu.memory_space<vmem>>, vector<1x16xf32>,
        %get3A_452 = arith.index_cast %scan3A_391 : i32 to index
        %get3A_453 = arith.constant 80 : index
        %get3A_454 = tpu.vector_load %arg6[%get3A_452, %get3A_453] {strides = array<i32>} : memref<128x128xf32, #tpu.memory_space<vmem>>, vector<1x16xf32>,
        %get3A_455 = vector.shape_cast %get3A_454 : vector<1x16xf32> to vector<16xf32>
        %mul3A_456 = arith.constant 11.3137083 : f32
        %mul3A_457 = vector.broadcast %mul3A_456 : f32 to vector<16xf32>
        %mul3A_458 = arith.mulf %get3A_455, %mul3A_457 : vector<16xf32>
        %swap3A_459 = arith.index_cast %scan3A_391 : i32 to index
        %swap3A_460 = arith.constant 80 : index
        %swap3A_461 = tpu.vector_load %arg6[%swap3A_459, %swap3A_460] {strides = array<i32>} : memref<128x128xf32, #tpu.memory_space<vmem>>, vector<1x16xf32>,
        %swap3A_462 = vector.shape_cast %swap3A_461 : vector<1x16xf32> to vector<16xf32>
        %swap3A_463 = vector.shape_cast %mul3A_458 : vector<16xf32> to vector<1x16xf32>
        tpu.vector_store %arg6[%swap3A_459, %swap3A_460], %swap3A_463 {strides = array<i32>} : memref<128x128xf32, #tpu.memory_space<vmem>>, vector<1x16xf32>,
        %get3A_464 = arith.index_cast %scan3A_391 : i32 to index
        %get3A_465 = arith.constant 96 : index
        %get3A_466 = tpu.vector_load %arg6[%get3A_464, %get3A_465] {strides = array<i32>} : memref<128x128xf32, #tpu.memory_space<vmem>>, vector<1x16xf32>,
        %get3A_467 = vector.shape_cast %get3A_466 : vector<1x16xf32> to vector<16xf32>
        %mul3A_468 = arith.constant 11.3137083 : f32
        %mul3A_469 = vector.broadcast %mul3A_468 : f32 to vector<16xf32>
        %mul3A_470 = arith.mulf %get3A_467, %mul3A_469 : vector<16xf32>
        %swap3A_471 = arith.index_cast %scan3A_391 : i32 to index
        %swap3A_472 = arith.constant 96 : index
        %swap3A_473 = tpu.vector_load %arg6[%swap3A_471, %swap3A_472] {strides = array<i32>} : memref<128x128xf32, #tpu.memory_space<vmem>>, vector<1x16xf32>,
        %swap3A_474 = vector.shape_cast %swap3A_473 : vector<1x16xf32> to vector<16xf32>
        %swap3A_475 = vector.shape_cast %mul3A_470 : vector<16xf32> to vector<1x16xf32>
        tpu.vector_store %arg6[%swap3A_471, %swap3A_472], %swap3A_475 {strides = array<i32>} : memref<128x128xf32, #tpu.memory_space<vmem>>, vector<1x16xf32>,
        %get3A_476 = arith.index_cast %scan3A_391 : i32 to index
        %get3A_477 = arith.constant 112 : index
        %get3A_478 = tpu.vector_load %arg6[%get3A_476, %get3A_477] {strides = array<i32>} : memref<128x128xf32, #tpu.memory_space<vmem>>, vector<1x16xf32>,
        %get3A_479 = vector.shape_cast %get3A_478 : vector<1x16xf32> to vector<16xf32>
        %mul3A_480 = arith.constant 11.3137083 : f32
        %mul3A_481 = vector.broadcast %mul3A_480 : f32 to vector<16xf32>
        %mul3A_482 = arith.mulf %get3A_479, %mul3A_481 : vector<16xf32>
        %swap3A_483 = arith.index_cast %scan3A_391 : i32 to index
        %swap3A_484 = arith.constant 112 : index
        %swap3A_485 = tpu.vector_load %arg6[%swap3A_483, %swap3A_484] {strides = array<i32>} : memref<128x128xf32, #tpu.memory_space<vmem>>, vector<1x16xf32>,
        %swap3A_486 = vector.shape_cast %swap3A_485 : vector<1x16xf32> to vector<16xf32>
        %swap3A_487 = vector.shape_cast %mul3A_482 : vector<16xf32> to vector<1x16xf32>
        tpu.vector_store %arg6[%swap3A_483, %swap3A_484], %swap3A_487 {strides = array<i32>} : memref<128x128xf32, #tpu.memory_space<vmem>>, vector<1x16xf32>,
      }
      %scan3A_175 = arith.constant 128 : i32
      %mul3A_176 = arith.constant 128 : i32
      %mul3A_177 = arith.muli %add3A_154, %mul3A_176 : i32
      %add3A_178 = arith.addi %mul3A_2, %mul3A_177 : i32
      "tpu.region"() ({
        %run_scoped3A = tpu.sem_alloc : memref<!tpu.dma_semaphore, #tpu.memory_space<semaphore_mem>>
        %dma_start3A_295 = arith.constant 0 : i32
        %dma_start3A_296 = tpu.memref_slice %arg4[%add3A_178, %dma_start3A_295] : memref<204800x128xf32, #tpu.memory_space<hbm>> -> memref<128x128xf32, #tpu.memory_space<hbm>>
        %dma_start3A_297 = arith.constant 0 : i32
        %dma_start3A_298 = tpu.memref_slice %arg4[%add3A_178, %dma_start3A_297] : memref<204800x128xf32, #tpu.memory_space<hbm>> -> memref<128x128xf32, #tpu.memory_space<hbm>>
        tpu.enqueue_dma source(%arg6 : memref<128x128xf32, #tpu.memory_space<vmem>>) target(%dma_start3A_298 : memref<128x128xf32, #tpu.memory_space<hbm>>) target_semaphore(%run_scoped3A : memref<!tpu.dma_semaphore, #tpu.memory_space<semaphore_mem>>)
        %dma_wait3A_299 = arith.constant 0 : i32
        %dma_wait3A_300 = tpu.memref_slice %arg4[%add3A_178, %dma_wait3A_299] : memref<204800x128xf32, #tpu.memory_space<hbm>> -> memref<128x128xf32, #tpu.memory_space<hbm>>
        %dma_wait3A_301 = arith.constant 0 : i32
        %dma_wait3A_302 = tpu.memref_slice %arg4[%add3A_178, %dma_wait3A_301] : memref<204800x128xf32, #tpu.memory_space<hbm>> -> memref<128x128xf32, #tpu.memory_space<hbm>>
        tpu.wait_dma2 semaphore(%run_scoped3A : memref<!tpu.dma_semaphore, #tpu.memory_space<semaphore_mem>>) src(%arg6 : memref<128x128xf32, #tpu.memory_space<vmem>>) dst(%dma_wait3A_302 : memref<128x128xf32, #tpu.memory_space<hbm>>)
        tpu.yield
      }) : () -> ()
      %add3A_179 = arith.constant 1 : i32
      %add3A_180 = arith.addi %mul3A_152, %add3A_179 : i32
      %add3A_181 = arith.constant 3 : i32
      %add3A_182 = arith.addi %add3A_180, %add3A_181 : i32
      %lt3A_183 = arith.constant 50 : i32
      %lt3A_184 = arith.cmpi slt, %add3A_182, %lt3A_183 : i32
      %convert_element_type3A_185 = arith.extui %lt3A_184 : i1 to i32
      %cond3A_186 = arith.constant 0 : i32
      %cond3A_187 = arith.cmpi ne, %convert_element_type3A_185, %cond3A_186 : i32
      scf.if %cond3A_187 {
        %mul3A_295 = arith.constant 128 : i32
        %mul3A_296 = arith.muli %add3A_182, %mul3A_295 : i32
        %add3A_297 = arith.constant 0 : i32
        %add3A_298 = arith.addi %mul3A_296, %add3A_297 : i32
        %dma_start3A_299 = arith.constant 0 : i32
        %dma_start3A_300 = arith.constant 0 : i32
        %dma_start3A_301 = tpu.memref_slice %arg10[%dma_start3A_299, %dma_start3A_300] : memref<128x128xf32, #tpu.memory_space<vmem>> -> memref<128x128xf32, #tpu.memory_space<vmem>>
        %dma_start3A_302 = tpu.memref_slice %arg5[%add3A_298] : memref<6400xi32, #tpu.memory_space<vmem>> -> memref<128xi32, #tpu.memory_space<vmem>>
        %dma_start3A_303 = arith.constant 0 : i32
        %dma_start3A_304 = arith.constant 0 : i32
        %dma_start3A_305 = tpu.memref_slice %arg3[%dma_start3A_303, %dma_start3A_304] : memref<100000x128xf32, #tpu.memory_space<hbm>> -> memref<100000x128xf32, #tpu.memory_space<hbm>>
        tpu.enqueue_indirect_dma source(%dma_start3A_305 : memref<100000x128xf32, #tpu.memory_space<hbm>>) target(%dma_start3A_301 : memref<128x128xf32, #tpu.memory_space<vmem>>) offsets(%dma_start3A_302 : memref<128xi32, #tpu.memory_space<vmem>>) semaphore(%arg15 : memref<!tpu.dma_semaphore, #tpu.memory_space<semaphore_mem>>)
      } else {
      }
      %mul3A_188 = arith.constant 128 : i32
      %mul3A_189 = arith.muli %add3A_180, %mul3A_188 : i32
      %add3A_190 = arith.constant 0 : i32
      %add3A_191 = arith.addi %mul3A_189, %add3A_190 : i32
      %dma_wait3A_192 = arith.constant 0 : i32
      %dma_wait3A_193 = arith.constant 0 : i32
      %dma_wait3A_194 = tpu.memref_slice %arg7[%dma_wait3A_192, %dma_wait3A_193] : memref<128x128xf32, #tpu.memory_space<vmem>> -> memref<128x128xf32, #tpu.memory_space<vmem>>
      %dma_wait3A_195 = tpu.memref_slice %arg5[%add3A_191] : memref<6400xi32, #tpu.memory_space<vmem>> -> memref<128xi32, #tpu.memory_space<vmem>>
      %dma_wait3A_196 = arith.constant 0 : i32
      %dma_wait3A_197 = arith.constant 0 : i32
      %dma_wait3A_198 = tpu.memref_slice %arg3[%dma_wait3A_196, %dma_wait3A_197] : memref<100000x128xf32, #tpu.memory_space<hbm>> -> memref<100000x128xf32, #tpu.memory_space<hbm>>
      tpu.wait_indirect_dma semaphore(%arg12 : memref<!tpu.dma_semaphore, #tpu.memory_space<semaphore_mem>>) src(%dma_wait3A_198 : memref<100000x128xf32, #tpu.memory_space<hbm>>) dst(%dma_wait3A_194 : memref<128x128xf32, #tpu.memory_space<vmem>>)
      %scan3A_199 = arith.constant 0 : i32
      %scan3A_200 = arith.constant 0 : i32
      %scan3A_201 = arith.constant 128 : i32
      %scan3A_202 = arith.addi %scan3A_200, %scan3A_201 : i32
      %scan3A_203 = arith.constant 2 : i32
      scf.for %scan3A_295 = %scan3A_200 to %scan3A_202 step %scan3A_203  : i32 {
        %get3A = arith.index_cast %scan3A_295 : i32 to index
        %get3A_296 = arith.constant 0 : index
        %get3A_297 = tpu.vector_load %arg7[%get3A, %get3A_296] {strides = array<i32>} : memref<128x128xf32, #tpu.memory_space<vmem>>, vector<1x16xf32>,
        %get3A_298 = vector.shape_cast %get3A_297 : vector<1x16xf32> to vector<16xf32>
        %mul3A_299 = arith.constant 11.3137083 : f32
        %mul3A_300 = vector.broadcast %mul3A_299 : f32 to vector<16xf32>
        %mul3A_301 = arith.mulf %get3A_298, %mul3A_300 : vector<16xf32>
        %swap3A = arith.index_cast %scan3A_295 : i32 to index
        %swap3A_302 = arith.constant 0 : index
        %swap3A_303 = tpu.vector_load %arg7[%swap3A, %swap3A_302] {strides = array<i32>} : memref<128x128xf32, #tpu.memory_space<vmem>>, vector<1x16xf32>,
        %swap3A_304 = vector.shape_cast %swap3A_303 : vector<1x16xf32> to vector<16xf32>
        %swap3A_305 = vector.shape_cast %mul3A_301 : vector<16xf32> to vector<1x16xf32>
        tpu.vector_store %arg7[%swap3A, %swap3A_302], %swap3A_305 {strides = array<i32>} : memref<128x128xf32, #tpu.memory_space<vmem>>, vector<1x16xf32>,
        %get3A_306 = arith.index_cast %scan3A_295 : i32 to index
        %get3A_307 = arith.constant 16 : index
        %get3A_308 = tpu.vector_load %arg7[%get3A_306, %get3A_307] {strides = array<i32>} : memref<128x128xf32, #tpu.memory_space<vmem>>, vector<1x16xf32>,
        %get3A_309 = vector.shape_cast %get3A_308 : vector<1x16xf32> to vector<16xf32>
        %mul3A_310 = arith.constant 11.3137083 : f32
        %mul3A_311 = vector.broadcast %mul3A_310 : f32 to vector<16xf32>
        %mul3A_312 = arith.mulf %get3A_309, %mul3A_311 : vector<16xf32>
        %swap3A_313 = arith.index_cast %scan3A_295 : i32 to index
        %swap3A_314 = arith.constant 16 : index
        %swap3A_315 = tpu.vector_load %arg7[%swap3A_313, %swap3A_314] {strides = array<i32>} : memref<128x128xf32, #tpu.memory_space<vmem>>, vector<1x16xf32>,
        %swap3A_316 = vector.shape_cast %swap3A_315 : vector<1x16xf32> to vector<16xf32>
        %swap3A_317 = vector.shape_cast %mul3A_312 : vector<16xf32> to vector<1x16xf32>
        tpu.vector_store %arg7[%swap3A_313, %swap3A_314], %swap3A_317 {strides = array<i32>} : memref<128x128xf32, #tpu.memory_space<vmem>>, vector<1x16xf32>,
        %get3A_318 = arith.index_cast %scan3A_295 : i32 to index
        %get3A_319 = arith.constant 32 : index
        %get3A_320 = tpu.vector_load %arg7[%get3A_318, %get3A_319] {strides = array<i32>} : memref<128x128xf32, #tpu.memory_space<vmem>>, vector<1x16xf32>,
        %get3A_321 = vector.shape_cast %get3A_320 : vector<1x16xf32> to vector<16xf32>
        %mul3A_322 = arith.constant 11.3137083 : f32
        %mul3A_323 = vector.broadcast %mul3A_322 : f32 to vector<16xf32>
        %mul3A_324 = arith.mulf %get3A_321, %mul3A_323 : vector<16xf32>
        %swap3A_325 = arith.index_cast %scan3A_295 : i32 to index
        %swap3A_326 = arith.constant 32 : index
        %swap3A_327 = tpu.vector_load %arg7[%swap3A_325, %swap3A_326] {strides = array<i32>} : memref<128x128xf32, #tpu.memory_space<vmem>>, vector<1x16xf32>,
        %swap3A_328 = vector.shape_cast %swap3A_327 : vector<1x16xf32> to vector<16xf32>
        %swap3A_329 = vector.shape_cast %mul3A_324 : vector<16xf32> to vector<1x16xf32>
        tpu.vector_store %arg7[%swap3A_325, %swap3A_326], %swap3A_329 {strides = array<i32>} : memref<128x128xf32, #tpu.memory_space<vmem>>, vector<1x16xf32>,
        %get3A_330 = arith.index_cast %scan3A_295 : i32 to index
        %get3A_331 = arith.constant 48 : index
        %get3A_332 = tpu.vector_load %arg7[%get3A_330, %get3A_331] {strides = array<i32>} : memref<128x128xf32, #tpu.memory_space<vmem>>, vector<1x16xf32>,
        %get3A_333 = vector.shape_cast %get3A_332 : vector<1x16xf32> to vector<16xf32>
        %mul3A_334 = arith.constant 11.3137083 : f32
        %mul3A_335 = vector.broadcast %mul3A_334 : f32 to vector<16xf32>
        %mul3A_336 = arith.mulf %get3A_333, %mul3A_335 : vector<16xf32>
        %swap3A_337 = arith.index_cast %scan3A_295 : i32 to index
        %swap3A_338 = arith.constant 48 : index
        %swap3A_339 = tpu.vector_load %arg7[%swap3A_337, %swap3A_338] {strides = array<i32>} : memref<128x128xf32, #tpu.memory_space<vmem>>, vector<1x16xf32>,
        %swap3A_340 = vector.shape_cast %swap3A_339 : vector<1x16xf32> to vector<16xf32>
        %swap3A_341 = vector.shape_cast %mul3A_336 : vector<16xf32> to vector<1x16xf32>
        tpu.vector_store %arg7[%swap3A_337, %swap3A_338], %swap3A_341 {strides = array<i32>} : memref<128x128xf32, #tpu.memory_space<vmem>>, vector<1x16xf32>,
        %get3A_342 = arith.index_cast %scan3A_295 : i32 to index
        %get3A_343 = arith.constant 64 : index
        %get3A_344 = tpu.vector_load %arg7[%get3A_342, %get3A_343] {strides = array<i32>} : memref<128x128xf32, #tpu.memory_space<vmem>>, vector<1x16xf32>,
        %get3A_345 = vector.shape_cast %get3A_344 : vector<1x16xf32> to vector<16xf32>
        %mul3A_346 = arith.constant 11.3137083 : f32
        %mul3A_347 = vector.broadcast %mul3A_346 : f32 to vector<16xf32>
        %mul3A_348 = arith.mulf %get3A_345, %mul3A_347 : vector<16xf32>
        %swap3A_349 = arith.index_cast %scan3A_295 : i32 to index
        %swap3A_350 = arith.constant 64 : index
        %swap3A_351 = tpu.vector_load %arg7[%swap3A_349, %swap3A_350] {strides = array<i32>} : memref<128x128xf32, #tpu.memory_space<vmem>>, vector<1x16xf32>,
        %swap3A_352 = vector.shape_cast %swap3A_351 : vector<1x16xf32> to vector<16xf32>
        %swap3A_353 = vector.shape_cast %mul3A_348 : vector<16xf32> to vector<1x16xf32>
        tpu.vector_store %arg7[%swap3A_349, %swap3A_350], %swap3A_353 {strides = array<i32>} : memref<128x128xf32, #tpu.memory_space<vmem>>, vector<1x16xf32>,
        %get3A_354 = arith.index_cast %scan3A_295 : i32 to index
        %get3A_355 = arith.constant 80 : index
        %get3A_356 = tpu.vector_load %arg7[%get3A_354, %get3A_355] {strides = array<i32>} : memref<128x128xf32, #tpu.memory_space<vmem>>, vector<1x16xf32>,
        %get3A_357 = vector.shape_cast %get3A_356 : vector<1x16xf32> to vector<16xf32>
        %mul3A_358 = arith.constant 11.3137083 : f32
        %mul3A_359 = vector.broadcast %mul3A_358 : f32 to vector<16xf32>
        %mul3A_360 = arith.mulf %get3A_357, %mul3A_359 : vector<16xf32>
        %swap3A_361 = arith.index_cast %scan3A_295 : i32 to index
        %swap3A_362 = arith.constant 80 : index
        %swap3A_363 = tpu.vector_load %arg7[%swap3A_361, %swap3A_362] {strides = array<i32>} : memref<128x128xf32, #tpu.memory_space<vmem>>, vector<1x16xf32>,
        %swap3A_364 = vector.shape_cast %swap3A_363 : vector<1x16xf32> to vector<16xf32>
        %swap3A_365 = vector.shape_cast %mul3A_360 : vector<16xf32> to vector<1x16xf32>
        tpu.vector_store %arg7[%swap3A_361, %swap3A_362], %swap3A_365 {strides = array<i32>} : memref<128x128xf32, #tpu.memory_space<vmem>>, vector<1x16xf32>,
        %get3A_366 = arith.index_cast %scan3A_295 : i32 to index
        %get3A_367 = arith.constant 96 : index
        %get3A_368 = tpu.vector_load %arg7[%get3A_366, %get3A_367] {strides = array<i32>} : memref<128x128xf32, #tpu.memory_space<vmem>>, vector<1x16xf32>,
        %get3A_369 = vector.shape_cast %get3A_368 : vector<1x16xf32> to vector<16xf32>
        %mul3A_370 = arith.constant 11.3137083 : f32
        %mul3A_371 = vector.broadcast %mul3A_370 : f32 to vector<16xf32>
        %mul3A_372 = arith.mulf %get3A_369, %mul3A_371 : vector<16xf32>
        %swap3A_373 = arith.index_cast %scan3A_295 : i32 to index
        %swap3A_374 = arith.constant 96 : index
        %swap3A_375 = tpu.vector_load %arg7[%swap3A_373, %swap3A_374] {strides = array<i32>} : memref<128x128xf32, #tpu.memory_space<vmem>>, vector<1x16xf32>,
        %swap3A_376 = vector.shape_cast %swap3A_375 : vector<1x16xf32> to vector<16xf32>
        %swap3A_377 = vector.shape_cast %mul3A_372 : vector<16xf32> to vector<1x16xf32>
        tpu.vector_store %arg7[%swap3A_373, %swap3A_374], %swap3A_377 {strides = array<i32>} : memref<128x128xf32, #tpu.memory_space<vmem>>, vector<1x16xf32>,
        %get3A_378 = arith.index_cast %scan3A_295 : i32 to index
        %get3A_379 = arith.constant 112 : index
        %get3A_380 = tpu.vector_load %arg7[%get3A_378, %get3A_379] {strides = array<i32>} : memref<128x128xf32, #tpu.memory_space<vmem>>, vector<1x16xf32>,
        %get3A_381 = vector.shape_cast %get3A_380 : vector<1x16xf32> to vector<16xf32>
        %mul3A_382 = arith.constant 11.3137083 : f32
        %mul3A_383 = vector.broadcast %mul3A_382 : f32 to vector<16xf32>
        %mul3A_384 = arith.mulf %get3A_381, %mul3A_383 : vector<16xf32>
        %swap3A_385 = arith.index_cast %scan3A_295 : i32 to index
        %swap3A_386 = arith.constant 112 : index
        %swap3A_387 = tpu.vector_load %arg7[%swap3A_385, %swap3A_386] {strides = array<i32>} : memref<128x128xf32, #tpu.memory_space<vmem>>, vector<1x16xf32>,
        %swap3A_388 = vector.shape_cast %swap3A_387 : vector<1x16xf32> to vector<16xf32>
        %swap3A_389 = vector.shape_cast %mul3A_384 : vector<16xf32> to vector<1x16xf32>
        tpu.vector_store %arg7[%swap3A_385, %swap3A_386], %swap3A_389 {strides = array<i32>} : memref<128x128xf32, #tpu.memory_space<vmem>>, vector<1x16xf32>,
        %scan3A_390 = arith.constant 1 : i32
        %scan3A_391 = arith.addi %scan3A_295, %scan3A_390 : i32
        %get3A_392 = arith.index_cast %scan3A_391 : i32 to index
        %get3A_393 = arith.constant 0 : index
        %get3A_394 = tpu.vector_load %arg7[%get3A_392, %get3A_393] {strides = array<i32>} : memref<128x128xf32, #tpu.memory_space<vmem>>, vector<1x16xf32>,
        %get3A_395 = vector.shape_cast %get3A_394 : vector<1x16xf32> to vector<16xf32>
        %mul3A_396 = arith.constant 11.3137083 : f32
        %mul3A_397 = vector.broadcast %mul3A_396 : f32 to vector<16xf32>
        %mul3A_398 = arith.mulf %get3A_395, %mul3A_397 : vector<16xf32>
        %swap3A_399 = arith.index_cast %scan3A_391 : i32 to index
        %swap3A_400 = arith.constant 0 : index
        %swap3A_401 = tpu.vector_load %arg7[%swap3A_399, %swap3A_400] {strides = array<i32>} : memref<128x128xf32, #tpu.memory_space<vmem>>, vector<1x16xf32>,
        %swap3A_402 = vector.shape_cast %swap3A_401 : vector<1x16xf32> to vector<16xf32>
        %swap3A_403 = vector.shape_cast %mul3A_398 : vector<16xf32> to vector<1x16xf32>
        tpu.vector_store %arg7[%swap3A_399, %swap3A_400], %swap3A_403 {strides = array<i32>} : memref<128x128xf32, #tpu.memory_space<vmem>>, vector<1x16xf32>,
        %get3A_404 = arith.index_cast %scan3A_391 : i32 to index
        %get3A_405 = arith.constant 16 : index
        %get3A_406 = tpu.vector_load %arg7[%get3A_404, %get3A_405] {strides = array<i32>} : memref<128x128xf32, #tpu.memory_space<vmem>>, vector<1x16xf32>,
        %get3A_407 = vector.shape_cast %get3A_406 : vector<1x16xf32> to vector<16xf32>
        %mul3A_408 = arith.constant 11.3137083 : f32
        %mul3A_409 = vector.broadcast %mul3A_408 : f32 to vector<16xf32>
        %mul3A_410 = arith.mulf %get3A_407, %mul3A_409 : vector<16xf32>
        %swap3A_411 = arith.index_cast %scan3A_391 : i32 to index
        %swap3A_412 = arith.constant 16 : index
        %swap3A_413 = tpu.vector_load %arg7[%swap3A_411, %swap3A_412] {strides = array<i32>} : memref<128x128xf32, #tpu.memory_space<vmem>>, vector<1x16xf32>,
        %swap3A_414 = vector.shape_cast %swap3A_413 : vector<1x16xf32> to vector<16xf32>
        %swap3A_415 = vector.shape_cast %mul3A_410 : vector<16xf32> to vector<1x16xf32>
        tpu.vector_store %arg7[%swap3A_411, %swap3A_412], %swap3A_415 {strides = array<i32>} : memref<128x128xf32, #tpu.memory_space<vmem>>, vector<1x16xf32>,
        %get3A_416 = arith.index_cast %scan3A_391 : i32 to index
        %get3A_417 = arith.constant 32 : index
        %get3A_418 = tpu.vector_load %arg7[%get3A_416, %get3A_417] {strides = array<i32>} : memref<128x128xf32, #tpu.memory_space<vmem>>, vector<1x16xf32>,
        %get3A_419 = vector.shape_cast %get3A_418 : vector<1x16xf32> to vector<16xf32>
        %mul3A_420 = arith.constant 11.3137083 : f32
        %mul3A_421 = vector.broadcast %mul3A_420 : f32 to vector<16xf32>
        %mul3A_422 = arith.mulf %get3A_419, %mul3A_421 : vector<16xf32>
        %swap3A_423 = arith.index_cast %scan3A_391 : i32 to index
        %swap3A_424 = arith.constant 32 : index
        %swap3A_425 = tpu.vector_load %arg7[%swap3A_423, %swap3A_424] {strides = array<i32>} : memref<128x128xf32, #tpu.memory_space<vmem>>, vector<1x16xf32>,
        %swap3A_426 = vector.shape_cast %swap3A_425 : vector<1x16xf32> to vector<16xf32>
        %swap3A_427 = vector.shape_cast %mul3A_422 : vector<16xf32> to vector<1x16xf32>
        tpu.vector_store %arg7[%swap3A_423, %swap3A_424], %swap3A_427 {strides = array<i32>} : memref<128x128xf32, #tpu.memory_space<vmem>>, vector<1x16xf32>,
        %get3A_428 = arith.index_cast %scan3A_391 : i32 to index
        %get3A_429 = arith.constant 48 : index
        %get3A_430 = tpu.vector_load %arg7[%get3A_428, %get3A_429] {strides = array<i32>} : memref<128x128xf32, #tpu.memory_space<vmem>>, vector<1x16xf32>,
        %get3A_431 = vector.shape_cast %get3A_430 : vector<1x16xf32> to vector<16xf32>
        %mul3A_432 = arith.constant 11.3137083 : f32
        %mul3A_433 = vector.broadcast %mul3A_432 : f32 to vector<16xf32>
        %mul3A_434 = arith.mulf %get3A_431, %mul3A_433 : vector<16xf32>
        %swap3A_435 = arith.index_cast %scan3A_391 : i32 to index
        %swap3A_436 = arith.constant 48 : index
        %swap3A_437 = tpu.vector_load %arg7[%swap3A_435, %swap3A_436] {strides = array<i32>} : memref<128x128xf32, #tpu.memory_space<vmem>>, vector<1x16xf32>,
        %swap3A_438 = vector.shape_cast %swap3A_437 : vector<1x16xf32> to vector<16xf32>
        %swap3A_439 = vector.shape_cast %mul3A_434 : vector<16xf32> to vector<1x16xf32>
        tpu.vector_store %arg7[%swap3A_435, %swap3A_436], %swap3A_439 {strides = array<i32>} : memref<128x128xf32, #tpu.memory_space<vmem>>, vector<1x16xf32>,
        %get3A_440 = arith.index_cast %scan3A_391 : i32 to index
        %get3A_441 = arith.constant 64 : index
        %get3A_442 = tpu.vector_load %arg7[%get3A_440, %get3A_441] {strides = array<i32>} : memref<128x128xf32, #tpu.memory_space<vmem>>, vector<1x16xf32>,
        %get3A_443 = vector.shape_cast %get3A_442 : vector<1x16xf32> to vector<16xf32>
        %mul3A_444 = arith.constant 11.3137083 : f32
        %mul3A_445 = vector.broadcast %mul3A_444 : f32 to vector<16xf32>
        %mul3A_446 = arith.mulf %get3A_443, %mul3A_445 : vector<16xf32>
        %swap3A_447 = arith.index_cast %scan3A_391 : i32 to index
        %swap3A_448 = arith.constant 64 : index
        %swap3A_449 = tpu.vector_load %arg7[%swap3A_447, %swap3A_448] {strides = array<i32>} : memref<128x128xf32, #tpu.memory_space<vmem>>, vector<1x16xf32>,
        %swap3A_450 = vector.shape_cast %swap3A_449 : vector<1x16xf32> to vector<16xf32>
        %swap3A_451 = vector.shape_cast %mul3A_446 : vector<16xf32> to vector<1x16xf32>
        tpu.vector_store %arg7[%swap3A_447, %swap3A_448], %swap3A_451 {strides = array<i32>} : memref<128x128xf32, #tpu.memory_space<vmem>>, vector<1x16xf32>,
        %get3A_452 = arith.index_cast %scan3A_391 : i32 to index
        %get3A_453 = arith.constant 80 : index
        %get3A_454 = tpu.vector_load %arg7[%get3A_452, %get3A_453] {strides = array<i32>} : memref<128x128xf32, #tpu.memory_space<vmem>>, vector<1x16xf32>,
        %get3A_455 = vector.shape_cast %get3A_454 : vector<1x16xf32> to vector<16xf32>
        %mul3A_456 = arith.constant 11.3137083 : f32
        %mul3A_457 = vector.broadcast %mul3A_456 : f32 to vector<16xf32>
        %mul3A_458 = arith.mulf %get3A_455, %mul3A_457 : vector<16xf32>
        %swap3A_459 = arith.index_cast %scan3A_391 : i32 to index
        %swap3A_460 = arith.constant 80 : index
        %swap3A_461 = tpu.vector_load %arg7[%swap3A_459, %swap3A_460] {strides = array<i32>} : memref<128x128xf32, #tpu.memory_space<vmem>>, vector<1x16xf32>,
        %swap3A_462 = vector.shape_cast %swap3A_461 : vector<1x16xf32> to vector<16xf32>
        %swap3A_463 = vector.shape_cast %mul3A_458 : vector<16xf32> to vector<1x16xf32>
        tpu.vector_store %arg7[%swap3A_459, %swap3A_460], %swap3A_463 {strides = array<i32>} : memref<128x128xf32, #tpu.memory_space<vmem>>, vector<1x16xf32>,
        %get3A_464 = arith.index_cast %scan3A_391 : i32 to index
        %get3A_465 = arith.constant 96 : index
        %get3A_466 = tpu.vector_load %arg7[%get3A_464, %get3A_465] {strides = array<i32>} : memref<128x128xf32, #tpu.memory_space<vmem>>, vector<1x16xf32>,
        %get3A_467 = vector.shape_cast %get3A_466 : vector<1x16xf32> to vector<16xf32>
        %mul3A_468 = arith.constant 11.3137083 : f32
        %mul3A_469 = vector.broadcast %mul3A_468 : f32 to vector<16xf32>
        %mul3A_470 = arith.mulf %get3A_467, %mul3A_469 : vector<16xf32>
        %swap3A_471 = arith.index_cast %scan3A_391 : i32 to index
        %swap3A_472 = arith.constant 96 : index
        %swap3A_473 = tpu.vector_load %arg7[%swap3A_471, %swap3A_472] {strides = array<i32>} : memref<128x128xf32, #tpu.memory_space<vmem>>, vector<1x16xf32>,
        %swap3A_474 = vector.shape_cast %swap3A_473 : vector<1x16xf32> to vector<16xf32>
        %swap3A_475 = vector.shape_cast %mul3A_470 : vector<16xf32> to vector<1x16xf32>
        tpu.vector_store %arg7[%swap3A_471, %swap3A_472], %swap3A_475 {strides = array<i32>} : memref<128x128xf32, #tpu.memory_space<vmem>>, vector<1x16xf32>,
        %get3A_476 = arith.index_cast %scan3A_391 : i32 to index
        %get3A_477 = arith.constant 112 : index
        %get3A_478 = tpu.vector_load %arg7[%get3A_476, %get3A_477] {strides = array<i32>} : memref<128x128xf32, #tpu.memory_space<vmem>>, vector<1x16xf32>,
        %get3A_479 = vector.shape_cast %get3A_478 : vector<1x16xf32> to vector<16xf32>
        %mul3A_480 = arith.constant 11.3137083 : f32
        %mul3A_481 = vector.broadcast %mul3A_480 : f32 to vector<16xf32>
        %mul3A_482 = arith.mulf %get3A_479, %mul3A_481 : vector<16xf32>
        %swap3A_483 = arith.index_cast %scan3A_391 : i32 to index
        %swap3A_484 = arith.constant 112 : index
        %swap3A_485 = tpu.vector_load %arg7[%swap3A_483, %swap3A_484] {strides = array<i32>} : memref<128x128xf32, #tpu.memory_space<vmem>>, vector<1x16xf32>,
        %swap3A_486 = vector.shape_cast %swap3A_485 : vector<1x16xf32> to vector<16xf32>
        %swap3A_487 = vector.shape_cast %mul3A_482 : vector<16xf32> to vector<1x16xf32>
        tpu.vector_store %arg7[%swap3A_483, %swap3A_484], %swap3A_487 {strides = array<i32>} : memref<128x128xf32, #tpu.memory_space<vmem>>, vector<1x16xf32>,
      }
      %scan3A_204 = arith.constant 128 : i32
      %mul3A_205 = arith.constant 128 : i32
      %mul3A_206 = arith.muli %add3A_180, %mul3A_205 : i32
      %add3A_207 = arith.addi %mul3A_2, %mul3A_206 : i32
      "tpu.region"() ({
        %run_scoped3A = tpu.sem_alloc : memref<!tpu.dma_semaphore, #tpu.memory_space<semaphore_mem>>
        %dma_start3A_295 = arith.constant 0 : i32
        %dma_start3A_296 = tpu.memref_slice %arg4[%add3A_207, %dma_start3A_295] : memref<204800x128xf32, #tpu.memory_space<hbm>> -> memref<128x128xf32, #tpu.memory_space<hbm>>
        %dma_start3A_297 = arith.constant 0 : i32
        %dma_start3A_298 = tpu.memref_slice %arg4[%add3A_207, %dma_start3A_297] : memref<204800x128xf32, #tpu.memory_space<hbm>> -> memref<128x128xf32, #tpu.memory_space<hbm>>
        tpu.enqueue_dma source(%arg7 : memref<128x128xf32, #tpu.memory_space<vmem>>) target(%dma_start3A_298 : memref<128x128xf32, #tpu.memory_space<hbm>>) target_semaphore(%run_scoped3A : memref<!tpu.dma_semaphore, #tpu.memory_space<semaphore_mem>>)
        %dma_wait3A_299 = arith.constant 0 : i32
        %dma_wait3A_300 = tpu.memref_slice %arg4[%add3A_207, %dma_wait3A_299] : memref<204800x128xf32, #tpu.memory_space<hbm>> -> memref<128x128xf32, #tpu.memory_space<hbm>>
        %dma_wait3A_301 = arith.constant 0 : i32
        %dma_wait3A_302 = tpu.memref_slice %arg4[%add3A_207, %dma_wait3A_301] : memref<204800x128xf32, #tpu.memory_space<hbm>> -> memref<128x128xf32, #tpu.memory_space<hbm>>
        tpu.wait_dma2 semaphore(%run_scoped3A : memref<!tpu.dma_semaphore, #tpu.memory_space<semaphore_mem>>) src(%arg7 : memref<128x128xf32, #tpu.memory_space<vmem>>) dst(%dma_wait3A_302 : memref<128x128xf32, #tpu.memory_space<hbm>>)
        tpu.yield
      }) : () -> ()
      %add3A_208 = arith.constant 2 : i32
      %add3A_209 = arith.addi %mul3A_152, %add3A_208 : i32
      %add3A_210 = arith.constant 3 : i32
      %add3A_211 = arith.addi %add3A_209, %add3A_210 : i32
      %lt3A_212 = arith.constant 50 : i32
      %lt3A_213 = arith.cmpi slt, %add3A_211, %lt3A_212 : i32
      %convert_element_type3A_214 = arith.extui %lt3A_213 : i1 to i32
      %cond3A_215 = arith.constant 0 : i32
      %cond3A_216 = arith.cmpi ne, %convert_element_type3A_214, %cond3A_215 : i32
      scf.if %cond3A_216 {
        %mul3A_295 = arith.constant 128 : i32
        %mul3A_296 = arith.muli %add3A_211, %mul3A_295 : i32
        %add3A_297 = arith.constant 0 : i32
        %add3A_298 = arith.addi %mul3A_296, %add3A_297 : i32
        %dma_start3A_299 = arith.constant 0 : i32
        %dma_start3A_300 = arith.constant 0 : i32
        %dma_start3A_301 = tpu.memref_slice %arg6[%dma_start3A_299, %dma_start3A_300] : memref<128x128xf32, #tpu.memory_space<vmem>> -> memref<128x128xf32, #tpu.memory_space<vmem>>
        %dma_start3A_302 = tpu.memref_slice %arg5[%add3A_298] : memref<6400xi32, #tpu.memory_space<vmem>> -> memref<128xi32, #tpu.memory_space<vmem>>
        %dma_start3A_303 = arith.constant 0 : i32
        %dma_start3A_304 = arith.constant 0 : i32
        %dma_start3A_305 = tpu.memref_slice %arg3[%dma_start3A_303, %dma_start3A_304] : memref<100000x128xf32, #tpu.memory_space<hbm>> -> memref<100000x128xf32, #tpu.memory_space<hbm>>
        tpu.enqueue_indirect_dma source(%dma_start3A_305 : memref<100000x128xf32, #tpu.memory_space<hbm>>) target(%dma_start3A_301 : memref<128x128xf32, #tpu.memory_space<vmem>>) offsets(%dma_start3A_302 : memref<128xi32, #tpu.memory_space<vmem>>) semaphore(%arg11 : memref<!tpu.dma_semaphore, #tpu.memory_space<semaphore_mem>>)
      } else {
      }
      %mul3A_217 = arith.constant 128 : i32
      %mul3A_218 = arith.muli %add3A_209, %mul3A_217 : i32
      %add3A_219 = arith.constant 0 : i32
      %add3A_220 = arith.addi %mul3A_218, %add3A_219 : i32
      %dma_wait3A_221 = arith.constant 0 : i32
      %dma_wait3A_222 = arith.constant 0 : i32
      %dma_wait3A_223 = tpu.memref_slice %arg8[%dma_wait3A_221, %dma_wait3A_222] : memref<128x128xf32, #tpu.memory_space<vmem>> -> memref<128x128xf32, #tpu.memory_space<vmem>>
      %dma_wait3A_224 = tpu.memref_slice %arg5[%add3A_220] : memref<6400xi32, #tpu.memory_space<vmem>> -> memref<128xi32, #tpu.memory_space<vmem>>
      %dma_wait3A_225 = arith.constant 0 : i32
      %dma_wait3A_226 = arith.constant 0 : i32
      %dma_wait3A_227 = tpu.memref_slice %arg3[%dma_wait3A_225, %dma_wait3A_226] : memref<100000x128xf32, #tpu.memory_space<hbm>> -> memref<100000x128xf32, #tpu.memory_space<hbm>>
      tpu.wait_indirect_dma semaphore(%arg13 : memref<!tpu.dma_semaphore, #tpu.memory_space<semaphore_mem>>) src(%dma_wait3A_227 : memref<100000x128xf32, #tpu.memory_space<hbm>>) dst(%dma_wait3A_223 : memref<128x128xf32, #tpu.memory_space<vmem>>)
      %scan3A_228 = arith.constant 0 : i32
      %scan3A_229 = arith.constant 0 : i32
      %scan3A_230 = arith.constant 128 : i32
      %scan3A_231 = arith.addi %scan3A_229, %scan3A_230 : i32
      %scan3A_232 = arith.constant 2 : i32
      scf.for %scan3A_295 = %scan3A_229 to %scan3A_231 step %scan3A_232  : i32 {
        %get3A = arith.index_cast %scan3A_295 : i32 to index
        %get3A_296 = arith.constant 0 : index
        %get3A_297 = tpu.vector_load %arg8[%get3A, %get3A_296] {strides = array<i32>} : memref<128x128xf32, #tpu.memory_space<vmem>>, vector<1x16xf32>,
        %get3A_298 = vector.shape_cast %get3A_297 : vector<1x16xf32> to vector<16xf32>
        %mul3A_299 = arith.constant 11.3137083 : f32
        %mul3A_300 = vector.broadcast %mul3A_299 : f32 to vector<16xf32>
        %mul3A_301 = arith.mulf %get3A_298, %mul3A_300 : vector<16xf32>
        %swap3A = arith.index_cast %scan3A_295 : i32 to index
        %swap3A_302 = arith.constant 0 : index
        %swap3A_303 = tpu.vector_load %arg8[%swap3A, %swap3A_302] {strides = array<i32>} : memref<128x128xf32, #tpu.memory_space<vmem>>, vector<1x16xf32>,
        %swap3A_304 = vector.shape_cast %swap3A_303 : vector<1x16xf32> to vector<16xf32>
        %swap3A_305 = vector.shape_cast %mul3A_301 : vector<16xf32> to vector<1x16xf32>
        tpu.vector_store %arg8[%swap3A, %swap3A_302], %swap3A_305 {strides = array<i32>} : memref<128x128xf32, #tpu.memory_space<vmem>>, vector<1x16xf32>,
        %get3A_306 = arith.index_cast %scan3A_295 : i32 to index
        %get3A_307 = arith.constant 16 : index
        %get3A_308 = tpu.vector_load %arg8[%get3A_306, %get3A_307] {strides = array<i32>} : memref<128x128xf32, #tpu.memory_space<vmem>>, vector<1x16xf32>,
        %get3A_309 = vector.shape_cast %get3A_308 : vector<1x16xf32> to vector<16xf32>
        %mul3A_310 = arith.constant 11.3137083 : f32
        %mul3A_311 = vector.broadcast %mul3A_310 : f32 to vector<16xf32>
        %mul3A_312 = arith.mulf %get3A_309, %mul3A_311 : vector<16xf32>
        %swap3A_313 = arith.index_cast %scan3A_295 : i32 to index
        %swap3A_314 = arith.constant 16 : index
        %swap3A_315 = tpu.vector_load %arg8[%swap3A_313, %swap3A_314] {strides = array<i32>} : memref<128x128xf32, #tpu.memory_space<vmem>>, vector<1x16xf32>,
        %swap3A_316 = vector.shape_cast %swap3A_315 : vector<1x16xf32> to vector<16xf32>
        %swap3A_317 = vector.shape_cast %mul3A_312 : vector<16xf32> to vector<1x16xf32>
        tpu.vector_store %arg8[%swap3A_313, %swap3A_314], %swap3A_317 {strides = array<i32>} : memref<128x128xf32, #tpu.memory_space<vmem>>, vector<1x16xf32>,
        %get3A_318 = arith.index_cast %scan3A_295 : i32 to index
        %get3A_319 = arith.constant 32 : index
        %get3A_320 = tpu.vector_load %arg8[%get3A_318, %get3A_319] {strides = array<i32>} : memref<128x128xf32, #tpu.memory_space<vmem>>, vector<1x16xf32>,
        %get3A_321 = vector.shape_cast %get3A_320 : vector<1x16xf32> to vector<16xf32>
        %mul3A_322 = arith.constant 11.3137083 : f32
        %mul3A_323 = vector.broadcast %mul3A_322 : f32 to vector<16xf32>
        %mul3A_324 = arith.mulf %get3A_321, %mul3A_323 : vector<16xf32>
        %swap3A_325 = arith.index_cast %scan3A_295 : i32 to index
        %swap3A_326 = arith.constant 32 : index
        %swap3A_327 = tpu.vector_load %arg8[%swap3A_325, %swap3A_326] {strides = array<i32>} : memref<128x128xf32, #tpu.memory_space<vmem>>, vector<1x16xf32>,
        %swap3A_328 = vector.shape_cast %swap3A_327 : vector<1x16xf32> to vector<16xf32>
        %swap3A_329 = vector.shape_cast %mul3A_324 : vector<16xf32> to vector<1x16xf32>
        tpu.vector_store %arg8[%swap3A_325, %swap3A_326], %swap3A_329 {strides = array<i32>} : memref<128x128xf32, #tpu.memory_space<vmem>>, vector<1x16xf32>,
        %get3A_330 = arith.index_cast %scan3A_295 : i32 to index
        %get3A_331 = arith.constant 48 : index
        %get3A_332 = tpu.vector_load %arg8[%get3A_330, %get3A_331] {strides = array<i32>} : memref<128x128xf32, #tpu.memory_space<vmem>>, vector<1x16xf32>,
        %get3A_333 = vector.shape_cast %get3A_332 : vector<1x16xf32> to vector<16xf32>
        %mul3A_334 = arith.constant 11.3137083 : f32
        %mul3A_335 = vector.broadcast %mul3A_334 : f32 to vector<16xf32>
        %mul3A_336 = arith.mulf %get3A_333, %mul3A_335 : vector<16xf32>
        %swap3A_337 = arith.index_cast %scan3A_295 : i32 to index
        %swap3A_338 = arith.constant 48 : index
        %swap3A_339 = tpu.vector_load %arg8[%swap3A_337, %swap3A_338] {strides = array<i32>} : memref<128x128xf32, #tpu.memory_space<vmem>>, vector<1x16xf32>,
        %swap3A_340 = vector.shape_cast %swap3A_339 : vector<1x16xf32> to vector<16xf32>
        %swap3A_341 = vector.shape_cast %mul3A_336 : vector<16xf32> to vector<1x16xf32>
        tpu.vector_store %arg8[%swap3A_337, %swap3A_338], %swap3A_341 {strides = array<i32>} : memref<128x128xf32, #tpu.memory_space<vmem>>, vector<1x16xf32>,
        %get3A_342 = arith.index_cast %scan3A_295 : i32 to index
        %get3A_343 = arith.constant 64 : index
        %get3A_344 = tpu.vector_load %arg8[%get3A_342, %get3A_343] {strides = array<i32>} : memref<128x128xf32, #tpu.memory_space<vmem>>, vector<1x16xf32>,
        %get3A_345 = vector.shape_cast %get3A_344 : vector<1x16xf32> to vector<16xf32>
        %mul3A_346 = arith.constant 11.3137083 : f32
        %mul3A_347 = vector.broadcast %mul3A_346 : f32 to vector<16xf32>
        %mul3A_348 = arith.mulf %get3A_345, %mul3A_347 : vector<16xf32>
        %swap3A_349 = arith.index_cast %scan3A_295 : i32 to index
        %swap3A_350 = arith.constant 64 : index
        %swap3A_351 = tpu.vector_load %arg8[%swap3A_349, %swap3A_350] {strides = array<i32>} : memref<128x128xf32, #tpu.memory_space<vmem>>, vector<1x16xf32>,
        %swap3A_352 = vector.shape_cast %swap3A_351 : vector<1x16xf32> to vector<16xf32>
        %swap3A_353 = vector.shape_cast %mul3A_348 : vector<16xf32> to vector<1x16xf32>
        tpu.vector_store %arg8[%swap3A_349, %swap3A_350], %swap3A_353 {strides = array<i32>} : memref<128x128xf32, #tpu.memory_space<vmem>>, vector<1x16xf32>,
        %get3A_354 = arith.index_cast %scan3A_295 : i32 to index
        %get3A_355 = arith.constant 80 : index
        %get3A_356 = tpu.vector_load %arg8[%get3A_354, %get3A_355] {strides = array<i32>} : memref<128x128xf32, #tpu.memory_space<vmem>>, vector<1x16xf32>,
        %get3A_357 = vector.shape_cast %get3A_356 : vector<1x16xf32> to vector<16xf32>
        %mul3A_358 = arith.constant 11.3137083 : f32
        %mul3A_359 = vector.broadcast %mul3A_358 : f32 to vector<16xf32>
        %mul3A_360 = arith.mulf %get3A_357, %mul3A_359 : vector<16xf32>
        %swap3A_361 = arith.index_cast %scan3A_295 : i32 to index
        %swap3A_362 = arith.constant 80 : index
        %swap3A_363 = tpu.vector_load %arg8[%swap3A_361, %swap3A_362] {strides = array<i32>} : memref<128x128xf32, #tpu.memory_space<vmem>>, vector<1x16xf32>,
        %swap3A_364 = vector.shape_cast %swap3A_363 : vector<1x16xf32> to vector<16xf32>
        %swap3A_365 = vector.shape_cast %mul3A_360 : vector<16xf32> to vector<1x16xf32>
        tpu.vector_store %arg8[%swap3A_361, %swap3A_362], %swap3A_365 {strides = array<i32>} : memref<128x128xf32, #tpu.memory_space<vmem>>, vector<1x16xf32>,
        %get3A_366 = arith.index_cast %scan3A_295 : i32 to index
        %get3A_367 = arith.constant 96 : index
        %get3A_368 = tpu.vector_load %arg8[%get3A_366, %get3A_367] {strides = array<i32>} : memref<128x128xf32, #tpu.memory_space<vmem>>, vector<1x16xf32>,
        %get3A_369 = vector.shape_cast %get3A_368 : vector<1x16xf32> to vector<16xf32>
        %mul3A_370 = arith.constant 11.3137083 : f32
        %mul3A_371 = vector.broadcast %mul3A_370 : f32 to vector<16xf32>
        %mul3A_372 = arith.mulf %get3A_369, %mul3A_371 : vector<16xf32>
        %swap3A_373 = arith.index_cast %scan3A_295 : i32 to index
        %swap3A_374 = arith.constant 96 : index
        %swap3A_375 = tpu.vector_load %arg8[%swap3A_373, %swap3A_374] {strides = array<i32>} : memref<128x128xf32, #tpu.memory_space<vmem>>, vector<1x16xf32>,
        %swap3A_376 = vector.shape_cast %swap3A_375 : vector<1x16xf32> to vector<16xf32>
        %swap3A_377 = vector.shape_cast %mul3A_372 : vector<16xf32> to vector<1x16xf32>
        tpu.vector_store %arg8[%swap3A_373, %swap3A_374], %swap3A_377 {strides = array<i32>} : memref<128x128xf32, #tpu.memory_space<vmem>>, vector<1x16xf32>,
        %get3A_378 = arith.index_cast %scan3A_295 : i32 to index
        %get3A_379 = arith.constant 112 : index
        %get3A_380 = tpu.vector_load %arg8[%get3A_378, %get3A_379] {strides = array<i32>} : memref<128x128xf32, #tpu.memory_space<vmem>>, vector<1x16xf32>,
        %get3A_381 = vector.shape_cast %get3A_380 : vector<1x16xf32> to vector<16xf32>
        %mul3A_382 = arith.constant 11.3137083 : f32
        %mul3A_383 = vector.broadcast %mul3A_382 : f32 to vector<16xf32>
        %mul3A_384 = arith.mulf %get3A_381, %mul3A_383 : vector<16xf32>
        %swap3A_385 = arith.index_cast %scan3A_295 : i32 to index
        %swap3A_386 = arith.constant 112 : index
        %swap3A_387 = tpu.vector_load %arg8[%swap3A_385, %swap3A_386] {strides = array<i32>} : memref<128x128xf32, #tpu.memory_space<vmem>>, vector<1x16xf32>,
        %swap3A_388 = vector.shape_cast %swap3A_387 : vector<1x16xf32> to vector<16xf32>
        %swap3A_389 = vector.shape_cast %mul3A_384 : vector<16xf32> to vector<1x16xf32>
        tpu.vector_store %arg8[%swap3A_385, %swap3A_386], %swap3A_389 {strides = array<i32>} : memref<128x128xf32, #tpu.memory_space<vmem>>, vector<1x16xf32>,
        %scan3A_390 = arith.constant 1 : i32
        %scan3A_391 = arith.addi %scan3A_295, %scan3A_390 : i32
        %get3A_392 = arith.index_cast %scan3A_391 : i32 to index
        %get3A_393 = arith.constant 0 : index
        %get3A_394 = tpu.vector_load %arg8[%get3A_392, %get3A_393] {strides = array<i32>} : memref<128x128xf32, #tpu.memory_space<vmem>>, vector<1x16xf32>,
        %get3A_395 = vector.shape_cast %get3A_394 : vector<1x16xf32> to vector<16xf32>
        %mul3A_396 = arith.constant 11.3137083 : f32
        %mul3A_397 = vector.broadcast %mul3A_396 : f32 to vector<16xf32>
        %mul3A_398 = arith.mulf %get3A_395, %mul3A_397 : vector<16xf32>
        %swap3A_399 = arith.index_cast %scan3A_391 : i32 to index
        %swap3A_400 = arith.constant 0 : index
        %swap3A_401 = tpu.vector_load %arg8[%swap3A_399, %swap3A_400] {strides = array<i32>} : memref<128x128xf32, #tpu.memory_space<vmem>>, vector<1x16xf32>,
        %swap3A_402 = vector.shape_cast %swap3A_401 : vector<1x16xf32> to vector<16xf32>
        %swap3A_403 = vector.shape_cast %mul3A_398 : vector<16xf32> to vector<1x16xf32>
        tpu.vector_store %arg8[%swap3A_399, %swap3A_400], %swap3A_403 {strides = array<i32>} : memref<128x128xf32, #tpu.memory_space<vmem>>, vector<1x16xf32>,
        %get3A_404 = arith.index_cast %scan3A_391 : i32 to index
        %get3A_405 = arith.constant 16 : index
        %get3A_406 = tpu.vector_load %arg8[%get3A_404, %get3A_405] {strides = array<i32>} : memref<128x128xf32, #tpu.memory_space<vmem>>, vector<1x16xf32>,
        %get3A_407 = vector.shape_cast %get3A_406 : vector<1x16xf32> to vector<16xf32>
        %mul3A_408 = arith.constant 11.3137083 : f32
        %mul3A_409 = vector.broadcast %mul3A_408 : f32 to vector<16xf32>
        %mul3A_410 = arith.mulf %get3A_407, %mul3A_409 : vector<16xf32>
        %swap3A_411 = arith.index_cast %scan3A_391 : i32 to index
        %swap3A_412 = arith.constant 16 : index
        %swap3A_413 = tpu.vector_load %arg8[%swap3A_411, %swap3A_412] {strides = array<i32>} : memref<128x128xf32, #tpu.memory_space<vmem>>, vector<1x16xf32>,
        %swap3A_414 = vector.shape_cast %swap3A_413 : vector<1x16xf32> to vector<16xf32>
        %swap3A_415 = vector.shape_cast %mul3A_410 : vector<16xf32> to vector<1x16xf32>
        tpu.vector_store %arg8[%swap3A_411, %swap3A_412], %swap3A_415 {strides = array<i32>} : memref<128x128xf32, #tpu.memory_space<vmem>>, vector<1x16xf32>,
        %get3A_416 = arith.index_cast %scan3A_391 : i32 to index
        %get3A_417 = arith.constant 32 : index
        %get3A_418 = tpu.vector_load %arg8[%get3A_416, %get3A_417] {strides = array<i32>} : memref<128x128xf32, #tpu.memory_space<vmem>>, vector<1x16xf32>,
        %get3A_419 = vector.shape_cast %get3A_418 : vector<1x16xf32> to vector<16xf32>
        %mul3A_420 = arith.constant 11.3137083 : f32
        %mul3A_421 = vector.broadcast %mul3A_420 : f32 to vector<16xf32>
        %mul3A_422 = arith.mulf %get3A_419, %mul3A_421 : vector<16xf32>
        %swap3A_423 = arith.index_cast %scan3A_391 : i32 to index
        %swap3A_424 = arith.constant 32 : index
        %swap3A_425 = tpu.vector_load %arg8[%swap3A_423, %swap3A_424] {strides = array<i32>} : memref<128x128xf32, #tpu.memory_space<vmem>>, vector<1x16xf32>,
        %swap3A_426 = vector.shape_cast %swap3A_425 : vector<1x16xf32> to vector<16xf32>
        %swap3A_427 = vector.shape_cast %mul3A_422 : vector<16xf32> to vector<1x16xf32>
        tpu.vector_store %arg8[%swap3A_423, %swap3A_424], %swap3A_427 {strides = array<i32>} : memref<128x128xf32, #tpu.memory_space<vmem>>, vector<1x16xf32>,
        %get3A_428 = arith.index_cast %scan3A_391 : i32 to index
        %get3A_429 = arith.constant 48 : index
        %get3A_430 = tpu.vector_load %arg8[%get3A_428, %get3A_429] {strides = array<i32>} : memref<128x128xf32, #tpu.memory_space<vmem>>, vector<1x16xf32>,
        %get3A_431 = vector.shape_cast %get3A_430 : vector<1x16xf32> to vector<16xf32>
        %mul3A_432 = arith.constant 11.3137083 : f32
        %mul3A_433 = vector.broadcast %mul3A_432 : f32 to vector<16xf32>
        %mul3A_434 = arith.mulf %get3A_431, %mul3A_433 : vector<16xf32>
        %swap3A_435 = arith.index_cast %scan3A_391 : i32 to index
        %swap3A_436 = arith.constant 48 : index
        %swap3A_437 = tpu.vector_load %arg8[%swap3A_435, %swap3A_436] {strides = array<i32>} : memref<128x128xf32, #tpu.memory_space<vmem>>, vector<1x16xf32>,
        %swap3A_438 = vector.shape_cast %swap3A_437 : vector<1x16xf32> to vector<16xf32>
        %swap3A_439 = vector.shape_cast %mul3A_434 : vector<16xf32> to vector<1x16xf32>
        tpu.vector_store %arg8[%swap3A_435, %swap3A_436], %swap3A_439 {strides = array<i32>} : memref<128x128xf32, #tpu.memory_space<vmem>>, vector<1x16xf32>,
        %get3A_440 = arith.index_cast %scan3A_391 : i32 to index
        %get3A_441 = arith.constant 64 : index
        %get3A_442 = tpu.vector_load %arg8[%get3A_440, %get3A_441] {strides = array<i32>} : memref<128x128xf32, #tpu.memory_space<vmem>>, vector<1x16xf32>,
        %get3A_443 = vector.shape_cast %get3A_442 : vector<1x16xf32> to vector<16xf32>
        %mul3A_444 = arith.constant 11.3137083 : f32
        %mul3A_445 = vector.broadcast %mul3A_444 : f32 to vector<16xf32>
        %mul3A_446 = arith.mulf %get3A_443, %mul3A_445 : vector<16xf32>
        %swap3A_447 = arith.index_cast %scan3A_391 : i32 to index
        %swap3A_448 = arith.constant 64 : index
        %swap3A_449 = tpu.vector_load %arg8[%swap3A_447, %swap3A_448] {strides = array<i32>} : memref<128x128xf32, #tpu.memory_space<vmem>>, vector<1x16xf32>,
        %swap3A_450 = vector.shape_cast %swap3A_449 : vector<1x16xf32> to vector<16xf32>
        %swap3A_451 = vector.shape_cast %mul3A_446 : vector<16xf32> to vector<1x16xf32>
        tpu.vector_store %arg8[%swap3A_447, %swap3A_448], %swap3A_451 {strides = array<i32>} : memref<128x128xf32, #tpu.memory_space<vmem>>, vector<1x16xf32>,
        %get3A_452 = arith.index_cast %scan3A_391 : i32 to index
        %get3A_453 = arith.constant 80 : index
        %get3A_454 = tpu.vector_load %arg8[%get3A_452, %get3A_453] {strides = array<i32>} : memref<128x128xf32, #tpu.memory_space<vmem>>, vector<1x16xf32>,
        %get3A_455 = vector.shape_cast %get3A_454 : vector<1x16xf32> to vector<16xf32>
        %mul3A_456 = arith.constant 11.3137083 : f32
        %mul3A_457 = vector.broadcast %mul3A_456 : f32 to vector<16xf32>
        %mul3A_458 = arith.mulf %get3A_455, %mul3A_457 : vector<16xf32>
        %swap3A_459 = arith.index_cast %scan3A_391 : i32 to index
        %swap3A_460 = arith.constant 80 : index
        %swap3A_461 = tpu.vector_load %arg8[%swap3A_459, %swap3A_460] {strides = array<i32>} : memref<128x128xf32, #tpu.memory_space<vmem>>, vector<1x16xf32>,
        %swap3A_462 = vector.shape_cast %swap3A_461 : vector<1x16xf32> to vector<16xf32>
        %swap3A_463 = vector.shape_cast %mul3A_458 : vector<16xf32> to vector<1x16xf32>
        tpu.vector_store %arg8[%swap3A_459, %swap3A_460], %swap3A_463 {strides = array<i32>} : memref<128x128xf32, #tpu.memory_space<vmem>>, vector<1x16xf32>,
        %get3A_464 = arith.index_cast %scan3A_391 : i32 to index
        %get3A_465 = arith.constant 96 : index
        %get3A_466 = tpu.vector_load %arg8[%get3A_464, %get3A_465] {strides = array<i32>} : memref<128x128xf32, #tpu.memory_space<vmem>>, vector<1x16xf32>,
        %get3A_467 = vector.shape_cast %get3A_466 : vector<1x16xf32> to vector<16xf32>
        %mul3A_468 = arith.constant 11.3137083 : f32
        %mul3A_469 = vector.broadcast %mul3A_468 : f32 to vector<16xf32>
        %mul3A_470 = arith.mulf %get3A_467, %mul3A_469 : vector<16xf32>
        %swap3A_471 = arith.index_cast %scan3A_391 : i32 to index
        %swap3A_472 = arith.constant 96 : index
        %swap3A_473 = tpu.vector_load %arg8[%swap3A_471, %swap3A_472] {strides = array<i32>} : memref<128x128xf32, #tpu.memory_space<vmem>>, vector<1x16xf32>,
        %swap3A_474 = vector.shape_cast %swap3A_473 : vector<1x16xf32> to vector<16xf32>
        %swap3A_475 = vector.shape_cast %mul3A_470 : vector<16xf32> to vector<1x16xf32>
        tpu.vector_store %arg8[%swap3A_471, %swap3A_472], %swap3A_475 {strides = array<i32>} : memref<128x128xf32, #tpu.memory_space<vmem>>, vector<1x16xf32>,
        %get3A_476 = arith.index_cast %scan3A_391 : i32 to index
        %get3A_477 = arith.constant 112 : index
        %get3A_478 = tpu.vector_load %arg8[%get3A_476, %get3A_477] {strides = array<i32>} : memref<128x128xf32, #tpu.memory_space<vmem>>, vector<1x16xf32>,
        %get3A_479 = vector.shape_cast %get3A_478 : vector<1x16xf32> to vector<16xf32>
        %mul3A_480 = arith.constant 11.3137083 : f32
        %mul3A_481 = vector.broadcast %mul3A_480 : f32 to vector<16xf32>
        %mul3A_482 = arith.mulf %get3A_479, %mul3A_481 : vector<16xf32>
        %swap3A_483 = arith.index_cast %scan3A_391 : i32 to index
        %swap3A_484 = arith.constant 112 : index
        %swap3A_485 = tpu.vector_load %arg8[%swap3A_483, %swap3A_484] {strides = array<i32>} : memref<128x128xf32, #tpu.memory_space<vmem>>, vector<1x16xf32>,
        %swap3A_486 = vector.shape_cast %swap3A_485 : vector<1x16xf32> to vector<16xf32>
        %swap3A_487 = vector.shape_cast %mul3A_482 : vector<16xf32> to vector<1x16xf32>
        tpu.vector_store %arg8[%swap3A_483, %swap3A_484], %swap3A_487 {strides = array<i32>} : memref<128x128xf32, #tpu.memory_space<vmem>>, vector<1x16xf32>,
      }
      %scan3A_233 = arith.constant 128 : i32
      %mul3A_234 = arith.constant 128 : i32
      %mul3A_235 = arith.muli %add3A_209, %mul3A_234 : i32
      %add3A_236 = arith.addi %mul3A_2, %mul3A_235 : i32
      "tpu.region"() ({
        %run_scoped3A = tpu.sem_alloc : memref<!tpu.dma_semaphore, #tpu.memory_space<semaphore_mem>>
        %dma_start3A_295 = arith.constant 0 : i32
        %dma_start3A_296 = tpu.memref_slice %arg4[%add3A_236, %dma_start3A_295] : memref<204800x128xf32, #tpu.memory_space<hbm>> -> memref<128x128xf32, #tpu.memory_space<hbm>>
        %dma_start3A_297 = arith.constant 0 : i32
        %dma_start3A_298 = tpu.memref_slice %arg4[%add3A_236, %dma_start3A_297] : memref<204800x128xf32, #tpu.memory_space<hbm>> -> memref<128x128xf32, #tpu.memory_space<hbm>>
        tpu.enqueue_dma source(%arg8 : memref<128x128xf32, #tpu.memory_space<vmem>>) target(%dma_start3A_298 : memref<128x128xf32, #tpu.memory_space<hbm>>) target_semaphore(%run_scoped3A : memref<!tpu.dma_semaphore, #tpu.memory_space<semaphore_mem>>)
        %dma_wait3A_299 = arith.constant 0 : i32
        %dma_wait3A_300 = tpu.memref_slice %arg4[%add3A_236, %dma_wait3A_299] : memref<204800x128xf32, #tpu.memory_space<hbm>> -> memref<128x128xf32, #tpu.memory_space<hbm>>
        %dma_wait3A_301 = arith.constant 0 : i32
        %dma_wait3A_302 = tpu.memref_slice %arg4[%add3A_236, %dma_wait3A_301] : memref<204800x128xf32, #tpu.memory_space<hbm>> -> memref<128x128xf32, #tpu.memory_space<hbm>>
        tpu.wait_dma2 semaphore(%run_scoped3A : memref<!tpu.dma_semaphore, #tpu.memory_space<semaphore_mem>>) src(%arg8 : memref<128x128xf32, #tpu.memory_space<vmem>>) dst(%dma_wait3A_302 : memref<128x128xf32, #tpu.memory_space<hbm>>)
        tpu.yield
      }) : () -> ()
      %add3A_237 = arith.constant 3 : i32
      %add3A_238 = arith.addi %mul3A_152, %add3A_237 : i32
      %add3A_239 = arith.constant 3 : i32
      %add3A_240 = arith.addi %add3A_238, %add3A_239 : i32
      %lt3A_241 = arith.constant 50 : i32
      %lt3A_242 = arith.cmpi slt, %add3A_240, %lt3A_241 : i32
      %convert_element_type3A_243 = arith.extui %lt3A_242 : i1 to i32
      %cond3A_244 = arith.constant 0 : i32
      %cond3A_245 = arith.cmpi ne, %convert_element_type3A_243, %cond3A_244 : i32
      scf.if %cond3A_245 {
        %mul3A_295 = arith.constant 128 : i32
        %mul3A_296 = arith.muli %add3A_240, %mul3A_295 : i32
        %add3A_297 = arith.constant 0 : i32
        %add3A_298 = arith.addi %mul3A_296, %add3A_297 : i32
        %dma_start3A_299 = arith.constant 0 : i32
        %dma_start3A_300 = arith.constant 0 : i32
        %dma_start3A_301 = tpu.memref_slice %arg7[%dma_start3A_299, %dma_start3A_300] : memref<128x128xf32, #tpu.memory_space<vmem>> -> memref<128x128xf32, #tpu.memory_space<vmem>>
        %dma_start3A_302 = tpu.memref_slice %arg5[%add3A_298] : memref<6400xi32, #tpu.memory_space<vmem>> -> memref<128xi32, #tpu.memory_space<vmem>>
        %dma_start3A_303 = arith.constant 0 : i32
        %dma_start3A_304 = arith.constant 0 : i32
        %dma_start3A_305 = tpu.memref_slice %arg3[%dma_start3A_303, %dma_start3A_304] : memref<100000x128xf32, #tpu.memory_space<hbm>> -> memref<100000x128xf32, #tpu.memory_space<hbm>>
        tpu.enqueue_indirect_dma source(%dma_start3A_305 : memref<100000x128xf32, #tpu.memory_space<hbm>>) target(%dma_start3A_301 : memref<128x128xf32, #tpu.memory_space<vmem>>) offsets(%dma_start3A_302 : memref<128xi32, #tpu.memory_space<vmem>>) semaphore(%arg12 : memref<!tpu.dma_semaphore, #tpu.memory_space<semaphore_mem>>)
      } else {
      }
      %mul3A_246 = arith.constant 128 : i32
      %mul3A_247 = arith.muli %add3A_238, %mul3A_246 : i32
      %add3A_248 = arith.constant 0 : i32
      %add3A_249 = arith.addi %mul3A_247, %add3A_248 : i32
      %dma_wait3A_250 = arith.constant 0 : i32
      %dma_wait3A_251 = arith.constant 0 : i32
      %dma_wait3A_252 = tpu.memref_slice %arg9[%dma_wait3A_250, %dma_wait3A_251] : memref<128x128xf32, #tpu.memory_space<vmem>> -> memref<128x128xf32, #tpu.memory_space<vmem>>
      %dma_wait3A_253 = tpu.memref_slice %arg5[%add3A_249] : memref<6400xi32, #tpu.memory_space<vmem>> -> memref<128xi32, #tpu.memory_space<vmem>>
      %dma_wait3A_254 = arith.constant 0 : i32
      %dma_wait3A_255 = arith.constant 0 : i32
      %dma_wait3A_256 = tpu.memref_slice %arg3[%dma_wait3A_254, %dma_wait3A_255] : memref<100000x128xf32, #tpu.memory_space<hbm>> -> memref<100000x128xf32, #tpu.memory_space<hbm>>
      tpu.wait_indirect_dma semaphore(%arg14 : memref<!tpu.dma_semaphore, #tpu.memory_space<semaphore_mem>>) src(%dma_wait3A_256 : memref<100000x128xf32, #tpu.memory_space<hbm>>) dst(%dma_wait3A_252 : memref<128x128xf32, #tpu.memory_space<vmem>>)
      %scan3A_257 = arith.constant 0 : i32
      %scan3A_258 = arith.constant 0 : i32
      %scan3A_259 = arith.constant 128 : i32
      %scan3A_260 = arith.addi %scan3A_258, %scan3A_259 : i32
      %scan3A_261 = arith.constant 2 : i32
      scf.for %scan3A_295 = %scan3A_258 to %scan3A_260 step %scan3A_261  : i32 {
        %get3A = arith.index_cast %scan3A_295 : i32 to index
        %get3A_296 = arith.constant 0 : index
        %get3A_297 = tpu.vector_load %arg9[%get3A, %get3A_296] {strides = array<i32>} : memref<128x128xf32, #tpu.memory_space<vmem>>, vector<1x16xf32>,
        %get3A_298 = vector.shape_cast %get3A_297 : vector<1x16xf32> to vector<16xf32>
        %mul3A_299 = arith.constant 11.3137083 : f32
        %mul3A_300 = vector.broadcast %mul3A_299 : f32 to vector<16xf32>
        %mul3A_301 = arith.mulf %get3A_298, %mul3A_300 : vector<16xf32>
        %swap3A = arith.index_cast %scan3A_295 : i32 to index
        %swap3A_302 = arith.constant 0 : index
        %swap3A_303 = tpu.vector_load %arg9[%swap3A, %swap3A_302] {strides = array<i32>} : memref<128x128xf32, #tpu.memory_space<vmem>>, vector<1x16xf32>,
        %swap3A_304 = vector.shape_cast %swap3A_303 : vector<1x16xf32> to vector<16xf32>
        %swap3A_305 = vector.shape_cast %mul3A_301 : vector<16xf32> to vector<1x16xf32>
        tpu.vector_store %arg9[%swap3A, %swap3A_302], %swap3A_305 {strides = array<i32>} : memref<128x128xf32, #tpu.memory_space<vmem>>, vector<1x16xf32>,
        %get3A_306 = arith.index_cast %scan3A_295 : i32 to index
        %get3A_307 = arith.constant 16 : index
        %get3A_308 = tpu.vector_load %arg9[%get3A_306, %get3A_307] {strides = array<i32>} : memref<128x128xf32, #tpu.memory_space<vmem>>, vector<1x16xf32>,
        %get3A_309 = vector.shape_cast %get3A_308 : vector<1x16xf32> to vector<16xf32>
        %mul3A_310 = arith.constant 11.3137083 : f32
        %mul3A_311 = vector.broadcast %mul3A_310 : f32 to vector<16xf32>
        %mul3A_312 = arith.mulf %get3A_309, %mul3A_311 : vector<16xf32>
        %swap3A_313 = arith.index_cast %scan3A_295 : i32 to index
        %swap3A_314 = arith.constant 16 : index
        %swap3A_315 = tpu.vector_load %arg9[%swap3A_313, %swap3A_314] {strides = array<i32>} : memref<128x128xf32, #tpu.memory_space<vmem>>, vector<1x16xf32>,
        %swap3A_316 = vector.shape_cast %swap3A_315 : vector<1x16xf32> to vector<16xf32>
        %swap3A_317 = vector.shape_cast %mul3A_312 : vector<16xf32> to vector<1x16xf32>
        tpu.vector_store %arg9[%swap3A_313, %swap3A_314], %swap3A_317 {strides = array<i32>} : memref<128x128xf32, #tpu.memory_space<vmem>>, vector<1x16xf32>,
        %get3A_318 = arith.index_cast %scan3A_295 : i32 to index
        %get3A_319 = arith.constant 32 : index
        %get3A_320 = tpu.vector_load %arg9[%get3A_318, %get3A_319] {strides = array<i32>} : memref<128x128xf32, #tpu.memory_space<vmem>>, vector<1x16xf32>,
        %get3A_321 = vector.shape_cast %get3A_320 : vector<1x16xf32> to vector<16xf32>
        %mul3A_322 = arith.constant 11.3137083 : f32
        %mul3A_323 = vector.broadcast %mul3A_322 : f32 to vector<16xf32>
        %mul3A_324 = arith.mulf %get3A_321, %mul3A_323 : vector<16xf32>
        %swap3A_325 = arith.index_cast %scan3A_295 : i32 to index
        %swap3A_326 = arith.constant 32 : index
        %swap3A_327 = tpu.vector_load %arg9[%swap3A_325, %swap3A_326] {strides = array<i32>} : memref<128x128xf32, #tpu.memory_space<vmem>>, vector<1x16xf32>,
        %swap3A_328 = vector.shape_cast %swap3A_327 : vector<1x16xf32> to vector<16xf32>
        %swap3A_329 = vector.shape_cast %mul3A_324 : vector<16xf32> to vector<1x16xf32>
        tpu.vector_store %arg9[%swap3A_325, %swap3A_326], %swap3A_329 {strides = array<i32>} : memref<128x128xf32, #tpu.memory_space<vmem>>, vector<1x16xf32>,
        %get3A_330 = arith.index_cast %scan3A_295 : i32 to index
        %get3A_331 = arith.constant 48 : index
        %get3A_332 = tpu.vector_load %arg9[%get3A_330, %get3A_331] {strides = array<i32>} : memref<128x128xf32, #tpu.memory_space<vmem>>, vector<1x16xf32>,
        %get3A_333 = vector.shape_cast %get3A_332 : vector<1x16xf32> to vector<16xf32>
        %mul3A_334 = arith.constant 11.3137083 : f32
        %mul3A_335 = vector.broadcast %mul3A_334 : f32 to vector<16xf32>
        %mul3A_336 = arith.mulf %get3A_333, %mul3A_335 : vector<16xf32>
        %swap3A_337 = arith.index_cast %scan3A_295 : i32 to index
        %swap3A_338 = arith.constant 48 : index
        %swap3A_339 = tpu.vector_load %arg9[%swap3A_337, %swap3A_338] {strides = array<i32>} : memref<128x128xf32, #tpu.memory_space<vmem>>, vector<1x16xf32>,
        %swap3A_340 = vector.shape_cast %swap3A_339 : vector<1x16xf32> to vector<16xf32>
        %swap3A_341 = vector.shape_cast %mul3A_336 : vector<16xf32> to vector<1x16xf32>
        tpu.vector_store %arg9[%swap3A_337, %swap3A_338], %swap3A_341 {strides = array<i32>} : memref<128x128xf32, #tpu.memory_space<vmem>>, vector<1x16xf32>,
        %get3A_342 = arith.index_cast %scan3A_295 : i32 to index
        %get3A_343 = arith.constant 64 : index
        %get3A_344 = tpu.vector_load %arg9[%get3A_342, %get3A_343] {strides = array<i32>} : memref<128x128xf32, #tpu.memory_space<vmem>>, vector<1x16xf32>,
        %get3A_345 = vector.shape_cast %get3A_344 : vector<1x16xf32> to vector<16xf32>
        %mul3A_346 = arith.constant 11.3137083 : f32
        %mul3A_347 = vector.broadcast %mul3A_346 : f32 to vector<16xf32>
        %mul3A_348 = arith.mulf %get3A_345, %mul3A_347 : vector<16xf32>
        %swap3A_349 = arith.index_cast %scan3A_295 : i32 to index
        %swap3A_350 = arith.constant 64 : index
        %swap3A_351 = tpu.vector_load %arg9[%swap3A_349, %swap3A_350] {strides = array<i32>} : memref<128x128xf32, #tpu.memory_space<vmem>>, vector<1x16xf32>,
        %swap3A_352 = vector.shape_cast %swap3A_351 : vector<1x16xf32> to vector<16xf32>
        %swap3A_353 = vector.shape_cast %mul3A_348 : vector<16xf32> to vector<1x16xf32>
        tpu.vector_store %arg9[%swap3A_349, %swap3A_350], %swap3A_353 {strides = array<i32>} : memref<128x128xf32, #tpu.memory_space<vmem>>, vector<1x16xf32>,
        %get3A_354 = arith.index_cast %scan3A_295 : i32 to index
        %get3A_355 = arith.constant 80 : index
        %get3A_356 = tpu.vector_load %arg9[%get3A_354, %get3A_355] {strides = array<i32>} : memref<128x128xf32, #tpu.memory_space<vmem>>, vector<1x16xf32>,
        %get3A_357 = vector.shape_cast %get3A_356 : vector<1x16xf32> to vector<16xf32>
        %mul3A_358 = arith.constant 11.3137083 : f32
        %mul3A_359 = vector.broadcast %mul3A_358 : f32 to vector<16xf32>
        %mul3A_360 = arith.mulf %get3A_357, %mul3A_359 : vector<16xf32>
        %swap3A_361 = arith.index_cast %scan3A_295 : i32 to index
        %swap3A_362 = arith.constant 80 : index
        %swap3A_363 = tpu.vector_load %arg9[%swap3A_361, %swap3A_362] {strides = array<i32>} : memref<128x128xf32, #tpu.memory_space<vmem>>, vector<1x16xf32>,
        %swap3A_364 = vector.shape_cast %swap3A_363 : vector<1x16xf32> to vector<16xf32>
        %swap3A_365 = vector.shape_cast %mul3A_360 : vector<16xf32> to vector<1x16xf32>
        tpu.vector_store %arg9[%swap3A_361, %swap3A_362], %swap3A_365 {strides = array<i32>} : memref<128x128xf32, #tpu.memory_space<vmem>>, vector<1x16xf32>,
        %get3A_366 = arith.index_cast %scan3A_295 : i32 to index
        %get3A_367 = arith.constant 96 : index
        %get3A_368 = tpu.vector_load %arg9[%get3A_366, %get3A_367] {strides = array<i32>} : memref<128x128xf32, #tpu.memory_space<vmem>>, vector<1x16xf32>,
        %get3A_369 = vector.shape_cast %get3A_368 : vector<1x16xf32> to vector<16xf32>
        %mul3A_370 = arith.constant 11.3137083 : f32
        %mul3A_371 = vector.broadcast %mul3A_370 : f32 to vector<16xf32>
        %mul3A_372 = arith.mulf %get3A_369, %mul3A_371 : vector<16xf32>
        %swap3A_373 = arith.index_cast %scan3A_295 : i32 to index
        %swap3A_374 = arith.constant 96 : index
        %swap3A_375 = tpu.vector_load %arg9[%swap3A_373, %swap3A_374] {strides = array<i32>} : memref<128x128xf32, #tpu.memory_space<vmem>>, vector<1x16xf32>,
        %swap3A_376 = vector.shape_cast %swap3A_375 : vector<1x16xf32> to vector<16xf32>
        %swap3A_377 = vector.shape_cast %mul3A_372 : vector<16xf32> to vector<1x16xf32>
        tpu.vector_store %arg9[%swap3A_373, %swap3A_374], %swap3A_377 {strides = array<i32>} : memref<128x128xf32, #tpu.memory_space<vmem>>, vector<1x16xf32>,
        %get3A_378 = arith.index_cast %scan3A_295 : i32 to index
        %get3A_379 = arith.constant 112 : index
        %get3A_380 = tpu.vector_load %arg9[%get3A_378, %get3A_379] {strides = array<i32>} : memref<128x128xf32, #tpu.memory_space<vmem>>, vector<1x16xf32>,
        %get3A_381 = vector.shape_cast %get3A_380 : vector<1x16xf32> to vector<16xf32>
        %mul3A_382 = arith.constant 11.3137083 : f32
        %mul3A_383 = vector.broadcast %mul3A_382 : f32 to vector<16xf32>
        %mul3A_384 = arith.mulf %get3A_381, %mul3A_383 : vector<16xf32>
        %swap3A_385 = arith.index_cast %scan3A_295 : i32 to index
        %swap3A_386 = arith.constant 112 : index
        %swap3A_387 = tpu.vector_load %arg9[%swap3A_385, %swap3A_386] {strides = array<i32>} : memref<128x128xf32, #tpu.memory_space<vmem>>, vector<1x16xf32>,
        %swap3A_388 = vector.shape_cast %swap3A_387 : vector<1x16xf32> to vector<16xf32>
        %swap3A_389 = vector.shape_cast %mul3A_384 : vector<16xf32> to vector<1x16xf32>
        tpu.vector_store %arg9[%swap3A_385, %swap3A_386], %swap3A_389 {strides = array<i32>} : memref<128x128xf32, #tpu.memory_space<vmem>>, vector<1x16xf32>,
        %scan3A_390 = arith.constant 1 : i32
        %scan3A_391 = arith.addi %scan3A_295, %scan3A_390 : i32
        %get3A_392 = arith.index_cast %scan3A_391 : i32 to index
        %get3A_393 = arith.constant 0 : index
        %get3A_394 = tpu.vector_load %arg9[%get3A_392, %get3A_393] {strides = array<i32>} : memref<128x128xf32, #tpu.memory_space<vmem>>, vector<1x16xf32>,
        %get3A_395 = vector.shape_cast %get3A_394 : vector<1x16xf32> to vector<16xf32>
        %mul3A_396 = arith.constant 11.3137083 : f32
        %mul3A_397 = vector.broadcast %mul3A_396 : f32 to vector<16xf32>
        %mul3A_398 = arith.mulf %get3A_395, %mul3A_397 : vector<16xf32>
        %swap3A_399 = arith.index_cast %scan3A_391 : i32 to index
        %swap3A_400 = arith.constant 0 : index
        %swap3A_401 = tpu.vector_load %arg9[%swap3A_399, %swap3A_400] {strides = array<i32>} : memref<128x128xf32, #tpu.memory_space<vmem>>, vector<1x16xf32>,
        %swap3A_402 = vector.shape_cast %swap3A_401 : vector<1x16xf32> to vector<16xf32>
        %swap3A_403 = vector.shape_cast %mul3A_398 : vector<16xf32> to vector<1x16xf32>
        tpu.vector_store %arg9[%swap3A_399, %swap3A_400], %swap3A_403 {strides = array<i32>} : memref<128x128xf32, #tpu.memory_space<vmem>>, vector<1x16xf32>,
        %get3A_404 = arith.index_cast %scan3A_391 : i32 to index
        %get3A_405 = arith.constant 16 : index
        %get3A_406 = tpu.vector_load %arg9[%get3A_404, %get3A_405] {strides = array<i32>} : memref<128x128xf32, #tpu.memory_space<vmem>>, vector<1x16xf32>,
        %get3A_407 = vector.shape_cast %get3A_406 : vector<1x16xf32> to vector<16xf32>
        %mul3A_408 = arith.constant 11.3137083 : f32
        %mul3A_409 = vector.broadcast %mul3A_408 : f32 to vector<16xf32>
        %mul3A_410 = arith.mulf %get3A_407, %mul3A_409 : vector<16xf32>
        %swap3A_411 = arith.index_cast %scan3A_391 : i32 to index
        %swap3A_412 = arith.constant 16 : index
        %swap3A_413 = tpu.vector_load %arg9[%swap3A_411, %swap3A_412] {strides = array<i32>} : memref<128x128xf32, #tpu.memory_space<vmem>>, vector<1x16xf32>,
        %swap3A_414 = vector.shape_cast %swap3A_413 : vector<1x16xf32> to vector<16xf32>
        %swap3A_415 = vector.shape_cast %mul3A_410 : vector<16xf32> to vector<1x16xf32>
        tpu.vector_store %arg9[%swap3A_411, %swap3A_412], %swap3A_415 {strides = array<i32>} : memref<128x128xf32, #tpu.memory_space<vmem>>, vector<1x16xf32>,
        %get3A_416 = arith.index_cast %scan3A_391 : i32 to index
        %get3A_417 = arith.constant 32 : index
        %get3A_418 = tpu.vector_load %arg9[%get3A_416, %get3A_417] {strides = array<i32>} : memref<128x128xf32, #tpu.memory_space<vmem>>, vector<1x16xf32>,
        %get3A_419 = vector.shape_cast %get3A_418 : vector<1x16xf32> to vector<16xf32>
        %mul3A_420 = arith.constant 11.3137083 : f32
        %mul3A_421 = vector.broadcast %mul3A_420 : f32 to vector<16xf32>
        %mul3A_422 = arith.mulf %get3A_419, %mul3A_421 : vector<16xf32>
        %swap3A_423 = arith.index_cast %scan3A_391 : i32 to index
        %swap3A_424 = arith.constant 32 : index
        %swap3A_425 = tpu.vector_load %arg9[%swap3A_423, %swap3A_424] {strides = array<i32>} : memref<128x128xf32, #tpu.memory_space<vmem>>, vector<1x16xf32>,
        %swap3A_426 = vector.shape_cast %swap3A_425 : vector<1x16xf32> to vector<16xf32>
        %swap3A_427 = vector.shape_cast %mul3A_422 : vector<16xf32> to vector<1x16xf32>
        tpu.vector_store %arg9[%swap3A_423, %swap3A_424], %swap3A_427 {strides = array<i32>} : memref<128x128xf32, #tpu.memory_space<vmem>>, vector<1x16xf32>,
        %get3A_428 = arith.index_cast %scan3A_391 : i32 to index
        %get3A_429 = arith.constant 48 : index
        %get3A_430 = tpu.vector_load %arg9[%get3A_428, %get3A_429] {strides = array<i32>} : memref<128x128xf32, #tpu.memory_space<vmem>>, vector<1x16xf32>,
        %get3A_431 = vector.shape_cast %get3A_430 : vector<1x16xf32> to vector<16xf32>
        %mul3A_432 = arith.constant 11.3137083 : f32
        %mul3A_433 = vector.broadcast %mul3A_432 : f32 to vector<16xf32>
        %mul3A_434 = arith.mulf %get3A_431, %mul3A_433 : vector<16xf32>
        %swap3A_435 = arith.index_cast %scan3A_391 : i32 to index
        %swap3A_436 = arith.constant 48 : index
        %swap3A_437 = tpu.vector_load %arg9[%swap3A_435, %swap3A_436] {strides = array<i32>} : memref<128x128xf32, #tpu.memory_space<vmem>>, vector<1x16xf32>,
        %swap3A_438 = vector.shape_cast %swap3A_437 : vector<1x16xf32> to vector<16xf32>
        %swap3A_439 = vector.shape_cast %mul3A_434 : vector<16xf32> to vector<1x16xf32>
        tpu.vector_store %arg9[%swap3A_435, %swap3A_436], %swap3A_439 {strides = array<i32>} : memref<128x128xf32, #tpu.memory_space<vmem>>, vector<1x16xf32>,
        %get3A_440 = arith.index_cast %scan3A_391 : i32 to index
        %get3A_441 = arith.constant 64 : index
        %get3A_442 = tpu.vector_load %arg9[%get3A_440, %get3A_441] {strides = array<i32>} : memref<128x128xf32, #tpu.memory_space<vmem>>, vector<1x16xf32>,
        %get3A_443 = vector.shape_cast %get3A_442 : vector<1x16xf32> to vector<16xf32>
        %mul3A_444 = arith.constant 11.3137083 : f32
        %mul3A_445 = vector.broadcast %mul3A_444 : f32 to vector<16xf32>
        %mul3A_446 = arith.mulf %get3A_443, %mul3A_445 : vector<16xf32>
        %swap3A_447 = arith.index_cast %scan3A_391 : i32 to index
        %swap3A_448 = arith.constant 64 : index
        %swap3A_449 = tpu.vector_load %arg9[%swap3A_447, %swap3A_448] {strides = array<i32>} : memref<128x128xf32, #tpu.memory_space<vmem>>, vector<1x16xf32>,
        %swap3A_450 = vector.shape_cast %swap3A_449 : vector<1x16xf32> to vector<16xf32>
        %swap3A_451 = vector.shape_cast %mul3A_446 : vector<16xf32> to vector<1x16xf32>
        tpu.vector_store %arg9[%swap3A_447, %swap3A_448], %swap3A_451 {strides = array<i32>} : memref<128x128xf32, #tpu.memory_space<vmem>>, vector<1x16xf32>,
        %get3A_452 = arith.index_cast %scan3A_391 : i32 to index
        %get3A_453 = arith.constant 80 : index
        %get3A_454 = tpu.vector_load %arg9[%get3A_452, %get3A_453] {strides = array<i32>} : memref<128x128xf32, #tpu.memory_space<vmem>>, vector<1x16xf32>,
        %get3A_455 = vector.shape_cast %get3A_454 : vector<1x16xf32> to vector<16xf32>
        %mul3A_456 = arith.constant 11.3137083 : f32
        %mul3A_457 = vector.broadcast %mul3A_456 : f32 to vector<16xf32>
        %mul3A_458 = arith.mulf %get3A_455, %mul3A_457 : vector<16xf32>
        %swap3A_459 = arith.index_cast %scan3A_391 : i32 to index
        %swap3A_460 = arith.constant 80 : index
        %swap3A_461 = tpu.vector_load %arg9[%swap3A_459, %swap3A_460] {strides = array<i32>} : memref<128x128xf32, #tpu.memory_space<vmem>>, vector<1x16xf32>,
        %swap3A_462 = vector.shape_cast %swap3A_461 : vector<1x16xf32> to vector<16xf32>
        %swap3A_463 = vector.shape_cast %mul3A_458 : vector<16xf32> to vector<1x16xf32>
        tpu.vector_store %arg9[%swap3A_459, %swap3A_460], %swap3A_463 {strides = array<i32>} : memref<128x128xf32, #tpu.memory_space<vmem>>, vector<1x16xf32>,
        %get3A_464 = arith.index_cast %scan3A_391 : i32 to index
        %get3A_465 = arith.constant 96 : index
        %get3A_466 = tpu.vector_load %arg9[%get3A_464, %get3A_465] {strides = array<i32>} : memref<128x128xf32, #tpu.memory_space<vmem>>, vector<1x16xf32>,
        %get3A_467 = vector.shape_cast %get3A_466 : vector<1x16xf32> to vector<16xf32>
        %mul3A_468 = arith.constant 11.3137083 : f32
        %mul3A_469 = vector.broadcast %mul3A_468 : f32 to vector<16xf32>
        %mul3A_470 = arith.mulf %get3A_467, %mul3A_469 : vector<16xf32>
        %swap3A_471 = arith.index_cast %scan3A_391 : i32 to index
        %swap3A_472 = arith.constant 96 : index
        %swap3A_473 = tpu.vector_load %arg9[%swap3A_471, %swap3A_472] {strides = array<i32>} : memref<128x128xf32, #tpu.memory_space<vmem>>, vector<1x16xf32>,
        %swap3A_474 = vector.shape_cast %swap3A_473 : vector<1x16xf32> to vector<16xf32>
        %swap3A_475 = vector.shape_cast %mul3A_470 : vector<16xf32> to vector<1x16xf32>
        tpu.vector_store %arg9[%swap3A_471, %swap3A_472], %swap3A_475 {strides = array<i32>} : memref<128x128xf32, #tpu.memory_space<vmem>>, vector<1x16xf32>,
        %get3A_476 = arith.index_cast %scan3A_391 : i32 to index
        %get3A_477 = arith.constant 112 : index
        %get3A_478 = tpu.vector_load %arg9[%get3A_476, %get3A_477] {strides = array<i32>} : memref<128x128xf32, #tpu.memory_space<vmem>>, vector<1x16xf32>,
        %get3A_479 = vector.shape_cast %get3A_478 : vector<1x16xf32> to vector<16xf32>
        %mul3A_480 = arith.constant 11.3137083 : f32
        %mul3A_481 = vector.broadcast %mul3A_480 : f32 to vector<16xf32>
        %mul3A_482 = arith.mulf %get3A_479, %mul3A_481 : vector<16xf32>
        %swap3A_483 = arith.index_cast %scan3A_391 : i32 to index
        %swap3A_484 = arith.constant 112 : index
        %swap3A_485 = tpu.vector_load %arg9[%swap3A_483, %swap3A_484] {strides = array<i32>} : memref<128x128xf32, #tpu.memory_space<vmem>>, vector<1x16xf32>,
        %swap3A_486 = vector.shape_cast %swap3A_485 : vector<1x16xf32> to vector<16xf32>
        %swap3A_487 = vector.shape_cast %mul3A_482 : vector<16xf32> to vector<1x16xf32>
        tpu.vector_store %arg9[%swap3A_483, %swap3A_484], %swap3A_487 {strides = array<i32>} : memref<128x128xf32, #tpu.memory_space<vmem>>, vector<1x16xf32>,
      }
      %scan3A_262 = arith.constant 128 : i32
      %mul3A_263 = arith.constant 128 : i32
      %mul3A_264 = arith.muli %add3A_238, %mul3A_263 : i32
      %add3A_265 = arith.addi %mul3A_2, %mul3A_264 : i32
      "tpu.region"() ({
        %run_scoped3A = tpu.sem_alloc : memref<!tpu.dma_semaphore, #tpu.memory_space<semaphore_mem>>
        %dma_start3A_295 = arith.constant 0 : i32
        %dma_start3A_296 = tpu.memref_slice %arg4[%add3A_265, %dma_start3A_295] : memref<204800x128xf32, #tpu.memory_space<hbm>> -> memref<128x128xf32, #tpu.memory_space<hbm>>
        %dma_start3A_297 = arith.constant 0 : i32
        %dma_start3A_298 = tpu.memref_slice %arg4[%add3A_265, %dma_start3A_297] : memref<204800x128xf32, #tpu.memory_space<hbm>> -> memref<128x128xf32, #tpu.memory_space<hbm>>
        tpu.enqueue_dma source(%arg9 : memref<128x128xf32, #tpu.memory_space<vmem>>) target(%dma_start3A_298 : memref<128x128xf32, #tpu.memory_space<hbm>>) target_semaphore(%run_scoped3A : memref<!tpu.dma_semaphore, #tpu.memory_space<semaphore_mem>>)
        %dma_wait3A_299 = arith.constant 0 : i32
        %dma_wait3A_300 = tpu.memref_slice %arg4[%add3A_265, %dma_wait3A_299] : memref<204800x128xf32, #tpu.memory_space<hbm>> -> memref<128x128xf32, #tpu.memory_space<hbm>>
        %dma_wait3A_301 = arith.constant 0 : i32
        %dma_wait3A_302 = tpu.memref_slice %arg4[%add3A_265, %dma_wait3A_301] : memref<204800x128xf32, #tpu.memory_space<hbm>> -> memref<128x128xf32, #tpu.memory_space<hbm>>
        tpu.wait_dma2 semaphore(%run_scoped3A : memref<!tpu.dma_semaphore, #tpu.memory_space<semaphore_mem>>) src(%arg9 : memref<128x128xf32, #tpu.memory_space<vmem>>) dst(%dma_wait3A_302 : memref<128x128xf32, #tpu.memory_space<hbm>>)
        tpu.yield
      }) : () -> ()
      %add3A_266 = arith.constant 4 : i32
      %add3A_267 = arith.addi %mul3A_152, %add3A_266 : i32
      %add3A_268 = arith.constant 3 : i32
      %add3A_269 = arith.addi %add3A_267, %add3A_268 : i32
      %lt3A_270 = arith.constant 50 : i32
      %lt3A_271 = arith.cmpi slt, %add3A_269, %lt3A_270 : i32
      %convert_element_type3A_272 = arith.extui %lt3A_271 : i1 to i32
      %cond3A_273 = arith.constant 0 : i32
      %cond3A_274 = arith.cmpi ne, %convert_element_type3A_272, %cond3A_273 : i32
      scf.if %cond3A_274 {
        %mul3A_295 = arith.constant 128 : i32
        %mul3A_296 = arith.muli %add3A_269, %mul3A_295 : i32
        %add3A_297 = arith.constant 0 : i32
        %add3A_298 = arith.addi %mul3A_296, %add3A_297 : i32
        %dma_start3A_299 = arith.constant 0 : i32
        %dma_start3A_300 = arith.constant 0 : i32
        %dma_start3A_301 = tpu.memref_slice %arg8[%dma_start3A_299, %dma_start3A_300] : memref<128x128xf32, #tpu.memory_space<vmem>> -> memref<128x128xf32, #tpu.memory_space<vmem>>
        %dma_start3A_302 = tpu.memref_slice %arg5[%add3A_298] : memref<6400xi32, #tpu.memory_space<vmem>> -> memref<128xi32, #tpu.memory_space<vmem>>
        %dma_start3A_303 = arith.constant 0 : i32
        %dma_start3A_304 = arith.constant 0 : i32
        %dma_start3A_305 = tpu.memref_slice %arg3[%dma_start3A_303, %dma_start3A_304] : memref<100000x128xf32, #tpu.memory_space<hbm>> -> memref<100000x128xf32, #tpu.memory_space<hbm>>
        tpu.enqueue_indirect_dma source(%dma_start3A_305 : memref<100000x128xf32, #tpu.memory_space<hbm>>) target(%dma_start3A_301 : memref<128x128xf32, #tpu.memory_space<vmem>>) offsets(%dma_start3A_302 : memref<128xi32, #tpu.memory_space<vmem>>) semaphore(%arg13 : memref<!tpu.dma_semaphore, #tpu.memory_space<semaphore_mem>>)
      } else {
      }
      %mul3A_275 = arith.constant 128 : i32
      %mul3A_276 = arith.muli %add3A_267, %mul3A_275 : i32
      %add3A_277 = arith.constant 0 : i32
      %add3A_278 = arith.addi %mul3A_276, %add3A_277 : i32
      %dma_wait3A_279 = arith.constant 0 : i32
      %dma_wait3A_280 = arith.constant 0 : i32
      %dma_wait3A_281 = tpu.memref_slice %arg10[%dma_wait3A_279, %dma_wait3A_280] : memref<128x128xf32, #tpu.memory_space<vmem>> -> memref<128x128xf32, #tpu.memory_space<vmem>>
      %dma_wait3A_282 = tpu.memref_slice %arg5[%add3A_278] : memref<6400xi32, #tpu.memory_space<vmem>> -> memref<128xi32, #tpu.memory_space<vmem>>
      %dma_wait3A_283 = arith.constant 0 : i32
      %dma_wait3A_284 = arith.constant 0 : i32
      %dma_wait3A_285 = tpu.memref_slice %arg3[%dma_wait3A_283, %dma_wait3A_284] : memref<100000x128xf32, #tpu.memory_space<hbm>> -> memref<100000x128xf32, #tpu.memory_space<hbm>>
      tpu.wait_indirect_dma semaphore(%arg15 : memref<!tpu.dma_semaphore, #tpu.memory_space<semaphore_mem>>) src(%dma_wait3A_285 : memref<100000x128xf32, #tpu.memory_space<hbm>>) dst(%dma_wait3A_281 : memref<128x128xf32, #tpu.memory_space<vmem>>)
      %scan3A_286 = arith.constant 0 : i32
      %scan3A_287 = arith.constant 0 : i32
      %scan3A_288 = arith.constant 128 : i32
      %scan3A_289 = arith.addi %scan3A_287, %scan3A_288 : i32
      %scan3A_290 = arith.constant 2 : i32
      scf.for %scan3A_295 = %scan3A_287 to %scan3A_289 step %scan3A_290  : i32 {
        %get3A = arith.index_cast %scan3A_295 : i32 to index
        %get3A_296 = arith.constant 0 : index
        %get3A_297 = tpu.vector_load %arg10[%get3A, %get3A_296] {strides = array<i32>} : memref<128x128xf32, #tpu.memory_space<vmem>>, vector<1x16xf32>,
        %get3A_298 = vector.shape_cast %get3A_297 : vector<1x16xf32> to vector<16xf32>
        %mul3A_299 = arith.constant 11.3137083 : f32
        %mul3A_300 = vector.broadcast %mul3A_299 : f32 to vector<16xf32>
        %mul3A_301 = arith.mulf %get3A_298, %mul3A_300 : vector<16xf32>
        %swap3A = arith.index_cast %scan3A_295 : i32 to index
        %swap3A_302 = arith.constant 0 : index
        %swap3A_303 = tpu.vector_load %arg10[%swap3A, %swap3A_302] {strides = array<i32>} : memref<128x128xf32, #tpu.memory_space<vmem>>, vector<1x16xf32>,
        %swap3A_304 = vector.shape_cast %swap3A_303 : vector<1x16xf32> to vector<16xf32>
        %swap3A_305 = vector.shape_cast %mul3A_301 : vector<16xf32> to vector<1x16xf32>
        tpu.vector_store %arg10[%swap3A, %swap3A_302], %swap3A_305 {strides = array<i32>} : memref<128x128xf32, #tpu.memory_space<vmem>>, vector<1x16xf32>,
        %get3A_306 = arith.index_cast %scan3A_295 : i32 to index
        %get3A_307 = arith.constant 16 : index
        %get3A_308 = tpu.vector_load %arg10[%get3A_306, %get3A_307] {strides = array<i32>} : memref<128x128xf32, #tpu.memory_space<vmem>>, vector<1x16xf32>,
        %get3A_309 = vector.shape_cast %get3A_308 : vector<1x16xf32> to vector<16xf32>
        %mul3A_310 = arith.constant 11.3137083 : f32
        %mul3A_311 = vector.broadcast %mul3A_310 : f32 to vector<16xf32>
        %mul3A_312 = arith.mulf %get3A_309, %mul3A_311 : vector<16xf32>
        %swap3A_313 = arith.index_cast %scan3A_295 : i32 to index
        %swap3A_314 = arith.constant 16 : index
        %swap3A_315 = tpu.vector_load %arg10[%swap3A_313, %swap3A_314] {strides = array<i32>} : memref<128x128xf32, #tpu.memory_space<vmem>>, vector<1x16xf32>,
        %swap3A_316 = vector.shape_cast %swap3A_315 : vector<1x16xf32> to vector<16xf32>
        %swap3A_317 = vector.shape_cast %mul3A_312 : vector<16xf32> to vector<1x16xf32>
        tpu.vector_store %arg10[%swap3A_313, %swap3A_314], %swap3A_317 {strides = array<i32>} : memref<128x128xf32, #tpu.memory_space<vmem>>, vector<1x16xf32>,
        %get3A_318 = arith.index_cast %scan3A_295 : i32 to index
        %get3A_319 = arith.constant 32 : index
        %get3A_320 = tpu.vector_load %arg10[%get3A_318, %get3A_319] {strides = array<i32>} : memref<128x128xf32, #tpu.memory_space<vmem>>, vector<1x16xf32>,
        %get3A_321 = vector.shape_cast %get3A_320 : vector<1x16xf32> to vector<16xf32>
        %mul3A_322 = arith.constant 11.3137083 : f32
        %mul3A_323 = vector.broadcast %mul3A_322 : f32 to vector<16xf32>
        %mul3A_324 = arith.mulf %get3A_321, %mul3A_323 : vector<16xf32>
        %swap3A_325 = arith.index_cast %scan3A_295 : i32 to index
        %swap3A_326 = arith.constant 32 : index
        %swap3A_327 = tpu.vector_load %arg10[%swap3A_325, %swap3A_326] {strides = array<i32>} : memref<128x128xf32, #tpu.memory_space<vmem>>, vector<1x16xf32>,
        %swap3A_328 = vector.shape_cast %swap3A_327 : vector<1x16xf32> to vector<16xf32>
        %swap3A_329 = vector.shape_cast %mul3A_324 : vector<16xf32> to vector<1x16xf32>
        tpu.vector_store %arg10[%swap3A_325, %swap3A_326], %swap3A_329 {strides = array<i32>} : memref<128x128xf32, #tpu.memory_space<vmem>>, vector<1x16xf32>,
        %get3A_330 = arith.index_cast %scan3A_295 : i32 to index
        %get3A_331 = arith.constant 48 : index
        %get3A_332 = tpu.vector_load %arg10[%get3A_330, %get3A_331] {strides = array<i32>} : memref<128x128xf32, #tpu.memory_space<vmem>>, vector<1x16xf32>,
        %get3A_333 = vector.shape_cast %get3A_332 : vector<1x16xf32> to vector<16xf32>
        %mul3A_334 = arith.constant 11.3137083 : f32
        %mul3A_335 = vector.broadcast %mul3A_334 : f32 to vector<16xf32>
        %mul3A_336 = arith.mulf %get3A_333, %mul3A_335 : vector<16xf32>
        %swap3A_337 = arith.index_cast %scan3A_295 : i32 to index
        %swap3A_338 = arith.constant 48 : index
        %swap3A_339 = tpu.vector_load %arg10[%swap3A_337, %swap3A_338] {strides = array<i32>} : memref<128x128xf32, #tpu.memory_space<vmem>>, vector<1x16xf32>,
        %swap3A_340 = vector.shape_cast %swap3A_339 : vector<1x16xf32> to vector<16xf32>
        %swap3A_341 = vector.shape_cast %mul3A_336 : vector<16xf32> to vector<1x16xf32>
        tpu.vector_store %arg10[%swap3A_337, %swap3A_338], %swap3A_341 {strides = array<i32>} : memref<128x128xf32, #tpu.memory_space<vmem>>, vector<1x16xf32>,
        %get3A_342 = arith.index_cast %scan3A_295 : i32 to index
        %get3A_343 = arith.constant 64 : index
        %get3A_344 = tpu.vector_load %arg10[%get3A_342, %get3A_343] {strides = array<i32>} : memref<128x128xf32, #tpu.memory_space<vmem>>, vector<1x16xf32>,
        %get3A_345 = vector.shape_cast %get3A_344 : vector<1x16xf32> to vector<16xf32>
        %mul3A_346 = arith.constant 11.3137083 : f32
        %mul3A_347 = vector.broadcast %mul3A_346 : f32 to vector<16xf32>
        %mul3A_348 = arith.mulf %get3A_345, %mul3A_347 : vector<16xf32>
        %swap3A_349 = arith.index_cast %scan3A_295 : i32 to index
        %swap3A_350 = arith.constant 64 : index
        %swap3A_351 = tpu.vector_load %arg10[%swap3A_349, %swap3A_350] {strides = array<i32>} : memref<128x128xf32, #tpu.memory_space<vmem>>, vector<1x16xf32>,
        %swap3A_352 = vector.shape_cast %swap3A_351 : vector<1x16xf32> to vector<16xf32>
        %swap3A_353 = vector.shape_cast %mul3A_348 : vector<16xf32> to vector<1x16xf32>
        tpu.vector_store %arg10[%swap3A_349, %swap3A_350], %swap3A_353 {strides = array<i32>} : memref<128x128xf32, #tpu.memory_space<vmem>>, vector<1x16xf32>,
        %get3A_354 = arith.index_cast %scan3A_295 : i32 to index
        %get3A_355 = arith.constant 80 : index
        %get3A_356 = tpu.vector_load %arg10[%get3A_354, %get3A_355] {strides = array<i32>} : memref<128x128xf32, #tpu.memory_space<vmem>>, vector<1x16xf32>,
        %get3A_357 = vector.shape_cast %get3A_356 : vector<1x16xf32> to vector<16xf32>
        %mul3A_358 = arith.constant 11.3137083 : f32
        %mul3A_359 = vector.broadcast %mul3A_358 : f32 to vector<16xf32>
        %mul3A_360 = arith.mulf %get3A_357, %mul3A_359 : vector<16xf32>
        %swap3A_361 = arith.index_cast %scan3A_295 : i32 to index
        %swap3A_362 = arith.constant 80 : index
        %swap3A_363 = tpu.vector_load %arg10[%swap3A_361, %swap3A_362] {strides = array<i32>} : memref<128x128xf32, #tpu.memory_space<vmem>>, vector<1x16xf32>,
        %swap3A_364 = vector.shape_cast %swap3A_363 : vector<1x16xf32> to vector<16xf32>
        %swap3A_365 = vector.shape_cast %mul3A_360 : vector<16xf32> to vector<1x16xf32>
        tpu.vector_store %arg10[%swap3A_361, %swap3A_362], %swap3A_365 {strides = array<i32>} : memref<128x128xf32, #tpu.memory_space<vmem>>, vector<1x16xf32>,
        %get3A_366 = arith.index_cast %scan3A_295 : i32 to index
        %get3A_367 = arith.constant 96 : index
        %get3A_368 = tpu.vector_load %arg10[%get3A_366, %get3A_367] {strides = array<i32>} : memref<128x128xf32, #tpu.memory_space<vmem>>, vector<1x16xf32>,
        %get3A_369 = vector.shape_cast %get3A_368 : vector<1x16xf32> to vector<16xf32>
        %mul3A_370 = arith.constant 11.3137083 : f32
        %mul3A_371 = vector.broadcast %mul3A_370 : f32 to vector<16xf32>
        %mul3A_372 = arith.mulf %get3A_369, %mul3A_371 : vector<16xf32>
        %swap3A_373 = arith.index_cast %scan3A_295 : i32 to index
        %swap3A_374 = arith.constant 96 : index
        %swap3A_375 = tpu.vector_load %arg10[%swap3A_373, %swap3A_374] {strides = array<i32>} : memref<128x128xf32, #tpu.memory_space<vmem>>, vector<1x16xf32>,
        %swap3A_376 = vector.shape_cast %swap3A_375 : vector<1x16xf32> to vector<16xf32>
        %swap3A_377 = vector.shape_cast %mul3A_372 : vector<16xf32> to vector<1x16xf32>
        tpu.vector_store %arg10[%swap3A_373, %swap3A_374], %swap3A_377 {strides = array<i32>} : memref<128x128xf32, #tpu.memory_space<vmem>>, vector<1x16xf32>,
        %get3A_378 = arith.index_cast %scan3A_295 : i32 to index
        %get3A_379 = arith.constant 112 : index
        %get3A_380 = tpu.vector_load %arg10[%get3A_378, %get3A_379] {strides = array<i32>} : memref<128x128xf32, #tpu.memory_space<vmem>>, vector<1x16xf32>,
        %get3A_381 = vector.shape_cast %get3A_380 : vector<1x16xf32> to vector<16xf32>
        %mul3A_382 = arith.constant 11.3137083 : f32
        %mul3A_383 = vector.broadcast %mul3A_382 : f32 to vector<16xf32>
        %mul3A_384 = arith.mulf %get3A_381, %mul3A_383 : vector<16xf32>
        %swap3A_385 = arith.index_cast %scan3A_295 : i32 to index
        %swap3A_386 = arith.constant 112 : index
        %swap3A_387 = tpu.vector_load %arg10[%swap3A_385, %swap3A_386] {strides = array<i32>} : memref<128x128xf32, #tpu.memory_space<vmem>>, vector<1x16xf32>,
        %swap3A_388 = vector.shape_cast %swap3A_387 : vector<1x16xf32> to vector<16xf32>
        %swap3A_389 = vector.shape_cast %mul3A_384 : vector<16xf32> to vector<1x16xf32>
        tpu.vector_store %arg10[%swap3A_385, %swap3A_386], %swap3A_389 {strides = array<i32>} : memref<128x128xf32, #tpu.memory_space<vmem>>, vector<1x16xf32>,
        %scan3A_390 = arith.constant 1 : i32
        %scan3A_391 = arith.addi %scan3A_295, %scan3A_390 : i32
        %get3A_392 = arith.index_cast %scan3A_391 : i32 to index
        %get3A_393 = arith.constant 0 : index
        %get3A_394 = tpu.vector_load %arg10[%get3A_392, %get3A_393] {strides = array<i32>} : memref<128x128xf32, #tpu.memory_space<vmem>>, vector<1x16xf32>,
        %get3A_395 = vector.shape_cast %get3A_394 : vector<1x16xf32> to vector<16xf32>
        %mul3A_396 = arith.constant 11.3137083 : f32
        %mul3A_397 = vector.broadcast %mul3A_396 : f32 to vector<16xf32>
        %mul3A_398 = arith.mulf %get3A_395, %mul3A_397 : vector<16xf32>
        %swap3A_399 = arith.index_cast %scan3A_391 : i32 to index
        %swap3A_400 = arith.constant 0 : index
        %swap3A_401 = tpu.vector_load %arg10[%swap3A_399, %swap3A_400] {strides = array<i32>} : memref<128x128xf32, #tpu.memory_space<vmem>>, vector<1x16xf32>,
        %swap3A_402 = vector.shape_cast %swap3A_401 : vector<1x16xf32> to vector<16xf32>
        %swap3A_403 = vector.shape_cast %mul3A_398 : vector<16xf32> to vector<1x16xf32>
        tpu.vector_store %arg10[%swap3A_399, %swap3A_400], %swap3A_403 {strides = array<i32>} : memref<128x128xf32, #tpu.memory_space<vmem>>, vector<1x16xf32>,
        %get3A_404 = arith.index_cast %scan3A_391 : i32 to index
        %get3A_405 = arith.constant 16 : index
        %get3A_406 = tpu.vector_load %arg10[%get3A_404, %get3A_405] {strides = array<i32>} : memref<128x128xf32, #tpu.memory_space<vmem>>, vector<1x16xf32>,
        %get3A_407 = vector.shape_cast %get3A_406 : vector<1x16xf32> to vector<16xf32>
        %mul3A_408 = arith.constant 11.3137083 : f32
        %mul3A_409 = vector.broadcast %mul3A_408 : f32 to vector<16xf32>
        %mul3A_410 = arith.mulf %get3A_407, %mul3A_409 : vector<16xf32>
        %swap3A_411 = arith.index_cast %scan3A_391 : i32 to index
        %swap3A_412 = arith.constant 16 : index
        %swap3A_413 = tpu.vector_load %arg10[%swap3A_411, %swap3A_412] {strides = array<i32>} : memref<128x128xf32, #tpu.memory_space<vmem>>, vector<1x16xf32>,
        %swap3A_414 = vector.shape_cast %swap3A_413 : vector<1x16xf32> to vector<16xf32>
        %swap3A_415 = vector.shape_cast %mul3A_410 : vector<16xf32> to vector<1x16xf32>
        tpu.vector_store %arg10[%swap3A_411, %swap3A_412], %swap3A_415 {strides = array<i32>} : memref<128x128xf32, #tpu.memory_space<vmem>>, vector<1x16xf32>,
        %get3A_416 = arith.index_cast %scan3A_391 : i32 to index
        %get3A_417 = arith.constant 32 : index
        %get3A_418 = tpu.vector_load %arg10[%get3A_416, %get3A_417] {strides = array<i32>} : memref<128x128xf32, #tpu.memory_space<vmem>>, vector<1x16xf32>,
        %get3A_419 = vector.shape_cast %get3A_418 : vector<1x16xf32> to vector<16xf32>
        %mul3A_420 = arith.constant 11.3137083 : f32
        %mul3A_421 = vector.broadcast %mul3A_420 : f32 to vector<16xf32>
        %mul3A_422 = arith.mulf %get3A_419, %mul3A_421 : vector<16xf32>
        %swap3A_423 = arith.index_cast %scan3A_391 : i32 to index
        %swap3A_424 = arith.constant 32 : index
        %swap3A_425 = tpu.vector_load %arg10[%swap3A_423, %swap3A_424] {strides = array<i32>} : memref<128x128xf32, #tpu.memory_space<vmem>>, vector<1x16xf32>,
        %swap3A_426 = vector.shape_cast %swap3A_425 : vector<1x16xf32> to vector<16xf32>
        %swap3A_427 = vector.shape_cast %mul3A_422 : vector<16xf32> to vector<1x16xf32>
        tpu.vector_store %arg10[%swap3A_423, %swap3A_424], %swap3A_427 {strides = array<i32>} : memref<128x128xf32, #tpu.memory_space<vmem>>, vector<1x16xf32>,
        %get3A_428 = arith.index_cast %scan3A_391 : i32 to index
        %get3A_429 = arith.constant 48 : index
        %get3A_430 = tpu.vector_load %arg10[%get3A_428, %get3A_429] {strides = array<i32>} : memref<128x128xf32, #tpu.memory_space<vmem>>, vector<1x16xf32>,
        %get3A_431 = vector.shape_cast %get3A_430 : vector<1x16xf32> to vector<16xf32>
        %mul3A_432 = arith.constant 11.3137083 : f32
        %mul3A_433 = vector.broadcast %mul3A_432 : f32 to vector<16xf32>
        %mul3A_434 = arith.mulf %get3A_431, %mul3A_433 : vector<16xf32>
        %swap3A_435 = arith.index_cast %scan3A_391 : i32 to index
        %swap3A_436 = arith.constant 48 : index
        %swap3A_437 = tpu.vector_load %arg10[%swap3A_435, %swap3A_436] {strides = array<i32>} : memref<128x128xf32, #tpu.memory_space<vmem>>, vector<1x16xf32>,
        %swap3A_438 = vector.shape_cast %swap3A_437 : vector<1x16xf32> to vector<16xf32>
        %swap3A_439 = vector.shape_cast %mul3A_434 : vector<16xf32> to vector<1x16xf32>
        tpu.vector_store %arg10[%swap3A_435, %swap3A_436], %swap3A_439 {strides = array<i32>} : memref<128x128xf32, #tpu.memory_space<vmem>>, vector<1x16xf32>,
        %get3A_440 = arith.index_cast %scan3A_391 : i32 to index
        %get3A_441 = arith.constant 64 : index
        %get3A_442 = tpu.vector_load %arg10[%get3A_440, %get3A_441] {strides = array<i32>} : memref<128x128xf32, #tpu.memory_space<vmem>>, vector<1x16xf32>,
        %get3A_443 = vector.shape_cast %get3A_442 : vector<1x16xf32> to vector<16xf32>
        %mul3A_444 = arith.constant 11.3137083 : f32
        %mul3A_445 = vector.broadcast %mul3A_444 : f32 to vector<16xf32>
        %mul3A_446 = arith.mulf %get3A_443, %mul3A_445 : vector<16xf32>
        %swap3A_447 = arith.index_cast %scan3A_391 : i32 to index
        %swap3A_448 = arith.constant 64 : index
        %swap3A_449 = tpu.vector_load %arg10[%swap3A_447, %swap3A_448] {strides = array<i32>} : memref<128x128xf32, #tpu.memory_space<vmem>>, vector<1x16xf32>,
        %swap3A_450 = vector.shape_cast %swap3A_449 : vector<1x16xf32> to vector<16xf32>
        %swap3A_451 = vector.shape_cast %mul3A_446 : vector<16xf32> to vector<1x16xf32>
        tpu.vector_store %arg10[%swap3A_447, %swap3A_448], %swap3A_451 {strides = array<i32>} : memref<128x128xf32, #tpu.memory_space<vmem>>, vector<1x16xf32>,
        %get3A_452 = arith.index_cast %scan3A_391 : i32 to index
        %get3A_453 = arith.constant 80 : index
        %get3A_454 = tpu.vector_load %arg10[%get3A_452, %get3A_453] {strides = array<i32>} : memref<128x128xf32, #tpu.memory_space<vmem>>, vector<1x16xf32>,
        %get3A_455 = vector.shape_cast %get3A_454 : vector<1x16xf32> to vector<16xf32>
        %mul3A_456 = arith.constant 11.3137083 : f32
        %mul3A_457 = vector.broadcast %mul3A_456 : f32 to vector<16xf32>
        %mul3A_458 = arith.mulf %get3A_455, %mul3A_457 : vector<16xf32>
        %swap3A_459 = arith.index_cast %scan3A_391 : i32 to index
        %swap3A_460 = arith.constant 80 : index
        %swap3A_461 = tpu.vector_load %arg10[%swap3A_459, %swap3A_460] {strides = array<i32>} : memref<128x128xf32, #tpu.memory_space<vmem>>, vector<1x16xf32>,
        %swap3A_462 = vector.shape_cast %swap3A_461 : vector<1x16xf32> to vector<16xf32>
        %swap3A_463 = vector.shape_cast %mul3A_458 : vector<16xf32> to vector<1x16xf32>
        tpu.vector_store %arg10[%swap3A_459, %swap3A_460], %swap3A_463 {strides = array<i32>} : memref<128x128xf32, #tpu.memory_space<vmem>>, vector<1x16xf32>,
        %get3A_464 = arith.index_cast %scan3A_391 : i32 to index
        %get3A_465 = arith.constant 96 : index
        %get3A_466 = tpu.vector_load %arg10[%get3A_464, %get3A_465] {strides = array<i32>} : memref<128x128xf32, #tpu.memory_space<vmem>>, vector<1x16xf32>,
        %get3A_467 = vector.shape_cast %get3A_466 : vector<1x16xf32> to vector<16xf32>
        %mul3A_468 = arith.constant 11.3137083 : f32
        %mul3A_469 = vector.broadcast %mul3A_468 : f32 to vector<16xf32>
        %mul3A_470 = arith.mulf %get3A_467, %mul3A_469 : vector<16xf32>
        %swap3A_471 = arith.index_cast %scan3A_391 : i32 to index
        %swap3A_472 = arith.constant 96 : index
        %swap3A_473 = tpu.vector_load %arg10[%swap3A_471, %swap3A_472] {strides = array<i32>} : memref<128x128xf32, #tpu.memory_space<vmem>>, vector<1x16xf32>,
        %swap3A_474 = vector.shape_cast %swap3A_473 : vector<1x16xf32> to vector<16xf32>
        %swap3A_475 = vector.shape_cast %mul3A_470 : vector<16xf32> to vector<1x16xf32>
        tpu.vector_store %arg10[%swap3A_471, %swap3A_472], %swap3A_475 {strides = array<i32>} : memref<128x128xf32, #tpu.memory_space<vmem>>, vector<1x16xf32>,
        %get3A_476 = arith.index_cast %scan3A_391 : i32 to index
        %get3A_477 = arith.constant 112 : index
        %get3A_478 = tpu.vector_load %arg10[%get3A_476, %get3A_477] {strides = array<i32>} : memref<128x128xf32, #tpu.memory_space<vmem>>, vector<1x16xf32>,
        %get3A_479 = vector.shape_cast %get3A_478 : vector<1x16xf32> to vector<16xf32>
        %mul3A_480 = arith.constant 11.3137083 : f32
        %mul3A_481 = vector.broadcast %mul3A_480 : f32 to vector<16xf32>
        %mul3A_482 = arith.mulf %get3A_479, %mul3A_481 : vector<16xf32>
        %swap3A_483 = arith.index_cast %scan3A_391 : i32 to index
        %swap3A_484 = arith.constant 112 : index
        %swap3A_485 = tpu.vector_load %arg10[%swap3A_483, %swap3A_484] {strides = array<i32>} : memref<128x128xf32, #tpu.memory_space<vmem>>, vector<1x16xf32>,
        %swap3A_486 = vector.shape_cast %swap3A_485 : vector<1x16xf32> to vector<16xf32>
        %swap3A_487 = vector.shape_cast %mul3A_482 : vector<16xf32> to vector<1x16xf32>
        tpu.vector_store %arg10[%swap3A_483, %swap3A_484], %swap3A_487 {strides = array<i32>} : memref<128x128xf32, #tpu.memory_space<vmem>>, vector<1x16xf32>,
      }
      %scan3A_291 = arith.constant 128 : i32
      %mul3A_292 = arith.constant 128 : i32
      %mul3A_293 = arith.muli %add3A_267, %mul3A_292 : i32
      %add3A_294 = arith.addi %mul3A_2, %mul3A_293 : i32
      "tpu.region"() ({
        %run_scoped3A = tpu.sem_alloc : memref<!tpu.dma_semaphore, #tpu.memory_space<semaphore_mem>>
        %dma_start3A_295 = arith.constant 0 : i32
        %dma_start3A_296 = tpu.memref_slice %arg4[%add3A_294, %dma_start3A_295] : memref<204800x128xf32, #tpu.memory_space<hbm>> -> memref<128x128xf32, #tpu.memory_space<hbm>>
        %dma_start3A_297 = arith.constant 0 : i32
        %dma_start3A_298 = tpu.memref_slice %arg4[%add3A_294, %dma_start3A_297] : memref<204800x128xf32, #tpu.memory_space<hbm>> -> memref<128x128xf32, #tpu.memory_space<hbm>>
        tpu.enqueue_dma source(%arg10 : memref<128x128xf32, #tpu.memory_space<vmem>>) target(%dma_start3A_298 : memref<128x128xf32, #tpu.memory_space<hbm>>) target_semaphore(%run_scoped3A : memref<!tpu.dma_semaphore, #tpu.memory_space<semaphore_mem>>)
        %dma_wait3A_299 = arith.constant 0 : i32
        %dma_wait3A_300 = tpu.memref_slice %arg4[%add3A_294, %dma_wait3A_299] : memref<204800x128xf32, #tpu.memory_space<hbm>> -> memref<128x128xf32, #tpu.memory_space<hbm>>
        %dma_wait3A_301 = arith.constant 0 : i32
        %dma_wait3A_302 = tpu.memref_slice %arg4[%add3A_294, %dma_wait3A_301] : memref<204800x128xf32, #tpu.memory_space<hbm>> -> memref<128x128xf32, #tpu.memory_space<hbm>>
        tpu.wait_dma2 semaphore(%run_scoped3A : memref<!tpu.dma_semaphore, #tpu.memory_space<semaphore_mem>>) src(%arg10 : memref<128x128xf32, #tpu.memory_space<vmem>>) dst(%dma_wait3A_302 : memref<128x128xf32, #tpu.memory_space<hbm>>)
        tpu.yield
      }) : () -> ()
    }
    %scan3A_149 = arith.constant 9 : i32
    return
  }
}

</mosaic_0001>

<sc_bundles>
// kernel: _emb_lookup.3.cloned.1.call-start
scs
__scs_entry_jumppad:
0x0: {  	(pc) =	sbr.rel $0x88, $3  }
0x1: {  	(tag) =	ssettag $0x0;
	lr =	simm.s32 $0x1  }
0x2: {  	[smem:$0x3F9F] =	sst lr;
	_ =	strace $0xD0000000  }
0x3: {  	_ = 	snop  }
0x4: {  	_ = 	snop  }
0x5: {  	_ = 	snop  }
0x6: {  	_ = 	snop  }
0x7: {  	_ = 	snop  }
__scs_overlays_trampoline_lowered:
0x8: {  	[smem:$0x3FAE] =	sst s0  }
0x9: {  	[smem:$0x3FAF] =	sst s1  }
0xa: {  	[smem:$0x3FB0] =	sst s2  }
0xb: {  	[smem:$0x3FB1] =	sst s3  }
0xc: {  	[smem:$0x3FB2] =	sst s4  }
0xd: {  	[smem:$0x3FB3] =	sst s5  }
0xe: {  	[smem:$0x3FB4] =	sst s6  }
0xf: {  	[smem:$0x3FB5] =	sst s7  }
0x10: {  	[smem:$0x3FB6] =	sst s8  }
0x11: {  	[smem:$0x3FB7] =	sst s9;
	s0 =	simm.s32 @!p0 $0x0  }
0x12: {  	s1 =	sld [smem:$0x3F9D];
	s0 =	simm.s32 @p0 $0x1  }
0x13: {  	[smem:$0x3FB8] =	sst s0;
	s0 =	simm.s32 @!p1 $0x0  }
0x14: {  	s2 =	sld [smem:$0x3F9C];
	s0 =	simm.s32 @p1 $0x1  }
0x15: {  	[smem:$0x3FB9] =	sst s0;
	s0 =	simm.s32 @!p2 $0x0  }
0x16: {  	s3 =	sld [smem:$0x3FDB];
	s0 =	simm.s32 @p2 $0x1  }
0x17: {  	s4 =	simm.s32 $0x1BF5;
	[smem:$0x3FBB] =	sst s0  }
0x18: {  	s0 =	sld [smem:$0x3F9E];
	_ =	swait.ge [sflag:s4], $0x0  }
0x19: {  	s7 =	sld [smem:$0x3F9F]  }
0x1a: {  	s8 =	sadd.s32 $0xFFFFE003, lr  }
0x1b: {  	s9 =	sadd.s32 $0xFFFFFEF7, lr;
	s5 =	simm.s32 $0xFFFFFFFF;
	p2 =	slt.u32 s8, $0xFFFFF086  }
0x1c: {  	p1 =	slt.u32 s9, $0xF7A;
	s5 =	simm.s32 @!p2 $0x0  }
0x1d: {  	s5 =	simm.s32 @p1 $0x1;
	p0 =	seq.s32 s7, s2  }
0x1e: {  	s7 =	smul.u32 @!p0 $0xF7A, s2;
	p2 =	seq.s32 @!p0 s5, $0x0  }
0x1f: {  	s9 =	smul.u32 $0xF7A, s1;
	s8 =	simm.s32 @!p0 $0x1BF5;
	p2 =	por !p2, p0  }
0x20: {  	[sflag:s8] =	ssyncset.s32 @!p0 $0xFFFFF086;
	s6 =	sadd.s32 @!p0 s3, s7;
	s7 =	simm.s32 @!p0 $0x108  }
0x21: {  	s3 =	sadd.s32 s3, s9;
	s6 =	sadd.s32 @!p0 $0x88, s6;
	s7 =	simm.s32 @p2 $0x1082  }
0x22: {  	[simem:s7], [sflag:s8] =	dma.local @!p0 [hbm:s6], $0xF7A  }
0x23: {  	s9 =	sor.u32 $0xD0000000, s2;
	s6 =	simm.s32 $0x108;
	_ =	swait.ge @!p0 [sflag:s8], $0x0  }
0x24: {  	s3 =	sadd.s32 $0x88, s3;
	s6 =	simm.s32 @!p1 $0x1082;
	[sflag:s4] =	ssyncset.s32 $0xFFFFF086  }
0x25: {  	[simem:s6], [sflag:s4] =	dma.local [hbm:s3], $0xF7A  }
0x26: {  	[smem:$0x3F9F] =	sst s1;
	(tag) =	ssettag s2;
	_ =	strace s9  }
0x27: {  	s1 =	sld [smem:$0x3FAF]  }
0x28: {  	s2 =	sld [smem:$0x3FB0]  }
0x29: {  	s4 =	sld [smem:$0x3FB2]  }
0x2a: {  	p0 =	seq.s32 s5, $0x0;
	s5 =	sld [smem:$0x3FB3]  }
0x2b: {  	s6 =	sld [smem:$0x3FB4]  }
0x2c: {  	s7 =	sld [smem:$0x3FB5]  }
0x2d: {  	s3 =	simm.s32 $0x108;
	s8 =	sld [smem:$0x3FB6]  }
0x2e: {  	s3 =	simm.s32 @!p0 $0x1082;
	s9 =	sld [smem:$0x3FB7]  }
0x2f: {  	lr =	sadd.s32 s0, s3;
	s0 =	sld [smem:$0x3FAE]  }
0x30: {  	s3 =	sld [smem:$0x3FB1]  }
0x31: {  	[smem:$0x3FBA] =	sst s10  }
0x32: {  	s10 =	sld [smem:$0x3FB8];
	_ =	sdelay $0x3  }
0x33: {  	p0 =	seq.s32 s10, $0x1;
	s10 =	sld [smem:$0x3FBA];
	_ =	sdelay $0x3  }
0x34: {  	[smem:$0x3FBA] =	sst s10  }
0x35: {  	s10 =	sld [smem:$0x3FB9];
	_ =	sdelay $0x3  }
0x36: {  	p1 =	seq.s32 s10, $0x1;
	s10 =	sld [smem:$0x3FBA];
	_ =	sdelay $0x3  }
0x37: {  	[smem:$0x3FBA] =	sst s10  }
0x38: {  	s10 =	sld [smem:$0x3FBB]  }
0x39: {  	_ = 	snop;
	(pc) =	sbr.ind lr, $3  }
0x3a: {  	_ = 	snop  }
0x3b: {  	_ = 	snop  }
0x3c: {  	p2 =	seq.s32 s10, $0x1;
	s10 =	sld [smem:$0x3FBA]  }
0x3d: {  	_ =	shalt  }
0x3e: {  	_ =	shalt  }
0x3f: {  	_ =	shalt  }
0x40: {  	_ =	shalt  }
0x41: {  	_ =	shalt  }
0x42: {  	_ =	shalt  }
0x43: {  	_ =	shalt  }
0x44: {  	_ =	shalt  }
0x45: {  	_ =	shalt  }
0x46: {  	_ =	shalt  }
0x47: {  	_ =	shalt  }
0x48: {  	_ =	shalt  }
0x49: {  	_ =	shalt  }
0x4a: {  	_ =	shalt  }
0x4b: {  	_ =	shalt  }
0x4c: {  	_ =	shalt  }
0x4d: {  	_ =	shalt  }
0x4e: {  	_ =	shalt  }
0x4f: {  	_ =	shalt  }
0x50: {  	_ =	shalt  }
0x51: {  	_ =	shalt  }
0x52: {  	_ =	shalt  }
0x53: {  	_ =	shalt  }
0x54: {  	_ =	shalt  }
0x55: {  	_ =	shalt  }
0x56: {  	_ =	shalt  }
0x57: {  	_ =	shalt  }
0x58: {  	_ =	shalt  }
0x59: {  	_ =	shalt  }
0x5a: {  	_ =	shalt  }
0x5b: {  	_ =	shalt  }
0x5c: {  	_ =	shalt  }
0x5d: {  	_ =	shalt  }
0x5e: {  	_ =	shalt  }
0x5f: {  	_ =	shalt  }
0x60: {  	_ =	shalt  }
0x61: {  	_ =	shalt  }
0x62: {  	_ =	shalt  }
0x63: {  	_ =	shalt  }
0x64: {  	_ =	shalt  }
0x65: {  	_ =	shalt  }
0x66: {  	_ =	shalt  }
0x67: {  	_ =	shalt  }
0x68: {  	_ =	shalt  }
0x69: {  	_ =	shalt  }
0x6a: {  	_ =	shalt  }
0x6b: {  	_ =	shalt  }
0x6c: {  	_ =	shalt  }
0x6d: {  	_ =	shalt  }
0x6e: {  	_ =	shalt  }
0x6f: {  	_ =	shalt  }
0x70: {  	_ =	shalt  }
0x71: {  	_ =	shalt  }
0x72: {  	_ =	shalt  }
0x73: {  	_ =	shalt  }
0x74: {  	_ =	shalt  }
0x75: {  	_ =	shalt  }
0x76: {  	_ =	shalt  }
0x77: {  	_ =	shalt  }
0x78: {  	_ =	shalt  }
0x79: {  	_ =	shalt  }
0x7a: {  	_ =	shalt  }
0x7b: {  	_ =	shalt  }
0x7c: {  	_ =	shalt  }
0x7d: {  	_ =	shalt  }
0x7e: {  	_ =	shalt  }
0x7f: {  	_ =	shalt  }
0x80: {  	_ =	shalt  }
0x81: {  	_ =	shalt  }
0x82: {  	_ =	shalt  }
0x83: {  	_ =	shalt  }
0x84: {  	_ =	shalt  }
0x85: {  	_ =	shalt  }
0x86: {  	_ =	shalt  }
0x87: {  	_ =	shalt  }
.Lfunc_end0:
.L_simem_size_0:
called_computation_lowered:
.L_overlay_start_0:
0x88: {  	s2 =	sld [smem:$0x3FD9]  }
0x89: {  	s3 =	sld [smem:$0x3FFE];
	_ =	sdelay $0x1  }
0x8a: {  	s1 =	srdreg.scid  }
0x8b: {  	s0 =	sand.u32 $0x1, s1  }
0x8c: {  	s18 =	sshll.u32 s0, $0xA;
	s2 =	sadd.s32 s3, s2  }
0x8d: {  	s2 =	sadd.s32 s2, s18  }
0x8e: {  	[smem:$0x3FC6] =	sst s2  }
0x8f: {  	_ = 	snop  }
0x90: {  	s2 =	sld [smem:$0x3FC9]  }
0x91: {  	s19 =	sld [smem:$0x3FC8]  }
0x92: {  	s4 =	sld [smem:$0x3FD0];
	(tm) =	ssettm $0x1  }
0x93: {  	s5 =	sld [smem:$0x3FFB];
	_ =	sdelay $0x3  }
0x94: {  	_ =	strace s5  }
0x95: {  	s5 =	sld [smem:$0x3FFC];
	_ =	sdelay $0x3  }
0x96: {  	_ =	strace s5  }
0x97: {  	s5 =	sld [smem:$0x3FFD];
	_ =	sdelay $0x3  }
0x98: {  	_ =	strace s5  }
0x99: {  	_ =	strace $0x8FFFFFFF  }
0x9a: {  	s20 =	sld [smem:$0x3FDB];
	_ =	sdelay $0x1  }
0x9b: {  	s6 =	simm.s32 $_scs_section_size  }
0x9c: {  	s7 =	simm.s32 $_size__tile_overlayer_lowered;
	s8 =	simm.s32 $_tile_overlayer_lowered  }
0x9d: {  	s23 =	simm.s32 $0x1BFF;
	s22 =	sshll.u32 s8, $0x1;
	s5 =	sadd.s32 s6, s20  }
0x9e: {  	s9 =	simm.s32 $0x0;
	s21 =	sshll.u32 s7, $0x1;
	s7 =	sadd.s32 s22, s5  }
0x9f: {  	[timem:s9], [sflag:s23] =	dma.local [hbm:s7], s21  }
0xa0: {  	_ =	swait.ge [sflag:s23], s21  }
0xa1: {  	s6 =	ssub.s32 $0x0, s21;
	[sflag:s23] =	ssyncset.done $0x0  }
0xa2: {  	[sflag:s23] =	ssyncadd.s32 s6;
	_ =	sdelay $0x1  }
0xa3: {  	s24 =	simm.s32 $0x1B8B  }
0xa4: {  	_ =	swait.ge [sflag:s24], $0x1  }
0xa5: {  	[sflag:s24] =	ssyncset.done $0x0  }
0xa6: {  	s25 =	simm.s32 $0x1B8E;
	[sflag:s24] =	ssyncadd.s32 $0xFFFFFFFF  }
0xa7: {  	s26 =	simm.s32 $execute0_lowered;
	[smem:$0x3FD2] =	sst s25  }
0xa8: {  	s6 =	sshll.u32 s26, $0x1;
	_ =	strace $0x80000046;
	[dreg:$0x1] =	wrdreg $0xFFFFFFFF  }
0xa9: {  	s28 =	simm.s32 $_size_execute0_lowered;
	s5 =	sadd.s32 s5, s6;
	[dreg:$0x0] =	wrdreg $0x0  }
0xaa: {  	s6 =	sshll.u32 s28, $0x1;
	[dreg:$0x2] =	wrdreg s5  }
0xab: {  	[dreg:$0x3] =	wrdreg s6  }
0xac: {  	[dreg:$0x4] =	wrdreg $0xC0  }
0xad: {  	_ =	task [dreg:s9], $0x5FFFF  }
0xae: {  	[dreg:$0x1] =	wrdreg $0xFFFFFFFF  }
0xaf: {  	[dreg:$0x0] =	wrdreg $0x60  }
0xb0: {  	[dreg:$0x2] =	wrdreg s2  }
0xb1: {  	[dreg:$0x3] =	wrdreg s19  }
0xb2: {  	[dreg:$0x4] =	wrdreg s4  }
0xb3: {  	[dreg:$0x5] =	wrdreg $0x9  }
0xb4: {  	_ =	task.clear_ibuf [dreg:s9], $0x6FFFF;
	_ =	strace $0x90000046  }
0xb5: {  	s29 =	simm.s32 $0x9;
	_ =	strace $0x80000048  }
0xb6: {  	_ =	swait.ge [sflag:s29], $0x1  }
0xb7: {  	[sflag:s29] =	ssyncadd.s32 $0xFFFFFFFF  }
0xb8: {  	_ =	strace $0x90000048  }
0xb9: {  	_ =	sfence  }
0xba: {  	s30 =	sld [smem:$0x0];
	_ =	sdelay $0x2  }
0xbb: {  	s31 =	sshll.u32 s1, $0xD;
	s1 =	sshrl.u32 s1, $0x2  }
0xbc: {  	s3 =	sand.u32 $0x4000, s31;
	s1 =	sadd.s32 s1, s30  }
0xbd: {  	s0 =	sor.u32 s3, s0;
	s1 =	sshll.u32 s1, $0x11  }
0xbe: {  	s0 =	sor.u32 s1, s0  }
0xbf: {  	s0 =	sadd.s32 $0x8F2B, s0  }
0xc0: {  	[sflag:s0] =	ssyncadd.remote.s32 $0x1  }
0xc1: {  	_ =	sfence.sel $0xFFFF  }
0xc2: {  	[dreg:$0x0] =	wrdreg $0xFFFFFFFF;
	(pc) =	sbr.abs _section_cstart, $3  }
0xc3: {  	[dreg:$0x1] =	wrdreg $0xFFFFFFFF  }
0xc4: {  	_ =	task.clear_ibuf [dreg:s9], $0x2FFFF;
	_ =	strace $0x9FFFFFFF  }
0xc5: {  	(tm) =	ssettm $0x7FFFFFFF  }
tec
execute0_lowered:
.L_overlay_start_1:
0x0: {  	(tag) =	ssettag $0x1  }
0x1: {  	s0 =	rddreg [dreg:$0x0];
	s1 =	srdreg.scid  }
0x2: {  	s3 =	stileid.u32;
	s2 =	rddreg [dreg:$0x1]  }
0x3: {  	s5 =	simm.s32 $0x0;
	s16 =	simm.s32 $0x6;
	s17 =	simm.s32 $0x80  }
0x4: {  	s18 =	simm.s32 $0x1900;
	s19 =	simm.s32 $0x5900;
	s21 =	simm.s32 $0x9900  }
0x5: {  	s22 =	simm.s32 $0x1;
	s1 =	sand.u32 $0x1, s1;
	s4 =	sshll.u32 s3, $0x1  }
0x6: {  	s28 =	simm.s32 $0x11900;
	s29 =	simm.s32 $0x3;
	s7 =	sor.u32 s1, s4  }
0x7: {  	s31 =	simm.s32 $0x4;
	s23 =	simm.s32 $0x0;
	s4 =	smul.u32 $0x1900, s7  }
0x8: {  	s3 =	rddreg [dreg:$0x2];
	s1 =	ssub.s32 $0x2, s1;
	s6 =	smul.u32 $0xC8000, s7  }
0x9: {  	[smem:$0x7FF] =	sst s5;
	s8 =	sshrl.u32 s1, $0x1;
	s7 =	smul.u32 $0x19000, s7  }
0xa: {  	_ =	strace $0x80000047;
	s1 =	ssub.s32 s1, s8;
	s24 =	sshrl.u32 s6, $0x3  }
0xb: {  	s9 =	sshrl.u32 s4, $0x3;
	s7 =	sadd.s32 s3, s7;
	s13 =	sor.u32 $0x80, s4  }
0xc: {  	s14 =	sadd.s32 $0x100, s4;
	s15 =	smax.u32 s1, $0x1;
	s0 =	sadd.s32 s0, s9  }
0xd: {  	s8 =	sadd.s32 s3, s24;
	s25 =	sadd.s32 $0x800, s7;
	[dreg:$0x4] =	wrdreg s0  }
0xe: {  	s24 =	simm.s32 $0xD900;
	[dreg:$0x5] =	wrdreg s25;
	s26 =	sadd.s32 $0x1000, s8  }
0xf: {  	s30 =	sadd.s32 $0x1800, s8;
	s12 =	sadd.s32 $0x2000, s8;
	[dreg:$0x6] =	wrdreg s26  }
0x10: {  	s25 =	simm.s32 $0x2;
	s0 =	simm.s32 $0x5;
	[dreg:$0x7] =	wrdreg s30  }
.LBB2_1:
0x11: {  	s1 =	rddreg [dreg:$0x4]  }
0x12: {  	[tilespmem:s5], [sflag:$0x6] =	stream.linear.gather [hbm4b:s1+s5], $0x1900, $0x38;
	[tilespmem:$0x15900] =	vst v63  }
0x13: {  	_ =	swait.ge [sflag:s16], $0x1900  }
0x14: {  	[sflag:s16] =	ssyncset.done $0x0  }
0x15: {  	[sflag:s16] =	ssyncadd.s32 $0xFFFFE700  }
0x16: {  	[tilespmem:s18], [sflag:$0x1] =	stream.indirect.gather [hbm4b:s2+s17], $0x80, s5, s17, $0xb8;
	[tilespmem:$0x15900] =	vst v63  }
0x17: {  	_ = 	snop  }
0x18: {  	[tilespmem:s19], [sflag:$0x2] =	stream.indirect.gather [hbm4b:s2+s17], $0x80, s17, s17, $0xb8;
	[tilespmem:$0x15900] =	vst v63  }
0x19: {  	s30 =	simm.s32 $0x100  }
0x1a: {  	[tilespmem:s21], [sflag:$0x3] =	stream.indirect.gather [hbm4b:s2+s17], $0x80, s30, s17, $0xb8;
	[tilespmem:$0x15900] =	vst v63  }
0x1b: {  	_ =	swait.ge [sflag:s22], $0x4000  }
0x1c: {  	[sflag:s22] =	ssyncset.done $0x0  }
0x1d: {  	s1 =	simm.s32 $0x1980;
	[sflag:s22] =	ssyncadd.s32 $0xFFFFC000  }
0x1e: {  	v0 =	vld [tilespmem:s1+$0xFFFFFF80]  }
0x1f: {  	v1 =	vld [tilespmem:s1+$0xFFFFFF90]  }
0x20: {  	v2 =	vld [tilespmem:s1+$0xFFFFFFA0]  }
0x21: {  	v3 =	vld [tilespmem:s1+$0xFFFFFFB0]  }
0x22: {  	v4 =	vld [tilespmem:s1+$0xFFFFFFC0]  }
0x23: {  	v5 =	vld [tilespmem:s1+$0xFFFFFFD0];
	v0 =	vmul.f32 $1.131370830e+01, v0  }
0x24: {  	v6 =	vld [tilespmem:s1+$0xFFFFFFE0];
	v1 =	vmul.f32 $1.131370830e+01, v1  }
0x25: {  	[tilespmem:s1+$0xFFFFFF80] =	vst v0;
	v0 =	vmul.f32 $1.131370830e+01, v2;
	v2 =	vld [tilespmem:s1+$0x0]  }
0x26: {  	[tilespmem:s1+$0xFFFFFF90] =	vst v1;
	v1 =	vmul.f32 $1.131370830e+01, v3;
	v3 =	vld [tilespmem:s1+$0x10]  }
0x27: {  	[tilespmem:s1+$0xFFFFFFA0] =	vst v0;
	v0 =	vmul.f32 $1.131370830e+01, v4;
	v4 =	vld [tilespmem:s1+$0x20]  }
0x28: {  	v7 =	vld [tilespmem:s1+$0x30];
	[tilespmem:s1+$0xFFFFFFB0] =	vst v1;
	v1 =	vmul.f32 $1.131370830e+01, v5  }
0x29: {  	v5 =	vmul.f32 $1.131370830e+01, v6;
	[tilespmem:s1+$0xFFFFFFC0] =	vst v0;
	v0 =	vld [tilespmem:s1+$0x40]  }
0x2a: {  	[tilespmem:s1+$0xFFFFFFD0] =	vst v1;
	v1 =	vld [tilespmem:s1+$0x50];
	v2 =	vmul.f32 $1.131370830e+01, v2  }
0x2b: {  	[tilespmem:s1+$0xFFFFFFE0] =	vst v5;
	v6 =	vmul.f32 $1.131370830e+01, v3;
	v3 =	vld [tilespmem:s1+$0x60]  }
0x2c: {  	[tilespmem:s1+$0x0] =	vst v2;
	v5 =	vmul.f32 $1.131370830e+01, v4;
	v4 =	vld [tilespmem:s1+$0x70]  }
0x2d: {  	s8 =	simm.s32 $0x0;
	s9 =	simm.s32 $0x1A80;
	v2 =	vld [tilespmem:s1+$0xFFFFFFF0];
	[tilespmem:s1+$0x10] =	vst v6;
	v6 =	vmul.f32 $1.131370830e+01, v7  }
.LBB2_2:
0x2e: {  	v7 =	vld [tilespmem:s9+$0xFFFFFF80];
	[tilespmem:s1+$0x20] =	vst v5;
	v0 =	vmul.f32 $1.131370830e+01, v0  }
0x2f: {  	v5 =	vld [tilespmem:s9+$0xFFFFFF90];
	[tilespmem:s1+$0x30] =	vst v6;
	v1 =	vmul.f32 $1.131370830e+01, v1  }
0x30: {  	v6 =	vld [tilespmem:s9+$0xFFFFFFA0];
	[tilespmem:s1+$0x40] =	vst v0;
	v0 =	vmul.f32 $1.131370830e+01, v3  }
0x31: {  	v3 =	vld [tilespmem:s9+$0xFFFFFFB0];
	[tilespmem:s1+$0x50] =	vst v1;
	v1 =	vmul.f32 $1.131370830e+01, v4  }
0x32: {  	v4 =	vld [tilespmem:s9+$0xFFFFFFC0];
	v2 =	vmul.f32 $1.131370830e+01, v2;
	[tilespmem:s1+$0x60] =	vst v0  }
0x33: {  	v0 =	vmul.f32 $1.131370830e+01, v7;
	v7 =	vld [tilespmem:s9+$0xFFFFFFD0];
	[tilespmem:s1+$0x70] =	vst v1  }
0x34: {  	v1 =	vmul.f32 $1.131370830e+01, v5;
	v5 =	vld [tilespmem:s9+$0xFFFFFFE0];
	[tilespmem:s1+$0xFFFFFFF0] =	vst v2;
	s1 =	smov.u32 s9  }
0x35: {  	[tilespmem:s9+$0xFFFFFF80] =	vst v0;
	v0 =	vmul.f32 $1.131370830e+01, v6;
	v2 =	vld [tilespmem:s9+$0x0]  }
0x36: {  	[tilespmem:s9+$0xFFFFFF90] =	vst v1;
	v1 =	vmul.f32 $1.131370830e+01, v3;
	v3 =	vld [tilespmem:s9+$0x10]  }
0x37: {  	s8 =	sadd.s32 $0x2, s8;
	[tilespmem:s9+$0xFFFFFFA0] =	vst v0;
	v0 =	vmul.f32 $1.131370830e+01, v4;
	v4 =	vld [tilespmem:s9+$0x20]  }
0x38: {  	p0 =	slt.u32 s8, $0x7E;
	[tilespmem:s9+$0xFFFFFFB0] =	vst v1;
	v1 =	vmul.f32 $1.131370830e+01, v7;
	v6 =	vld [tilespmem:s9+$0x30]  }
.Ltmp0:
0x39: {  	[tilespmem:s9+$0xFFFFFFC0] =	vst v0;
	v5 =	vmul.f32 $1.131370830e+01, v5;
	v0 =	vld [tilespmem:s9+$0x40];
	(pc) =	sbr.rel @p0 .LBB2_2-.Ltmp0, $4  }
0x3a: {  	[tilespmem:s9+$0xFFFFFFD0] =	vst v1;
	v2 =	vmul.f32 $1.131370830e+01, v2;
	v1 =	vld [tilespmem:s9+$0x50]  }
0x3b: {  	[tilespmem:s9+$0xFFFFFFE0] =	vst v5;
	v7 =	vmul.f32 $1.131370830e+01, v3;
	v3 =	vld [tilespmem:s9+$0x60]  }
0x3c: {  	[tilespmem:s9+$0x0] =	vst v2;
	v5 =	vmul.f32 $1.131370830e+01, v4;
	v4 =	vld [tilespmem:s9+$0x70]  }
0x3d: {  	s9 =	sadd.s32 $0x100, s9;
	v2 =	vld [tilespmem:s1+$0xFFFFFFF0];
	[tilespmem:s1+$0x10] =	vst v7;
	v6 =	vmul.f32 $1.131370830e+01, v6  }
0x3e: {  	[tilespmem:s1+$0x20] =	vst v5;
	v0 =	vmul.f32 $1.131370830e+01, v0  }
0x3f: {  	[tilespmem:s1+$0x30] =	vst v6;
	v1 =	vmul.f32 $1.131370830e+01, v1  }
0x40: {  	[tilespmem:s1+$0x40] =	vst v0;
	v0 =	vmul.f32 $1.131370830e+01, v3  }
0x41: {  	[tilespmem:s1+$0x50] =	vst v1;
	v1 =	vmul.f32 $1.131370830e+01, v4  }
0x42: {  	v2 =	vmul.f32 $1.131370830e+01, v2;
	[tilespmem:s1+$0x60] =	vst v0  }
0x43: {  	[tilespmem:s1+$0x70] =	vst v1  }
0x44: {  	[tilespmem:s1+$0xFFFFFFF0] =	vst v2  }
0x45: {  	[hbm4b:s7+s5] =	stream.linear.scatter [tilespmem:s18], [sflag:$0x6], $0x4000, $0x38;
	[tilespmem:$0x15900] =	vst v63  }
0x46: {  	_ =	swait.ge [sflag:s16], $0x4000  }
0x47: {  	[sflag:s16] =	ssyncset.done $0x0  }
0x48: {  	s30 =	simm.s32 $0x180;
	[sflag:s16] =	ssyncadd.s32 $0xFFFFC000  }
0x49: {  	[tilespmem:s24], [sflag:$0x4] =	stream.indirect.gather [hbm4b:s2+s17], $0x80, s30, s17, $0xb8;
	[tilespmem:$0x15900] =	vst v63  }
0x4a: {  	_ =	swait.ge [sflag:s25], $0x4000  }
0x4b: {  	[sflag:s25] =	ssyncset.done $0x0  }
0x4c: {  	s1 =	simm.s32 $0x5980;
	[sflag:s25] =	ssyncadd.s32 $0xFFFFC000  }
0x4d: {  	v0 =	vld [tilespmem:s1+$0xFFFFFF80]  }
0x4e: {  	v1 =	vld [tilespmem:s1+$0xFFFFFF90]  }
0x4f: {  	v2 =	vld [tilespmem:s1+$0xFFFFFFA0]  }
0x50: {  	v3 =	vld [tilespmem:s1+$0xFFFFFFB0]  }
0x51: {  	v4 =	vld [tilespmem:s1+$0xFFFFFFC0]  }
0x52: {  	v5 =	vld [tilespmem:s1+$0xFFFFFFD0];
	v0 =	vmul.f32 $1.131370830e+01, v0  }
0x53: {  	v6 =	vld [tilespmem:s1+$0xFFFFFFE0];
	v1 =	vmul.f32 $1.131370830e+01, v1  }
0x54: {  	[tilespmem:s1+$0xFFFFFF80] =	vst v0;
	v0 =	vmul.f32 $1.131370830e+01, v2;
	v2 =	vld [tilespmem:s1+$0x0]  }
0x55: {  	[tilespmem:s1+$0xFFFFFF90] =	vst v1;
	v1 =	vmul.f32 $1.131370830e+01, v3;
	v3 =	vld [tilespmem:s1+$0x10]  }
0x56: {  	[tilespmem:s1+$0xFFFFFFA0] =	vst v0;
	v0 =	vmul.f32 $1.131370830e+01, v4;
	v4 =	vld [tilespmem:s1+$0x20]  }
0x57: {  	v7 =	vld [tilespmem:s1+$0x30];
	[tilespmem:s1+$0xFFFFFFB0] =	vst v1;
	v1 =	vmul.f32 $1.131370830e+01, v5  }
0x58: {  	v5 =	vmul.f32 $1.131370830e+01, v6;
	[tilespmem:s1+$0xFFFFFFC0] =	vst v0;
	v0 =	vld [tilespmem:s1+$0x40]  }
0x59: {  	[tilespmem:s1+$0xFFFFFFD0] =	vst v1;
	v1 =	vld [tilespmem:s1+$0x50];
	v2 =	vmul.f32 $1.131370830e+01, v2  }
0x5a: {  	[tilespmem:s1+$0xFFFFFFE0] =	vst v5;
	v6 =	vmul.f32 $1.131370830e+01, v3;
	v3 =	vld [tilespmem:s1+$0x60]  }
0x5b: {  	[tilespmem:s1+$0x0] =	vst v2;
	v5 =	vmul.f32 $1.131370830e+01, v4;
	v4 =	vld [tilespmem:s1+$0x70]  }
0x5c: {  	s8 =	simm.s32 $0x0;
	s9 =	simm.s32 $0x5A80;
	v2 =	vld [tilespmem:s1+$0xFFFFFFF0];
	[tilespmem:s1+$0x10] =	vst v6;
	v6 =	vmul.f32 $1.131370830e+01, v7  }
.LBB2_4:
0x5d: {  	v7 =	vld [tilespmem:s9+$0xFFFFFF80];
	[tilespmem:s1+$0x20] =	vst v5;
	v0 =	vmul.f32 $1.131370830e+01, v0  }
0x5e: {  	v5 =	vld [tilespmem:s9+$0xFFFFFF90];
	[tilespmem:s1+$0x30] =	vst v6;
	v1 =	vmul.f32 $1.131370830e+01, v1  }
0x5f: {  	v6 =	vld [tilespmem:s9+$0xFFFFFFA0];
	[tilespmem:s1+$0x40] =	vst v0;
	v0 =	vmul.f32 $1.131370830e+01, v3  }
0x60: {  	v3 =	vld [tilespmem:s9+$0xFFFFFFB0];
	[tilespmem:s1+$0x50] =	vst v1;
	v1 =	vmul.f32 $1.131370830e+01, v4  }
0x61: {  	v4 =	vld [tilespmem:s9+$0xFFFFFFC0];
	v2 =	vmul.f32 $1.131370830e+01, v2;
	[tilespmem:s1+$0x60] =	vst v0  }
0x62: {  	v0 =	vmul.f32 $1.131370830e+01, v7;
	v7 =	vld [tilespmem:s9+$0xFFFFFFD0];
	[tilespmem:s1+$0x70] =	vst v1  }
0x63: {  	v1 =	vmul.f32 $1.131370830e+01, v5;
	v5 =	vld [tilespmem:s9+$0xFFFFFFE0];
	[tilespmem:s1+$0xFFFFFFF0] =	vst v2;
	s1 =	smov.u32 s9  }
0x64: {  	[tilespmem:s9+$0xFFFFFF80] =	vst v0;
	v0 =	vmul.f32 $1.131370830e+01, v6;
	v2 =	vld [tilespmem:s9+$0x0]  }
0x65: {  	[tilespmem:s9+$0xFFFFFF90] =	vst v1;
	v1 =	vmul.f32 $1.131370830e+01, v3;
	v3 =	vld [tilespmem:s9+$0x10]  }
0x66: {  	s8 =	sadd.s32 $0x2, s8;
	[tilespmem:s9+$0xFFFFFFA0] =	vst v0;
	v0 =	vmul.f32 $1.131370830e+01, v4;
	v4 =	vld [tilespmem:s9+$0x20]  }
0x67: {  	p0 =	slt.u32 s8, $0x7E;
	[tilespmem:s9+$0xFFFFFFB0] =	vst v1;
	v1 =	vmul.f32 $1.131370830e+01, v7;
	v6 =	vld [tilespmem:s9+$0x30]  }
.Ltmp1:
0x68: {  	[tilespmem:s9+$0xFFFFFFC0] =	vst v0;
	v5 =	vmul.f32 $1.131370830e+01, v5;
	v0 =	vld [tilespmem:s9+$0x40];
	(pc) =	sbr.rel @p0 .LBB2_4-.Ltmp1, $4  }
0x69: {  	[tilespmem:s9+$0xFFFFFFD0] =	vst v1;
	v2 =	vmul.f32 $1.131370830e+01, v2;
	v1 =	vld [tilespmem:s9+$0x50]  }
0x6a: {  	[tilespmem:s9+$0xFFFFFFE0] =	vst v5;
	v7 =	vmul.f32 $1.131370830e+01, v3;
	v3 =	vld [tilespmem:s9+$0x60]  }
0x6b: {  	[tilespmem:s9+$0x0] =	vst v2;
	v5 =	vmul.f32 $1.131370830e+01, v4;
	v4 =	vld [tilespmem:s9+$0x70]  }
0x6c: {  	s9 =	sadd.s32 $0x100, s9;
	v2 =	vld [tilespmem:s1+$0xFFFFFFF0];
	[tilespmem:s1+$0x10] =	vst v7;
	v6 =	vmul.f32 $1.131370830e+01, v6  }
0x6d: {  	[tilespmem:s1+$0x20] =	vst v5;
	v0 =	vmul.f32 $1.131370830e+01, v0  }
0x6e: {  	[tilespmem:s1+$0x30] =	vst v6;
	v1 =	vmul.f32 $1.131370830e+01, v1  }
0x6f: {  	[tilespmem:s1+$0x40] =	vst v0;
	v0 =	vmul.f32 $1.131370830e+01, v3  }
0x70: {  	[tilespmem:s1+$0x50] =	vst v1;
	v1 =	vmul.f32 $1.131370830e+01, v4  }
0x71: {  	v2 =	vmul.f32 $1.131370830e+01, v2;
	[tilespmem:s1+$0x60] =	vst v0  }
0x72: {  	[tilespmem:s1+$0x70] =	vst v1  }
0x73: {  	s26 =	rddreg [dreg:$0x5];
	[tilespmem:s1+$0xFFFFFFF0] =	vst v2  }
0x74: {  	[hbm4b:s26+s5] =	stream.linear.scatter [tilespmem:s19], [sflag:$0x6], $0x4000, $0x38;
	[tilespmem:$0x15900] =	vst v63  }
0x75: {  	_ =	swait.ge [sflag:s16], $0x4000  }
0x76: {  	[sflag:s16] =	ssyncset.done $0x0  }
0x77: {  	s30 =	simm.s32 $0x200;
	[sflag:s16] =	ssyncadd.s32 $0xFFFFC000  }
0x78: {  	[tilespmem:s28], [sflag:$0x5] =	stream.indirect.gather [hbm4b:s2+s17], $0x80, s30, s17, $0xb8;
	[tilespmem:$0x15900] =	vst v63  }
0x79: {  	_ =	swait.ge [sflag:s29], $0x4000  }
0x7a: {  	[sflag:s29] =	ssyncset.done $0x0  }
0x7b: {  	s1 =	simm.s32 $0x9980;
	[sflag:s29] =	ssyncadd.s32 $0xFFFFC000  }
0x7c: {  	v0 =	vld [tilespmem:s1+$0xFFFFFF80]  }
0x7d: {  	v1 =	vld [tilespmem:s1+$0xFFFFFF90]  }
0x7e: {  	v2 =	vld [tilespmem:s1+$0xFFFFFFA0]  }
0x7f: {  	v3 =	vld [tilespmem:s1+$0xFFFFFFB0]  }
0x80: {  	v4 =	vld [tilespmem:s1+$0xFFFFFFC0]  }
0x81: {  	v5 =	vld [tilespmem:s1+$0xFFFFFFD0];
	v0 =	vmul.f32 $1.131370830e+01, v0  }
0x82: {  	v6 =	vld [tilespmem:s1+$0xFFFFFFE0];
	v1 =	vmul.f32 $1.131370830e+01, v1  }
0x83: {  	[tilespmem:s1+$0xFFFFFF80] =	vst v0;
	v0 =	vmul.f32 $1.131370830e+01, v2;
	v2 =	vld [tilespmem:s1+$0x0]  }
0x84: {  	[tilespmem:s1+$0xFFFFFF90] =	vst v1;
	v1 =	vmul.f32 $1.131370830e+01, v3;
	v3 =	vld [tilespmem:s1+$0x10]  }
0x85: {  	[tilespmem:s1+$0xFFFFFFA0] =	vst v0;
	v0 =	vmul.f32 $1.131370830e+01, v4;
	v4 =	vld [tilespmem:s1+$0x20]  }
0x86: {  	v7 =	vld [tilespmem:s1+$0x30];
	[tilespmem:s1+$0xFFFFFFB0] =	vst v1;
	v1 =	vmul.f32 $1.131370830e+01, v5  }
0x87: {  	v5 =	vmul.f32 $1.131370830e+01, v6;
	[tilespmem:s1+$0xFFFFFFC0] =	vst v0;
	v0 =	vld [tilespmem:s1+$0x40]  }
0x88: {  	[tilespmem:s1+$0xFFFFFFD0] =	vst v1;
	v1 =	vld [tilespmem:s1+$0x50];
	v2 =	vmul.f32 $1.131370830e+01, v2  }
0x89: {  	[tilespmem:s1+$0xFFFFFFE0] =	vst v5;
	v6 =	vmul.f32 $1.131370830e+01, v3;
	v3 =	vld [tilespmem:s1+$0x60]  }
0x8a: {  	[tilespmem:s1+$0x0] =	vst v2;
	v5 =	vmul.f32 $1.131370830e+01, v4;
	v4 =	vld [tilespmem:s1+$0x70]  }
0x8b: {  	s8 =	simm.s32 $0x0;
	s9 =	simm.s32 $0x9A80;
	v2 =	vld [tilespmem:s1+$0xFFFFFFF0];
	[tilespmem:s1+$0x10] =	vst v6;
	v6 =	vmul.f32 $1.131370830e+01, v7  }
.LBB2_6:
0x8c: {  	v7 =	vld [tilespmem:s9+$0xFFFFFF80];
	[tilespmem:s1+$0x20] =	vst v5;
	v0 =	vmul.f32 $1.131370830e+01, v0  }
0x8d: {  	v5 =	vld [tilespmem:s9+$0xFFFFFF90];
	[tilespmem:s1+$0x30] =	vst v6;
	v1 =	vmul.f32 $1.131370830e+01, v1  }
0x8e: {  	v6 =	vld [tilespmem:s9+$0xFFFFFFA0];
	[tilespmem:s1+$0x40] =	vst v0;
	v0 =	vmul.f32 $1.131370830e+01, v3  }
0x8f: {  	v3 =	vld [tilespmem:s9+$0xFFFFFFB0];
	[tilespmem:s1+$0x50] =	vst v1;
	v1 =	vmul.f32 $1.131370830e+01, v4  }
0x90: {  	v4 =	vld [tilespmem:s9+$0xFFFFFFC0];
	v2 =	vmul.f32 $1.131370830e+01, v2;
	[tilespmem:s1+$0x60] =	vst v0  }
0x91: {  	v0 =	vmul.f32 $1.131370830e+01, v7;
	v7 =	vld [tilespmem:s9+$0xFFFFFFD0];
	[tilespmem:s1+$0x70] =	vst v1  }
0x92: {  	v1 =	vmul.f32 $1.131370830e+01, v5;
	v5 =	vld [tilespmem:s9+$0xFFFFFFE0];
	[tilespmem:s1+$0xFFFFFFF0] =	vst v2;
	s1 =	smov.u32 s9  }
0x93: {  	[tilespmem:s9+$0xFFFFFF80] =	vst v0;
	v0 =	vmul.f32 $1.131370830e+01, v6;
	v2 =	vld [tilespmem:s9+$0x0]  }
0x94: {  	[tilespmem:s9+$0xFFFFFF90] =	vst v1;
	v1 =	vmul.f32 $1.131370830e+01, v3;
	v3 =	vld [tilespmem:s9+$0x10]  }
0x95: {  	s8 =	sadd.s32 $0x2, s8;
	[tilespmem:s9+$0xFFFFFFA0] =	vst v0;
	v0 =	vmul.f32 $1.131370830e+01, v4;
	v4 =	vld [tilespmem:s9+$0x20]  }
0x96: {  	p0 =	slt.u32 s8, $0x7E;
	[tilespmem:s9+$0xFFFFFFB0] =	vst v1;
	v1 =	vmul.f32 $1.131370830e+01, v7;
	v6 =	vld [tilespmem:s9+$0x30]  }
.Ltmp2:
0x97: {  	[tilespmem:s9+$0xFFFFFFC0] =	vst v0;
	v5 =	vmul.f32 $1.131370830e+01, v5;
	v0 =	vld [tilespmem:s9+$0x40];
	(pc) =	sbr.rel @p0 .LBB2_6-.Ltmp2, $4  }
0x98: {  	[tilespmem:s9+$0xFFFFFFD0] =	vst v1;
	v2 =	vmul.f32 $1.131370830e+01, v2;
	v1 =	vld [tilespmem:s9+$0x50]  }
0x99: {  	[tilespmem:s9+$0xFFFFFFE0] =	vst v5;
	v7 =	vmul.f32 $1.131370830e+01, v3;
	v3 =	vld [tilespmem:s9+$0x60]  }
0x9a: {  	[tilespmem:s9+$0x0] =	vst v2;
	v5 =	vmul.f32 $1.131370830e+01, v4;
	v4 =	vld [tilespmem:s9+$0x70]  }
0x9b: {  	s9 =	sadd.s32 $0x100, s9;
	v2 =	vld [tilespmem:s1+$0xFFFFFFF0];
	[tilespmem:s1+$0x10] =	vst v7;
	v6 =	vmul.f32 $1.131370830e+01, v6  }
0x9c: {  	[tilespmem:s1+$0x20] =	vst v5;
	v0 =	vmul.f32 $1.131370830e+01, v0  }
0x9d: {  	[tilespmem:s1+$0x30] =	vst v6;
	v1 =	vmul.f32 $1.131370830e+01, v1  }
0x9e: {  	[tilespmem:s1+$0x40] =	vst v0;
	v0 =	vmul.f32 $1.131370830e+01, v3  }
0x9f: {  	[tilespmem:s1+$0x50] =	vst v1;
	v1 =	vmul.f32 $1.131370830e+01, v4  }
0xa0: {  	v2 =	vmul.f32 $1.131370830e+01, v2;
	[tilespmem:s1+$0x60] =	vst v0  }
0xa1: {  	[tilespmem:s1+$0x70] =	vst v1  }
0xa2: {  	s26 =	rddreg [dreg:$0x6];
	[tilespmem:s1+$0xFFFFFFF0] =	vst v2  }
0xa3: {  	[hbm4b:s26+s5] =	stream.linear.scatter [tilespmem:s21], [sflag:$0x6], $0x4000, $0x38;
	[tilespmem:$0x15900] =	vst v63  }
0xa4: {  	_ =	swait.ge [sflag:s16], $0x4000  }
0xa5: {  	[sflag:s16] =	ssyncset.done $0x0  }
0xa6: {  	s30 =	simm.s32 $0x280;
	[sflag:s16] =	ssyncadd.s32 $0xFFFFC000  }
0xa7: {  	[tilespmem:s18], [sflag:$0x1] =	stream.indirect.gather [hbm4b:s2+s17], $0x80, s30, s17, $0xb8;
	[tilespmem:$0x15900] =	vst v63  }
0xa8: {  	_ =	swait.ge [sflag:s31], $0x4000  }
0xa9: {  	[sflag:s31] =	ssyncset.done $0x0  }
0xaa: {  	s1 =	simm.s32 $0xD980;
	[sflag:s31] =	ssyncadd.s32 $0xFFFFC000  }
0xab: {  	v0 =	vld [tilespmem:s1+$0xFFFFFF80]  }
0xac: {  	v1 =	vld [tilespmem:s1+$0xFFFFFF90]  }
0xad: {  	v2 =	vld [tilespmem:s1+$0xFFFFFFA0]  }
0xae: {  	v3 =	vld [tilespmem:s1+$0xFFFFFFB0]  }
0xaf: {  	v4 =	vld [tilespmem:s1+$0xFFFFFFC0]  }
0xb0: {  	v5 =	vld [tilespmem:s1+$0xFFFFFFD0];
	v0 =	vmul.f32 $1.131370830e+01, v0  }
0xb1: {  	v6 =	vld [tilespmem:s1+$0xFFFFFFE0];
	v1 =	vmul.f32 $1.131370830e+01, v1  }
0xb2: {  	[tilespmem:s1+$0xFFFFFF80] =	vst v0;
	v0 =	vmul.f32 $1.131370830e+01, v2;
	v2 =	vld [tilespmem:s1+$0x0]  }
0xb3: {  	[tilespmem:s1+$0xFFFFFF90] =	vst v1;
	v1 =	vmul.f32 $1.131370830e+01, v3;
	v3 =	vld [tilespmem:s1+$0x10]  }
0xb4: {  	[tilespmem:s1+$0xFFFFFFA0] =	vst v0;
	v0 =	vmul.f32 $1.131370830e+01, v4;
	v4 =	vld [tilespmem:s1+$0x20]  }
0xb5: {  	v7 =	vld [tilespmem:s1+$0x30];
	[tilespmem:s1+$0xFFFFFFB0] =	vst v1;
	v1 =	vmul.f32 $1.131370830e+01, v5  }
0xb6: {  	v5 =	vmul.f32 $1.131370830e+01, v6;
	[tilespmem:s1+$0xFFFFFFC0] =	vst v0;
	v0 =	vld [tilespmem:s1+$0x40]  }
0xb7: {  	[tilespmem:s1+$0xFFFFFFD0] =	vst v1;
	v1 =	vld [tilespmem:s1+$0x50];
	v2 =	vmul.f32 $1.131370830e+01, v2  }
0xb8: {  	[tilespmem:s1+$0xFFFFFFE0] =	vst v5;
	v6 =	vmul.f32 $1.131370830e+01, v3;
	v3 =	vld [tilespmem:s1+$0x60]  }
0xb9: {  	[tilespmem:s1+$0x0] =	vst v2;
	v5 =	vmul.f32 $1.131370830e+01, v4;
	v4 =	vld [tilespmem:s1+$0x70]  }
0xba: {  	s8 =	simm.s32 $0x0;
	s9 =	simm.s32 $0xDA80;
	v2 =	vld [tilespmem:s1+$0xFFFFFFF0];
	[tilespmem:s1+$0x10] =	vst v6;
	v6 =	vmul.f32 $1.131370830e+01, v7  }
.LBB2_8:
0xbb: {  	v7 =	vld [tilespmem:s9+$0xFFFFFF80];
	[tilespmem:s1+$0x20] =	vst v5;
	v0 =	vmul.f32 $1.131370830e+01, v0  }
0xbc: {  	v5 =	vld [tilespmem:s9+$0xFFFFFF90];
	[tilespmem:s1+$0x30] =	vst v6;
	v1 =	vmul.f32 $1.131370830e+01, v1  }
0xbd: {  	v6 =	vld [tilespmem:s9+$0xFFFFFFA0];
	[tilespmem:s1+$0x40] =	vst v0;
	v0 =	vmul.f32 $1.131370830e+01, v3  }
0xbe: {  	v3 =	vld [tilespmem:s9+$0xFFFFFFB0];
	[tilespmem:s1+$0x50] =	vst v1;
	v1 =	vmul.f32 $1.131370830e+01, v4  }
0xbf: {  	v4 =	vld [tilespmem:s9+$0xFFFFFFC0];
	v2 =	vmul.f32 $1.131370830e+01, v2;
	[tilespmem:s1+$0x60] =	vst v0  }
0xc0: {  	v0 =	vmul.f32 $1.131370830e+01, v7;
	v7 =	vld [tilespmem:s9+$0xFFFFFFD0];
	[tilespmem:s1+$0x70] =	vst v1  }
0xc1: {  	v1 =	vmul.f32 $1.131370830e+01, v5;
	v5 =	vld [tilespmem:s9+$0xFFFFFFE0];
	[tilespmem:s1+$0xFFFFFFF0] =	vst v2;
	s1 =	smov.u32 s9  }
0xc2: {  	[tilespmem:s9+$0xFFFFFF80] =	vst v0;
	v0 =	vmul.f32 $1.131370830e+01, v6;
	v2 =	vld [tilespmem:s9+$0x0]  }
0xc3: {  	[tilespmem:s9+$0xFFFFFF90] =	vst v1;
	v1 =	vmul.f32 $1.131370830e+01, v3;
	v3 =	vld [tilespmem:s9+$0x10]  }
0xc4: {  	s8 =	sadd.s32 $0x2, s8;
	[tilespmem:s9+$0xFFFFFFA0] =	vst v0;
	v0 =	vmul.f32 $1.131370830e+01, v4;
	v4 =	vld [tilespmem:s9+$0x20]  }
0xc5: {  	p0 =	slt.u32 s8, $0x7E;
	[tilespmem:s9+$0xFFFFFFB0] =	vst v1;
	v1 =	vmul.f32 $1.131370830e+01, v7;
	v6 =	vld [tilespmem:s9+$0x30]  }
.Ltmp3:
0xc6: {  	[tilespmem:s9+$0xFFFFFFC0] =	vst v0;
	v5 =	vmul.f32 $1.131370830e+01, v5;
	v0 =	vld [tilespmem:s9+$0x40];
	(pc) =	sbr.rel @p0 .LBB2_8-.Ltmp3, $4  }
0xc7: {  	[tilespmem:s9+$0xFFFFFFD0] =	vst v1;
	v2 =	vmul.f32 $1.131370830e+01, v2;
	v1 =	vld [tilespmem:s9+$0x50]  }
0xc8: {  	[tilespmem:s9+$0xFFFFFFE0] =	vst v5;
	v7 =	vmul.f32 $1.131370830e+01, v3;
	v3 =	vld [tilespmem:s9+$0x60]  }
0xc9: {  	[tilespmem:s9+$0x0] =	vst v2;
	v5 =	vmul.f32 $1.131370830e+01, v4;
	v4 =	vld [tilespmem:s9+$0x70]  }
0xca: {  	s9 =	sadd.s32 $0x100, s9;
	v2 =	vld [tilespmem:s1+$0xFFFFFFF0];
	[tilespmem:s1+$0x10] =	vst v7;
	v6 =	vmul.f32 $1.131370830e+01, v6  }
0xcb: {  	[tilespmem:s1+$0x20] =	vst v5;
	v0 =	vmul.f32 $1.131370830e+01, v0  }
0xcc: {  	[tilespmem:s1+$0x30] =	vst v6;
	v1 =	vmul.f32 $1.131370830e+01, v1  }
0xcd: {  	[tilespmem:s1+$0x40] =	vst v0;
	v0 =	vmul.f32 $1.131370830e+01, v3  }
0xce: {  	[tilespmem:s1+$0x50] =	vst v1;
	v1 =	vmul.f32 $1.131370830e+01, v4  }
0xcf: {  	v2 =	vmul.f32 $1.131370830e+01, v2;
	[tilespmem:s1+$0x60] =	vst v0  }
0xd0: {  	[tilespmem:s1+$0x70] =	vst v1  }
0xd1: {  	s26 =	rddreg [dreg:$0x7];
	[tilespmem:s1+$0xFFFFFFF0] =	vst v2  }
0xd2: {  	[hbm4b:s26+s5] =	stream.linear.scatter [tilespmem:s24], [sflag:$0x6], $0x4000, $0x38;
	[tilespmem:$0x15900] =	vst v63  }
0xd3: {  	_ =	swait.ge [sflag:s16], $0x4000  }
0xd4: {  	[sflag:s16] =	ssyncset.done $0x0  }
0xd5: {  	s30 =	simm.s32 $0x300;
	[sflag:s16] =	ssyncadd.s32 $0xFFFFC000  }
0xd6: {  	[tilespmem:s19], [sflag:$0x2] =	stream.indirect.gather [hbm4b:s2+s17], $0x80, s30, s17, $0xb8;
	[tilespmem:$0x15900] =	vst v63  }
0xd7: {  	_ =	swait.ge [sflag:s0], $0x4000  }
0xd8: {  	[sflag:s0] =	ssyncset.done $0x0  }
0xd9: {  	s1 =	simm.s32 $0x11980;
	[sflag:s0] =	ssyncadd.s32 $0xFFFFC000  }
0xda: {  	v0 =	vld [tilespmem:s1+$0xFFFFFF80]  }
0xdb: {  	v1 =	vld [tilespmem:s1+$0xFFFFFF90]  }
0xdc: {  	v2 =	vld [tilespmem:s1+$0xFFFFFFA0]  }
0xdd: {  	v3 =	vld [tilespmem:s1+$0xFFFFFFB0]  }
0xde: {  	v4 =	vld [tilespmem:s1+$0xFFFFFFC0]  }
0xdf: {  	v5 =	vld [tilespmem:s1+$0xFFFFFFD0];
	v0 =	vmul.f32 $1.131370830e+01, v0  }
0xe0: {  	v6 =	vld [tilespmem:s1+$0xFFFFFFE0];
	v1 =	vmul.f32 $1.131370830e+01, v1  }
0xe1: {  	[tilespmem:s1+$0xFFFFFF80] =	vst v0;
	v0 =	vmul.f32 $1.131370830e+01, v2;
	v2 =	vld [tilespmem:s1+$0x0]  }
0xe2: {  	[tilespmem:s1+$0xFFFFFF90] =	vst v1;
	v1 =	vmul.f32 $1.131370830e+01, v3;
	v3 =	vld [tilespmem:s1+$0x10]  }
0xe3: {  	[tilespmem:s1+$0xFFFFFFA0] =	vst v0;
	v0 =	vmul.f32 $1.131370830e+01, v4;
	v4 =	vld [tilespmem:s1+$0x20]  }
0xe4: {  	v7 =	vld [tilespmem:s1+$0x30];
	[tilespmem:s1+$0xFFFFFFB0] =	vst v1;
	v1 =	vmul.f32 $1.131370830e+01, v5  }
0xe5: {  	v5 =	vmul.f32 $1.131370830e+01, v6;
	[tilespmem:s1+$0xFFFFFFC0] =	vst v0;
	v0 =	vld [tilespmem:s1+$0x40]  }
0xe6: {  	[tilespmem:s1+$0xFFFFFFD0] =	vst v1;
	v1 =	vld [tilespmem:s1+$0x50];
	v2 =	vmul.f32 $1.131370830e+01, v2  }
0xe7: {  	[tilespmem:s1+$0xFFFFFFE0] =	vst v5;
	v6 =	vmul.f32 $1.131370830e+01, v3;
	v3 =	vld [tilespmem:s1+$0x60]  }
0xe8: {  	[tilespmem:s1+$0x0] =	vst v2;
	v5 =	vmul.f32 $1.131370830e+01, v4;
	v4 =	vld [tilespmem:s1+$0x70]  }
0xe9: {  	s8 =	simm.s32 $0x0;
	s9 =	simm.s32 $0x11A80;
	v2 =	vld [tilespmem:s1+$0xFFFFFFF0];
	[tilespmem:s1+$0x10] =	vst v6;
	v6 =	vmul.f32 $1.131370830e+01, v7  }
.LBB2_10:
0xea: {  	v7 =	vld [tilespmem:s9+$0xFFFFFF80];
	[tilespmem:s1+$0x20] =	vst v5;
	v0 =	vmul.f32 $1.131370830e+01, v0  }
0xeb: {  	v5 =	vld [tilespmem:s9+$0xFFFFFF90];
	[tilespmem:s1+$0x30] =	vst v6;
	v1 =	vmul.f32 $1.131370830e+01, v1  }
0xec: {  	v6 =	vld [tilespmem:s9+$0xFFFFFFA0];
	[tilespmem:s1+$0x40] =	vst v0;
	v0 =	vmul.f32 $1.131370830e+01, v3  }
0xed: {  	v3 =	vld [tilespmem:s9+$0xFFFFFFB0];
	[tilespmem:s1+$0x50] =	vst v1;
	v1 =	vmul.f32 $1.131370830e+01, v4  }
0xee: {  	v4 =	vld [tilespmem:s9+$0xFFFFFFC0];
	v2 =	vmul.f32 $1.131370830e+01, v2;
	[tilespmem:s1+$0x60] =	vst v0  }
0xef: {  	v0 =	vmul.f32 $1.131370830e+01, v7;
	v7 =	vld [tilespmem:s9+$0xFFFFFFD0];
	[tilespmem:s1+$0x70] =	vst v1  }
0xf0: {  	v1 =	vmul.f32 $1.131370830e+01, v5;
	v5 =	vld [tilespmem:s9+$0xFFFFFFE0];
	[tilespmem:s1+$0xFFFFFFF0] =	vst v2;
	s1 =	smov.u32 s9  }
0xf1: {  	[tilespmem:s9+$0xFFFFFF80] =	vst v0;
	v0 =	vmul.f32 $1.131370830e+01, v6;
	v2 =	vld [tilespmem:s9+$0x0]  }
0xf2: {  	[tilespmem:s9+$0xFFFFFF90] =	vst v1;
	v1 =	vmul.f32 $1.131370830e+01, v3;
	v3 =	vld [tilespmem:s9+$0x10]  }
0xf3: {  	s8 =	sadd.s32 $0x2, s8;
	[tilespmem:s9+$0xFFFFFFA0] =	vst v0;
	v0 =	vmul.f32 $1.131370830e+01, v4;
	v4 =	vld [tilespmem:s9+$0x20]  }
0xf4: {  	p0 =	slt.u32 s8, $0x7E;
	[tilespmem:s9+$0xFFFFFFB0] =	vst v1;
	v1 =	vmul.f32 $1.131370830e+01, v7;
	v6 =	vld [tilespmem:s9+$0x30]  }
.Ltmp4:
0xf5: {  	[tilespmem:s9+$0xFFFFFFC0] =	vst v0;
	v5 =	vmul.f32 $1.131370830e+01, v5;
	v0 =	vld [tilespmem:s9+$0x40];
	(pc) =	sbr.rel @p0 .LBB2_10-.Ltmp4, $4  }
0xf6: {  	[tilespmem:s9+$0xFFFFFFD0] =	vst v1;
	v2 =	vmul.f32 $1.131370830e+01, v2;
	v1 =	vld [tilespmem:s9+$0x50]  }
0xf7: {  	[tilespmem:s9+$0xFFFFFFE0] =	vst v5;
	v7 =	vmul.f32 $1.131370830e+01, v3;
	v3 =	vld [tilespmem:s9+$0x60]  }
0xf8: {  	[tilespmem:s9+$0x0] =	vst v2;
	v5 =	vmul.f32 $1.131370830e+01, v4;
	v4 =	vld [tilespmem:s9+$0x70]  }
0xf9: {  	s9 =	sadd.s32 $0x100, s9;
	v2 =	vld [tilespmem:s1+$0xFFFFFFF0];
	[tilespmem:s1+$0x10] =	vst v7;
	v6 =	vmul.f32 $1.131370830e+01, v6  }
0xfa: {  	[tilespmem:s1+$0x20] =	vst v5;
	v0 =	vmul.f32 $1.131370830e+01, v0  }
0xfb: {  	[tilespmem:s1+$0x30] =	vst v6;
	v1 =	vmul.f32 $1.131370830e+01, v1  }
0xfc: {  	[tilespmem:s1+$0x40] =	vst v0;
	v62 =	vmul.f32 $1.131370830e+01, v3  }
0xfd: {  	[tilespmem:s1+$0x50] =	vst v1;
	v63 =	vmul.f32 $1.131370830e+01, v4  }
0xfe: {  	v2 =	vmul.f32 $1.131370830e+01, v2;
	[tilespmem:s1+$0x60] =	vst v62  }
0xff: {  	[tilespmem:s1+$0x70] =	vst v63  }
0x100: {  	[tilespmem:s1+$0xFFFFFFF0] =	vst v2  }
0x101: {  	[hbm4b:s12+s5] =	stream.linear.scatter [tilespmem:s28], [sflag:$0x6], $0x4000, $0x38;
	[tilespmem:$0x15900] =	vst v63  }
0x102: {  	_ =	swait.ge [sflag:s16], $0x4000  }
0x103: {  	[sflag:s16] =	ssyncset.done $0x0  }
0x104: {  	s30 =	simm.s32 $0x380;
	s26 =	simm.s32 $0x1;
	[sflag:s16] =	ssyncadd.s32 $0xFFFFC000  }
0x105: {  	[tilespmem:s21], [sflag:$0x3] =	stream.indirect.gather [hbm4b:s2+s17], $0x80, s30, s17, $0xb8;
	[tilespmem:$0x15900] =	vst v63  }
.LBB2_12:
0x106: {  	s8 =	smul.u32 $0x5, s26;
	_ =	sdelay $0x1  }
0x107: {  	s1 =	sadd.s32 $0x3, s8  }
0x108: {  	s9 =	sshll.u32 s1, $0x7  }
0x109: {  	s9 =	sand.u32 $0x3FFFFF80, s9  }
0x10a: {  	[tilespmem:s24], [sflag:$0x4] =	stream.indirect.gather [hbm4b:s2+s17], $0x80, s9, s17, $0xb8;
	[tilespmem:$0x15900] =	vst v63  }
0x10b: {  	_ =	swait.ge [sflag:s22], $0x4000  }
0x10c: {  	[sflag:s22] =	ssyncset.done $0x0  }
0x10d: {  	s30 =	simm.s32 $0x1980;
	[sflag:s22] =	ssyncadd.s32 $0xFFFFC000  }
0x10e: {  	v0 =	vld [tilespmem:s30+$0xFFFFFF80]  }
0x10f: {  	v1 =	vld [tilespmem:s30+$0xFFFFFF90]  }
0x110: {  	v2 =	vld [tilespmem:s30+$0xFFFFFFA0]  }
0x111: {  	v3 =	vld [tilespmem:s30+$0xFFFFFFB0]  }
0x112: {  	v4 =	vld [tilespmem:s30+$0xFFFFFFC0]  }
0x113: {  	v5 =	vld [tilespmem:s30+$0xFFFFFFD0];
	v0 =	vmul.f32 $1.131370830e+01, v0  }
0x114: {  	v6 =	vld [tilespmem:s30+$0xFFFFFFE0];
	v1 =	vmul.f32 $1.131370830e+01, v1  }
0x115: {  	[tilespmem:s30+$0xFFFFFF80] =	vst v0;
	v0 =	vmul.f32 $1.131370830e+01, v2;
	v2 =	vld [tilespmem:s30+$0x0]  }
0x116: {  	[tilespmem:s30+$0xFFFFFF90] =	vst v1;
	v1 =	vmul.f32 $1.131370830e+01, v3;
	v3 =	vld [tilespmem:s30+$0x10]  }
0x117: {  	[tilespmem:s30+$0xFFFFFFA0] =	vst v0;
	v0 =	vmul.f32 $1.131370830e+01, v4;
	v4 =	vld [tilespmem:s30+$0x20]  }
0x118: {  	v7 =	vld [tilespmem:s30+$0x30];
	[tilespmem:s30+$0xFFFFFFB0] =	vst v1;
	v1 =	vmul.f32 $1.131370830e+01, v5  }
0x119: {  	v5 =	vmul.f32 $1.131370830e+01, v6;
	[tilespmem:s30+$0xFFFFFFC0] =	vst v0;
	v0 =	vld [tilespmem:s30+$0x40]  }
0x11a: {  	[tilespmem:s30+$0xFFFFFFD0] =	vst v1;
	v1 =	vmul.f32 $1.131370830e+01, v2;
	v2 =	vld [tilespmem:s30+$0x50]  }
0x11b: {  	[tilespmem:s30+$0xFFFFFFE0] =	vst v5;
	v6 =	vmul.f32 $1.131370830e+01, v3;
	v3 =	vld [tilespmem:s30+$0x60]  }
0x11c: {  	[tilespmem:s30+$0x0] =	vst v1;
	v5 =	vmul.f32 $1.131370830e+01, v4;
	v4 =	vld [tilespmem:s30+$0x70]  }
0x11d: {  	s10 =	simm.s32 $0x1A80;
	s9 =	simm.s32 $0x0;
	v1 =	vld [tilespmem:s30+$0xFFFFFFF0];
	[tilespmem:s30+$0x10] =	vst v6;
	v6 =	vmul.f32 $1.131370830e+01, v7  }
.LBB2_13:
0x11e: {  	v7 =	vld [tilespmem:s10+$0xFFFFFF80];
	[tilespmem:s30+$0x20] =	vst v5;
	v0 =	vmul.f32 $1.131370830e+01, v0  }
0x11f: {  	v5 =	vld [tilespmem:s10+$0xFFFFFF90];
	[tilespmem:s30+$0x30] =	vst v6;
	v2 =	vmul.f32 $1.131370830e+01, v2  }
0x120: {  	v6 =	vld [tilespmem:s10+$0xFFFFFFA0];
	[tilespmem:s30+$0x40] =	vst v0;
	v0 =	vmul.f32 $1.131370830e+01, v3  }
0x121: {  	v3 =	vld [tilespmem:s10+$0xFFFFFFB0];
	[tilespmem:s30+$0x50] =	vst v2;
	v2 =	vmul.f32 $1.131370830e+01, v4  }
0x122: {  	v4 =	vld [tilespmem:s10+$0xFFFFFFC0];
	v1 =	vmul.f32 $1.131370830e+01, v1;
	[tilespmem:s30+$0x60] =	vst v0  }
0x123: {  	v0 =	vmul.f32 $1.131370830e+01, v7;
	v7 =	vld [tilespmem:s10+$0xFFFFFFD0];
	[tilespmem:s30+$0x70] =	vst v2  }
0x124: {  	v2 =	vmul.f32 $1.131370830e+01, v5;
	v5 =	vld [tilespmem:s10+$0xFFFFFFE0];
	[tilespmem:s30+$0xFFFFFFF0] =	vst v1;
	s30 =	smov.u32 s10  }
0x125: {  	[tilespmem:s10+$0xFFFFFF80] =	vst v0;
	v0 =	vmul.f32 $1.131370830e+01, v6;
	v1 =	vld [tilespmem:s10+$0x0]  }
0x126: {  	[tilespmem:s10+$0xFFFFFF90] =	vst v2;
	v2 =	vmul.f32 $1.131370830e+01, v3;
	v3 =	vld [tilespmem:s10+$0x10]  }
0x127: {  	s9 =	sadd.s32 $0x2, s9;
	[tilespmem:s10+$0xFFFFFFA0] =	vst v0;
	v0 =	vmul.f32 $1.131370830e+01, v4;
	v4 =	vld [tilespmem:s10+$0x20]  }
0x128: {  	p0 =	slt.u32 s9, $0x7E;
	[tilespmem:s10+$0xFFFFFFB0] =	vst v2;
	v2 =	vmul.f32 $1.131370830e+01, v7;
	v6 =	vld [tilespmem:s10+$0x30]  }
.Ltmp5:
0x129: {  	[tilespmem:s10+$0xFFFFFFC0] =	vst v0;
	v5 =	vmul.f32 $1.131370830e+01, v5;
	v0 =	vld [tilespmem:s10+$0x40];
	(pc) =	sbr.rel @p0 .LBB2_13-.Ltmp5, $4  }
0x12a: {  	[tilespmem:s10+$0xFFFFFFD0] =	vst v2;
	v1 =	vmul.f32 $1.131370830e+01, v1;
	v2 =	vld [tilespmem:s10+$0x50]  }
0x12b: {  	[tilespmem:s10+$0xFFFFFFE0] =	vst v5;
	v7 =	vmul.f32 $1.131370830e+01, v3;
	v3 =	vld [tilespmem:s10+$0x60]  }
0x12c: {  	[tilespmem:s10+$0x0] =	vst v1;
	v5 =	vmul.f32 $1.131370830e+01, v4;
	v4 =	vld [tilespmem:s10+$0x70]  }
0x12d: {  	s10 =	sadd.s32 $0x100, s10;
	v1 =	vld [tilespmem:s30+$0xFFFFFFF0];
	[tilespmem:s30+$0x10] =	vst v7;
	v6 =	vmul.f32 $1.131370830e+01, v6  }
0x12e: {  	[tilespmem:s30+$0x20] =	vst v5;
	v0 =	vmul.f32 $1.131370830e+01, v0  }
0x12f: {  	[tilespmem:s30+$0x30] =	vst v6;
	v2 =	vmul.f32 $1.131370830e+01, v2  }
0x130: {  	s20 =	smul.u32 $0x280, s26;
	[tilespmem:s30+$0x40] =	vst v0;
	v0 =	vmul.f32 $1.131370830e+01, v3  }
0x131: {  	[tilespmem:s30+$0x50] =	vst v2;
	v2 =	vmul.f32 $1.131370830e+01, v4  }
0x132: {  	s9 =	sadd.s32 s4, s20;
	v1 =	vmul.f32 $1.131370830e+01, v1;
	[tilespmem:s30+$0x60] =	vst v0  }
0x133: {  	s9 =	sshll.u32 s9, $0x4;
	[tilespmem:s30+$0x70] =	vst v2  }
0x134: {  	s9 =	sadd.s32 s3, s9;
	[tilespmem:s30+$0xFFFFFFF0] =	vst v1  }
0x135: {  	[hbm4b:s9+s5] =	stream.linear.scatter [tilespmem:s18], [sflag:$0x6], $0x4000, $0x38;
	[tilespmem:$0x15900] =	vst v63  }
0x136: {  	s30 =	sadd.s32 $0x4, s8;
	_ =	swait.ge [sflag:s16], $0x4000  }
0x137: {  	s8 =	sshll.u32 s30, $0x7;
	[sflag:s16] =	ssyncset.done $0x0  }
0x138: {  	s8 =	sand.u32 $0x3FFFFF80, s8;
	[sflag:s16] =	ssyncadd.s32 $0xFFFFC000  }
0x139: {  	[tilespmem:s28], [sflag:$0x5] =	stream.indirect.gather [hbm4b:s2+s17], $0x80, s8, s17, $0xb8;
	[tilespmem:$0x15900] =	vst v63  }
0x13a: {  	_ =	swait.ge [sflag:s25], $0x4000  }
0x13b: {  	[sflag:s25] =	ssyncset.done $0x0  }
0x13c: {  	s8 =	simm.s32 $0x5980;
	[sflag:s25] =	ssyncadd.s32 $0xFFFFC000  }
0x13d: {  	v0 =	vld [tilespmem:s8+$0xFFFFFF80]  }
0x13e: {  	v1 =	vld [tilespmem:s8+$0xFFFFFF90]  }
0x13f: {  	v2 =	vld [tilespmem:s8+$0xFFFFFFA0]  }
0x140: {  	v3 =	vld [tilespmem:s8+$0xFFFFFFB0]  }
0x141: {  	v4 =	vld [tilespmem:s8+$0xFFFFFFC0]  }
0x142: {  	v5 =	vld [tilespmem:s8+$0xFFFFFFD0];
	v0 =	vmul.f32 $1.131370830e+01, v0  }
0x143: {  	v6 =	vld [tilespmem:s8+$0xFFFFFFE0];
	v1 =	vmul.f32 $1.131370830e+01, v1  }
0x144: {  	[tilespmem:s8+$0xFFFFFF80] =	vst v0;
	v0 =	vmul.f32 $1.131370830e+01, v2;
	v2 =	vld [tilespmem:s8+$0x0]  }
0x145: {  	[tilespmem:s8+$0xFFFFFF90] =	vst v1;
	v1 =	vmul.f32 $1.131370830e+01, v3;
	v3 =	vld [tilespmem:s8+$0x10]  }
0x146: {  	[tilespmem:s8+$0xFFFFFFA0] =	vst v0;
	v0 =	vmul.f32 $1.131370830e+01, v4;
	v4 =	vld [tilespmem:s8+$0x20]  }
0x147: {  	v7 =	vld [tilespmem:s8+$0x30];
	[tilespmem:s8+$0xFFFFFFB0] =	vst v1;
	v1 =	vmul.f32 $1.131370830e+01, v5  }
0x148: {  	v5 =	vmul.f32 $1.131370830e+01, v6;
	[tilespmem:s8+$0xFFFFFFC0] =	vst v0;
	v0 =	vld [tilespmem:s8+$0x40]  }
0x149: {  	[tilespmem:s8+$0xFFFFFFD0] =	vst v1;
	v1 =	vld [tilespmem:s8+$0x50];
	v2 =	vmul.f32 $1.131370830e+01, v2  }
0x14a: {  	[tilespmem:s8+$0xFFFFFFE0] =	vst v5;
	v6 =	vmul.f32 $1.131370830e+01, v3;
	v3 =	vld [tilespmem:s8+$0x60]  }
0x14b: {  	[tilespmem:s8+$0x0] =	vst v2;
	v5 =	vmul.f32 $1.131370830e+01, v4;
	v4 =	vld [tilespmem:s8+$0x70]  }
0x14c: {  	s10 =	simm.s32 $0x5A80;
	s9 =	simm.s32 $0x0;
	v2 =	vld [tilespmem:s8+$0xFFFFFFF0];
	[tilespmem:s8+$0x10] =	vst v6;
	v6 =	vmul.f32 $1.131370830e+01, v7  }
.LBB2_15:
0x14d: {  	v7 =	vld [tilespmem:s10+$0xFFFFFF80];
	[tilespmem:s8+$0x20] =	vst v5;
	v0 =	vmul.f32 $1.131370830e+01, v0  }
0x14e: {  	v5 =	vld [tilespmem:s10+$0xFFFFFF90];
	[tilespmem:s8+$0x30] =	vst v6;
	v1 =	vmul.f32 $1.131370830e+01, v1  }
0x14f: {  	v6 =	vld [tilespmem:s10+$0xFFFFFFA0];
	[tilespmem:s8+$0x40] =	vst v0;
	v0 =	vmul.f32 $1.131370830e+01, v3  }
0x150: {  	v3 =	vld [tilespmem:s10+$0xFFFFFFB0];
	[tilespmem:s8+$0x50] =	vst v1;
	v1 =	vmul.f32 $1.131370830e+01, v4  }
0x151: {  	v4 =	vld [tilespmem:s10+$0xFFFFFFC0];
	v2 =	vmul.f32 $1.131370830e+01, v2;
	[tilespmem:s8+$0x60] =	vst v0  }
0x152: {  	v0 =	vmul.f32 $1.131370830e+01, v7;
	v7 =	vld [tilespmem:s10+$0xFFFFFFD0];
	[tilespmem:s8+$0x70] =	vst v1  }
0x153: {  	v1 =	vmul.f32 $1.131370830e+01, v5;
	v5 =	vld [tilespmem:s10+$0xFFFFFFE0];
	[tilespmem:s8+$0xFFFFFFF0] =	vst v2;
	s8 =	smov.u32 s10  }
0x154: {  	[tilespmem:s10+$0xFFFFFF80] =	vst v0;
	v0 =	vmul.f32 $1.131370830e+01, v6;
	v2 =	vld [tilespmem:s10+$0x0]  }
0x155: {  	[tilespmem:s10+$0xFFFFFF90] =	vst v1;
	v1 =	vmul.f32 $1.131370830e+01, v3;
	v3 =	vld [tilespmem:s10+$0x10]  }
0x156: {  	s9 =	sadd.s32 $0x2, s9;
	[tilespmem:s10+$0xFFFFFFA0] =	vst v0;
	v0 =	vmul.f32 $1.131370830e+01, v4;
	v4 =	vld [tilespmem:s10+$0x20]  }
0x157: {  	p0 =	slt.u32 s9, $0x7E;
	[tilespmem:s10+$0xFFFFFFB0] =	vst v1;
	v1 =	vmul.f32 $1.131370830e+01, v7;
	v6 =	vld [tilespmem:s10+$0x30]  }
.Ltmp6:
0x158: {  	[tilespmem:s10+$0xFFFFFFC0] =	vst v0;
	v5 =	vmul.f32 $1.131370830e+01, v5;
	v0 =	vld [tilespmem:s10+$0x40];
	(pc) =	sbr.rel @p0 .LBB2_15-.Ltmp6, $4  }
0x159: {  	[tilespmem:s10+$0xFFFFFFD0] =	vst v1;
	v2 =	vmul.f32 $1.131370830e+01, v2;
	v1 =	vld [tilespmem:s10+$0x50]  }
0x15a: {  	[tilespmem:s10+$0xFFFFFFE0] =	vst v5;
	v7 =	vmul.f32 $1.131370830e+01, v3;
	v3 =	vld [tilespmem:s10+$0x60]  }
0x15b: {  	[tilespmem:s10+$0x0] =	vst v2;
	v5 =	vmul.f32 $1.131370830e+01, v4;
	v4 =	vld [tilespmem:s10+$0x70]  }
0x15c: {  	s10 =	sadd.s32 $0x100, s10;
	v2 =	vld [tilespmem:s8+$0xFFFFFFF0];
	[tilespmem:s8+$0x10] =	vst v7;
	v6 =	vmul.f32 $1.131370830e+01, v6  }
0x15d: {  	[tilespmem:s8+$0x20] =	vst v5;
	v0 =	vmul.f32 $1.131370830e+01, v0  }
0x15e: {  	[tilespmem:s8+$0x30] =	vst v6;
	v1 =	vmul.f32 $1.131370830e+01, v1  }
0x15f: {  	[tilespmem:s8+$0x40] =	vst v0;
	v0 =	vmul.f32 $1.131370830e+01, v3  }
0x160: {  	[tilespmem:s8+$0x50] =	vst v1;
	v1 =	vmul.f32 $1.131370830e+01, v4  }
0x161: {  	s9 =	sadd.s32 s20, s13;
	v2 =	vmul.f32 $1.131370830e+01, v2;
	[tilespmem:s8+$0x60] =	vst v0  }
0x162: {  	p0 =	seq.s32 s26, $0x9;
	s9 =	sshll.u32 s9, $0x4;
	[tilespmem:s8+$0x70] =	vst v1  }
0x163: {  	s11 =	sadd.s32 s3, s9;
	[tilespmem:s8+$0xFFFFFFF0] =	vst v2;
	s8 =	smul.u32 @!p0 $0xA00, s26  }
0x164: {  	[hbm4b:s11+s5] =	stream.linear.scatter [tilespmem:s19], [sflag:$0x6], $0x4000, $0x38;
	[tilespmem:$0x15900] =	vst v63  }
0x165: {  	_ =	swait.ge [sflag:s16], $0x4000  }
0x166: {  	s10 =	simm.s32 @!p0 $0x80;
	s8 =	sshra.s32 @!p0 s8, $0x2;
	[sflag:s16] =	ssyncset.done $0x0  }
0x167: {  	s11 =	simm.s32 @!p0 $0x1900;
	s9 =	sadd.s32 @!p0 $0x280, s8;
	[sflag:s16] =	ssyncadd.s32 $0xFFFFC000  }
0x168: {  	[tilespmem:s11], [sflag:$0x1] =	stream.indirect.gather @!p0 [hbm4b:s2+s10], $0x80, s9, s10, $0xb8;
	[tilespmem:$0x15900] =	vst v63  }
0x169: {  	_ =	swait.ge [sflag:s29], $0x4000  }
0x16a: {  	[sflag:s29] =	ssyncset.done $0x0  }
0x16b: {  	s9 =	simm.s32 $0x9980;
	[sflag:s29] =	ssyncadd.s32 $0xFFFFC000  }
0x16c: {  	v0 =	vld [tilespmem:s9+$0xFFFFFF80]  }
0x16d: {  	v1 =	vld [tilespmem:s9+$0xFFFFFF90]  }
0x16e: {  	v2 =	vld [tilespmem:s9+$0xFFFFFFA0]  }
0x16f: {  	v3 =	vld [tilespmem:s9+$0xFFFFFFB0]  }
0x170: {  	v4 =	vld [tilespmem:s9+$0xFFFFFFC0]  }
0x171: {  	v5 =	vld [tilespmem:s9+$0xFFFFFFD0];
	v0 =	vmul.f32 $1.131370830e+01, v0  }
0x172: {  	v6 =	vld [tilespmem:s9+$0xFFFFFFE0];
	v1 =	vmul.f32 $1.131370830e+01, v1  }
0x173: {  	[tilespmem:s9+$0xFFFFFF80] =	vst v0;
	v0 =	vmul.f32 $1.131370830e+01, v2;
	v2 =	vld [tilespmem:s9+$0x0]  }
0x174: {  	[tilespmem:s9+$0xFFFFFF90] =	vst v1;
	v1 =	vmul.f32 $1.131370830e+01, v3;
	v3 =	vld [tilespmem:s9+$0x10]  }
0x175: {  	[tilespmem:s9+$0xFFFFFFA0] =	vst v0;
	v0 =	vmul.f32 $1.131370830e+01, v4;
	v4 =	vld [tilespmem:s9+$0x20]  }
0x176: {  	v7 =	vld [tilespmem:s9+$0x30];
	[tilespmem:s9+$0xFFFFFFB0] =	vst v1;
	v1 =	vmul.f32 $1.131370830e+01, v5  }
0x177: {  	v5 =	vmul.f32 $1.131370830e+01, v6;
	[tilespmem:s9+$0xFFFFFFC0] =	vst v0;
	v0 =	vld [tilespmem:s9+$0x40]  }
0x178: {  	[tilespmem:s9+$0xFFFFFFD0] =	vst v1;
	v1 =	vld [tilespmem:s9+$0x50];
	v2 =	vmul.f32 $1.131370830e+01, v2  }
0x179: {  	[tilespmem:s9+$0xFFFFFFE0] =	vst v5;
	v6 =	vmul.f32 $1.131370830e+01, v3;
	v3 =	vld [tilespmem:s9+$0x60]  }
0x17a: {  	[tilespmem:s9+$0x0] =	vst v2;
	v5 =	vmul.f32 $1.131370830e+01, v4;
	v4 =	vld [tilespmem:s9+$0x70]  }
0x17b: {  	s10 =	simm.s32 $0x0;
	s11 =	simm.s32 $0x9A80;
	v2 =	vld [tilespmem:s9+$0xFFFFFFF0];
	[tilespmem:s9+$0x10] =	vst v6;
	v6 =	vmul.f32 $1.131370830e+01, v7  }
.LBB2_17:
0x17c: {  	v7 =	vld [tilespmem:s11+$0xFFFFFF80];
	[tilespmem:s9+$0x20] =	vst v5;
	v0 =	vmul.f32 $1.131370830e+01, v0  }
0x17d: {  	v5 =	vld [tilespmem:s11+$0xFFFFFF90];
	[tilespmem:s9+$0x30] =	vst v6;
	v1 =	vmul.f32 $1.131370830e+01, v1  }
0x17e: {  	v6 =	vld [tilespmem:s11+$0xFFFFFFA0];
	[tilespmem:s9+$0x40] =	vst v0;
	v0 =	vmul.f32 $1.131370830e+01, v3  }
0x17f: {  	v3 =	vld [tilespmem:s11+$0xFFFFFFB0];
	[tilespmem:s9+$0x50] =	vst v1;
	v1 =	vmul.f32 $1.131370830e+01, v4  }
0x180: {  	v4 =	vld [tilespmem:s11+$0xFFFFFFC0];
	v2 =	vmul.f32 $1.131370830e+01, v2;
	[tilespmem:s9+$0x60] =	vst v0  }
0x181: {  	v0 =	vmul.f32 $1.131370830e+01, v7;
	v7 =	vld [tilespmem:s11+$0xFFFFFFD0];
	[tilespmem:s9+$0x70] =	vst v1  }
0x182: {  	v1 =	vmul.f32 $1.131370830e+01, v5;
	v5 =	vld [tilespmem:s11+$0xFFFFFFE0];
	[tilespmem:s9+$0xFFFFFFF0] =	vst v2;
	s9 =	smov.u32 s11  }
0x183: {  	[tilespmem:s11+$0xFFFFFF80] =	vst v0;
	v0 =	vmul.f32 $1.131370830e+01, v6;
	v2 =	vld [tilespmem:s11+$0x0]  }
0x184: {  	[tilespmem:s11+$0xFFFFFF90] =	vst v1;
	v1 =	vmul.f32 $1.131370830e+01, v3;
	v3 =	vld [tilespmem:s11+$0x10]  }
0x185: {  	s10 =	sadd.s32 $0x2, s10;
	[tilespmem:s11+$0xFFFFFFA0] =	vst v0;
	v0 =	vmul.f32 $1.131370830e+01, v4;
	v4 =	vld [tilespmem:s11+$0x20]  }
0x186: {  	p1 =	slt.u32 s10, $0x7E;
	[tilespmem:s11+$0xFFFFFFB0] =	vst v1;
	v1 =	vmul.f32 $1.131370830e+01, v7;
	v6 =	vld [tilespmem:s11+$0x30]  }
.Ltmp7:
0x187: {  	[tilespmem:s11+$0xFFFFFFC0] =	vst v0;
	v5 =	vmul.f32 $1.131370830e+01, v5;
	v0 =	vld [tilespmem:s11+$0x40];
	(pc) =	sbr.rel @p1 .LBB2_17-.Ltmp7, $4  }
0x188: {  	[tilespmem:s11+$0xFFFFFFD0] =	vst v1;
	v2 =	vmul.f32 $1.131370830e+01, v2;
	v1 =	vld [tilespmem:s11+$0x50]  }
0x189: {  	[tilespmem:s11+$0xFFFFFFE0] =	vst v5;
	v7 =	vmul.f32 $1.131370830e+01, v3;
	v3 =	vld [tilespmem:s11+$0x60]  }
0x18a: {  	[tilespmem:s11+$0x0] =	vst v2;
	v5 =	vmul.f32 $1.131370830e+01, v4;
	v4 =	vld [tilespmem:s11+$0x70]  }
0x18b: {  	s11 =	sadd.s32 $0x100, s11;
	v2 =	vld [tilespmem:s9+$0xFFFFFFF0];
	[tilespmem:s9+$0x10] =	vst v7;
	v6 =	vmul.f32 $1.131370830e+01, v6  }
0x18c: {  	[tilespmem:s9+$0x20] =	vst v5;
	v0 =	vmul.f32 $1.131370830e+01, v0  }
0x18d: {  	[tilespmem:s9+$0x30] =	vst v6;
	v1 =	vmul.f32 $1.131370830e+01, v1  }
0x18e: {  	[tilespmem:s9+$0x40] =	vst v0;
	v0 =	vmul.f32 $1.131370830e+01, v3  }
0x18f: {  	[tilespmem:s9+$0x50] =	vst v1;
	v1 =	vmul.f32 $1.131370830e+01, v4  }
0x190: {  	s10 =	sadd.s32 s20, s14;
	v2 =	vmul.f32 $1.131370830e+01, v2;
	[tilespmem:s9+$0x60] =	vst v0  }
0x191: {  	s10 =	sshll.u32 s10, $0x4;
	[tilespmem:s9+$0x70] =	vst v1  }
0x192: {  	s20 =	sadd.s32 s3, s10;
	[tilespmem:s9+$0xFFFFFFF0] =	vst v2  }
0x193: {  	[hbm4b:s20+s5] =	stream.linear.scatter [tilespmem:s21], [sflag:$0x6], $0x4000, $0x38;
	[tilespmem:$0x15900] =	vst v63  }
0x194: {  	_ =	swait.ge [sflag:s16], $0x4000  }
0x195: {  	s11 =	simm.s32 @!p0 $0x5900;
	[sflag:s16] =	ssyncset.done $0x0  }
0x196: {  	s10 =	simm.s32 @!p0 $0x80;
	s9 =	sadd.s32 @!p0 $0x300, s8;
	[sflag:s16] =	ssyncadd.s32 $0xFFFFC000  }
0x197: {  	[tilespmem:s11], [sflag:$0x2] =	stream.indirect.gather @!p0 [hbm4b:s2+s10], $0x80, s9, s10, $0xb8;
	[tilespmem:$0x15900] =	vst v63  }
0x198: {  	_ =	swait.ge [sflag:s31], $0x4000  }
0x199: {  	[sflag:s31] =	ssyncset.done $0x0  }
0x19a: {  	s20 =	simm.s32 $0xD980;
	[sflag:s31] =	ssyncadd.s32 $0xFFFFC000  }
0x19b: {  	v0 =	vld [tilespmem:s20+$0xFFFFFF80]  }
0x19c: {  	v1 =	vld [tilespmem:s20+$0xFFFFFF90]  }
0x19d: {  	v2 =	vld [tilespmem:s20+$0xFFFFFFA0]  }
0x19e: {  	v3 =	vld [tilespmem:s20+$0xFFFFFFB0]  }
0x19f: {  	v4 =	vld [tilespmem:s20+$0xFFFFFFC0]  }
0x1a0: {  	v5 =	vld [tilespmem:s20+$0xFFFFFFD0];
	v0 =	vmul.f32 $1.131370830e+01, v0  }
0x1a1: {  	v6 =	vld [tilespmem:s20+$0xFFFFFFE0];
	v1 =	vmul.f32 $1.131370830e+01, v1  }
0x1a2: {  	[tilespmem:s20+$0xFFFFFF80] =	vst v0;
	v0 =	vmul.f32 $1.131370830e+01, v2;
	v2 =	vld [tilespmem:s20+$0x0]  }
0x1a3: {  	[tilespmem:s20+$0xFFFFFF90] =	vst v1;
	v1 =	vmul.f32 $1.131370830e+01, v3;
	v3 =	vld [tilespmem:s20+$0x10]  }
0x1a4: {  	[tilespmem:s20+$0xFFFFFFA0] =	vst v0;
	v0 =	vmul.f32 $1.131370830e+01, v4;
	v4 =	vld [tilespmem:s20+$0x20]  }
0x1a5: {  	v7 =	vld [tilespmem:s20+$0x30];
	[tilespmem:s20+$0xFFFFFFB0] =	vst v1;
	v1 =	vmul.f32 $1.131370830e+01, v5  }
0x1a6: {  	v5 =	vmul.f32 $1.131370830e+01, v6;
	[tilespmem:s20+$0xFFFFFFC0] =	vst v0;
	v0 =	vld [tilespmem:s20+$0x40]  }
0x1a7: {  	[tilespmem:s20+$0xFFFFFFD0] =	vst v1;
	v1 =	vmul.f32 $1.131370830e+01, v2;
	v2 =	vld [tilespmem:s20+$0x50]  }
0x1a8: {  	[tilespmem:s20+$0xFFFFFFE0] =	vst v5;
	v6 =	vmul.f32 $1.131370830e+01, v3;
	v3 =	vld [tilespmem:s20+$0x60]  }
0x1a9: {  	[tilespmem:s20+$0x0] =	vst v1;
	v5 =	vmul.f32 $1.131370830e+01, v4;
	v4 =	vld [tilespmem:s20+$0x70]  }
0x1aa: {  	s9 =	simm.s32 $0x0;
	s10 =	simm.s32 $0xDA80;
	v1 =	vld [tilespmem:s20+$0xFFFFFFF0];
	[tilespmem:s20+$0x10] =	vst v6;
	v6 =	vmul.f32 $1.131370830e+01, v7  }
.LBB2_19:
0x1ab: {  	v7 =	vld [tilespmem:s10+$0xFFFFFF80];
	[tilespmem:s20+$0x20] =	vst v5;
	v0 =	vmul.f32 $1.131370830e+01, v0  }
0x1ac: {  	v5 =	vld [tilespmem:s10+$0xFFFFFF90];
	[tilespmem:s20+$0x30] =	vst v6;
	v2 =	vmul.f32 $1.131370830e+01, v2  }
0x1ad: {  	v6 =	vld [tilespmem:s10+$0xFFFFFFA0];
	[tilespmem:s20+$0x40] =	vst v0;
	v0 =	vmul.f32 $1.131370830e+01, v3  }
0x1ae: {  	v3 =	vld [tilespmem:s10+$0xFFFFFFB0];
	[tilespmem:s20+$0x50] =	vst v2;
	v2 =	vmul.f32 $1.131370830e+01, v4  }
0x1af: {  	v4 =	vld [tilespmem:s10+$0xFFFFFFC0];
	v1 =	vmul.f32 $1.131370830e+01, v1;
	[tilespmem:s20+$0x60] =	vst v0  }
0x1b0: {  	v0 =	vmul.f32 $1.131370830e+01, v7;
	v7 =	vld [tilespmem:s10+$0xFFFFFFD0];
	[tilespmem:s20+$0x70] =	vst v2  }
0x1b1: {  	v2 =	vmul.f32 $1.131370830e+01, v5;
	v5 =	vld [tilespmem:s10+$0xFFFFFFE0];
	[tilespmem:s20+$0xFFFFFFF0] =	vst v1;
	s20 =	smov.u32 s10  }
0x1b2: {  	[tilespmem:s10+$0xFFFFFF80] =	vst v0;
	v0 =	vmul.f32 $1.131370830e+01, v6;
	v1 =	vld [tilespmem:s10+$0x0]  }
0x1b3: {  	[tilespmem:s10+$0xFFFFFF90] =	vst v2;
	v2 =	vmul.f32 $1.131370830e+01, v3;
	v3 =	vld [tilespmem:s10+$0x10]  }
0x1b4: {  	s9 =	sadd.s32 $0x2, s9;
	[tilespmem:s10+$0xFFFFFFA0] =	vst v0;
	v0 =	vmul.f32 $1.131370830e+01, v4;
	v4 =	vld [tilespmem:s10+$0x20]  }
0x1b5: {  	p1 =	slt.u32 s9, $0x7E;
	[tilespmem:s10+$0xFFFFFFB0] =	vst v2;
	v2 =	vmul.f32 $1.131370830e+01, v7;
	v6 =	vld [tilespmem:s10+$0x30]  }
.Ltmp8:
0x1b6: {  	[tilespmem:s10+$0xFFFFFFC0] =	vst v0;
	v5 =	vmul.f32 $1.131370830e+01, v5;
	v0 =	vld [tilespmem:s10+$0x40];
	(pc) =	sbr.rel @p1 .LBB2_19-.Ltmp8, $4  }
0x1b7: {  	[tilespmem:s10+$0xFFFFFFD0] =	vst v2;
	v1 =	vmul.f32 $1.131370830e+01, v1;
	v2 =	vld [tilespmem:s10+$0x50]  }
0x1b8: {  	[tilespmem:s10+$0xFFFFFFE0] =	vst v5;
	v7 =	vmul.f32 $1.131370830e+01, v3;
	v3 =	vld [tilespmem:s10+$0x60]  }
0x1b9: {  	[tilespmem:s10+$0x0] =	vst v1;
	v5 =	vmul.f32 $1.131370830e+01, v4;
	v4 =	vld [tilespmem:s10+$0x70]  }
0x1ba: {  	s10 =	sadd.s32 $0x100, s10;
	v1 =	vld [tilespmem:s20+$0xFFFFFFF0];
	[tilespmem:s20+$0x10] =	vst v7;
	v6 =	vmul.f32 $1.131370830e+01, v6  }
0x1bb: {  	[tilespmem:s20+$0x20] =	vst v5;
	v0 =	vmul.f32 $1.131370830e+01, v0  }
0x1bc: {  	[tilespmem:s20+$0x30] =	vst v6;
	v2 =	vmul.f32 $1.131370830e+01, v2  }
0x1bd: {  	[tilespmem:s20+$0x40] =	vst v0;
	v0 =	vmul.f32 $1.131370830e+01, v3  }
0x1be: {  	s1 =	sshll.u32 s1, $0xE;
	[tilespmem:s20+$0x50] =	vst v2;
	v2 =	vmul.f32 $1.131370830e+01, v4  }
0x1bf: {  	s1 =	sadd.s32 s6, s1;
	v1 =	vmul.f32 $1.131370830e+01, v1;
	[tilespmem:s20+$0x60] =	vst v0  }
0x1c0: {  	s1 =	sshrl.u32 s1, $0x3;
	[tilespmem:s20+$0x70] =	vst v2  }
0x1c1: {  	s1 =	sadd.s32 s3, s1;
	[tilespmem:s20+$0xFFFFFFF0] =	vst v1  }
0x1c2: {  	[hbm4b:s1+s5] =	stream.linear.scatter [tilespmem:s24], [sflag:$0x6], $0x4000, $0x38;
	[tilespmem:$0x15900] =	vst v63  }
0x1c3: {  	_ =	swait.ge [sflag:s16], $0x4000  }
0x1c4: {  	s9 =	simm.s32 @!p0 $0x9900;
	[sflag:s16] =	ssyncset.done $0x0  }
0x1c5: {  	s1 =	sadd.s32 @!p0 $0x380, s8;
	s8 =	simm.s32 @!p0 $0x80;
	[sflag:s16] =	ssyncadd.s32 $0xFFFFC000  }
0x1c6: {  	[tilespmem:s9], [sflag:$0x3] =	stream.indirect.gather @!p0 [hbm4b:s2+s8], $0x80, s1, s8, $0xb8;
	[tilespmem:$0x15900] =	vst v63  }
0x1c7: {  	_ =	swait.ge [sflag:s0], $0x4000  }
0x1c8: {  	[sflag:s0] =	ssyncset.done $0x0  }
0x1c9: {  	s1 =	simm.s32 $0x11980;
	[sflag:s0] =	ssyncadd.s32 $0xFFFFC000  }
0x1ca: {  	v0 =	vld [tilespmem:s1+$0xFFFFFF80]  }
0x1cb: {  	v1 =	vld [tilespmem:s1+$0xFFFFFF90]  }
0x1cc: {  	v2 =	vld [tilespmem:s1+$0xFFFFFFA0]  }
0x1cd: {  	v3 =	vld [tilespmem:s1+$0xFFFFFFB0]  }
0x1ce: {  	v4 =	vld [tilespmem:s1+$0xFFFFFFC0]  }
0x1cf: {  	v5 =	vld [tilespmem:s1+$0xFFFFFFD0];
	v0 =	vmul.f32 $1.131370830e+01, v0  }
0x1d0: {  	v6 =	vld [tilespmem:s1+$0xFFFFFFE0];
	v1 =	vmul.f32 $1.131370830e+01, v1  }
0x1d1: {  	[tilespmem:s1+$0xFFFFFF80] =	vst v0;
	v0 =	vmul.f32 $1.131370830e+01, v2;
	v2 =	vld [tilespmem:s1+$0x0]  }
0x1d2: {  	[tilespmem:s1+$0xFFFFFF90] =	vst v1;
	v1 =	vmul.f32 $1.131370830e+01, v3;
	v3 =	vld [tilespmem:s1+$0x10]  }
0x1d3: {  	[tilespmem:s1+$0xFFFFFFA0] =	vst v0;
	v0 =	vmul.f32 $1.131370830e+01, v4;
	v4 =	vld [tilespmem:s1+$0x20]  }
0x1d4: {  	v7 =	vld [tilespmem:s1+$0x30];
	[tilespmem:s1+$0xFFFFFFB0] =	vst v1;
	v1 =	vmul.f32 $1.131370830e+01, v5  }
0x1d5: {  	v5 =	vmul.f32 $1.131370830e+01, v6;
	[tilespmem:s1+$0xFFFFFFC0] =	vst v0;
	v0 =	vld [tilespmem:s1+$0x40]  }
0x1d6: {  	[tilespmem:s1+$0xFFFFFFD0] =	vst v1;
	v1 =	vmul.f32 $1.131370830e+01, v2;
	v2 =	vld [tilespmem:s1+$0x50]  }
0x1d7: {  	[tilespmem:s1+$0xFFFFFFE0] =	vst v5;
	v6 =	vmul.f32 $1.131370830e+01, v3;
	v3 =	vld [tilespmem:s1+$0x60]  }
0x1d8: {  	[tilespmem:s1+$0x0] =	vst v1;
	v5 =	vmul.f32 $1.131370830e+01, v4;
	v4 =	vld [tilespmem:s1+$0x70]  }
0x1d9: {  	s8 =	simm.s32 $0x0;
	s9 =	simm.s32 $0x11A80;
	v1 =	vld [tilespmem:s1+$0xFFFFFFF0];
	[tilespmem:s1+$0x10] =	vst v6;
	v6 =	vmul.f32 $1.131370830e+01, v7  }
.LBB2_21:
0x1da: {  	v7 =	vld [tilespmem:s9+$0xFFFFFF80];
	[tilespmem:s1+$0x20] =	vst v5;
	v0 =	vmul.f32 $1.131370830e+01, v0  }
0x1db: {  	v5 =	vld [tilespmem:s9+$0xFFFFFF90];
	[tilespmem:s1+$0x30] =	vst v6;
	v2 =	vmul.f32 $1.131370830e+01, v2  }
0x1dc: {  	v6 =	vld [tilespmem:s9+$0xFFFFFFA0];
	[tilespmem:s1+$0x40] =	vst v0;
	v0 =	vmul.f32 $1.131370830e+01, v3  }
0x1dd: {  	v3 =	vld [tilespmem:s9+$0xFFFFFFB0];
	[tilespmem:s1+$0x50] =	vst v2;
	v2 =	vmul.f32 $1.131370830e+01, v4  }
0x1de: {  	v4 =	vld [tilespmem:s9+$0xFFFFFFC0];
	v1 =	vmul.f32 $1.131370830e+01, v1;
	[tilespmem:s1+$0x60] =	vst v0  }
0x1df: {  	v0 =	vmul.f32 $1.131370830e+01, v7;
	v7 =	vld [tilespmem:s9+$0xFFFFFFD0];
	[tilespmem:s1+$0x70] =	vst v2  }
0x1e0: {  	v2 =	vmul.f32 $1.131370830e+01, v5;
	v5 =	vld [tilespmem:s9+$0xFFFFFFE0];
	[tilespmem:s1+$0xFFFFFFF0] =	vst v1;
	s1 =	smov.u32 s9  }
0x1e1: {  	[tilespmem:s9+$0xFFFFFF80] =	vst v0;
	v0 =	vmul.f32 $1.131370830e+01, v6;
	v1 =	vld [tilespmem:s9+$0x0]  }
0x1e2: {  	[tilespmem:s9+$0xFFFFFF90] =	vst v2;
	v2 =	vmul.f32 $1.131370830e+01, v3;
	v3 =	vld [tilespmem:s9+$0x10]  }
0x1e3: {  	s8 =	sadd.s32 $0x2, s8;
	[tilespmem:s9+$0xFFFFFFA0] =	vst v0;
	v0 =	vmul.f32 $1.131370830e+01, v4;
	v4 =	vld [tilespmem:s9+$0x20]  }
0x1e4: {  	p0 =	slt.u32 s8, $0x7E;
	[tilespmem:s9+$0xFFFFFFB0] =	vst v2;
	v2 =	vmul.f32 $1.131370830e+01, v7;
	v6 =	vld [tilespmem:s9+$0x30]  }
.Ltmp9:
0x1e5: {  	[tilespmem:s9+$0xFFFFFFC0] =	vst v0;
	v5 =	vmul.f32 $1.131370830e+01, v5;
	v0 =	vld [tilespmem:s9+$0x40];
	(pc) =	sbr.rel @p0 .LBB2_21-.Ltmp9, $4  }
0x1e6: {  	[tilespmem:s9+$0xFFFFFFD0] =	vst v2;
	v1 =	vmul.f32 $1.131370830e+01, v1;
	v2 =	vld [tilespmem:s9+$0x50]  }
0x1e7: {  	[tilespmem:s9+$0xFFFFFFE0] =	vst v5;
	v7 =	vmul.f32 $1.131370830e+01, v3;
	v3 =	vld [tilespmem:s9+$0x60]  }
0x1e8: {  	[tilespmem:s9+$0x0] =	vst v1;
	v5 =	vmul.f32 $1.131370830e+01, v4;
	v4 =	vld [tilespmem:s9+$0x70]  }
0x1e9: {  	s9 =	sadd.s32 $0x100, s9;
	v1 =	vld [tilespmem:s1+$0xFFFFFFF0];
	[tilespmem:s1+$0x10] =	vst v7;
	v6 =	vmul.f32 $1.131370830e+01, v6  }
0x1ea: {  	[tilespmem:s1+$0x20] =	vst v5;
	v0 =	vmul.f32 $1.131370830e+01, v0  }
0x1eb: {  	[tilespmem:s1+$0x30] =	vst v6;
	v2 =	vmul.f32 $1.131370830e+01, v2  }
0x1ec: {  	[tilespmem:s1+$0x40] =	vst v0;
	v62 =	vmul.f32 $1.131370830e+01, v3  }
0x1ed: {  	s8 =	sshll.u32 s30, $0xE;
	[tilespmem:s1+$0x50] =	vst v2;
	v63 =	vmul.f32 $1.131370830e+01, v4  }
0x1ee: {  	s26 =	sadd.s32 $0x1, s26;
	s8 =	sadd.s32 s6, s8;
	v1 =	vmul.f32 $1.131370830e+01, v1;
	[tilespmem:s1+$0x60] =	vst v62  }
0x1ef: {  	p0 =	sne.s32 s26, $0xA;
	s8 =	sshrl.u32 s8, $0x3;
	[tilespmem:s1+$0x70] =	vst v63  }
.Ltmp10:
0x1f0: {  	s30 =	sadd.s32 s3, s8;
	[tilespmem:s1+$0xFFFFFFF0] =	vst v1;
	(pc) =	sbr.rel @p0 .LBB2_12-.Ltmp10, $4  }
0x1f1: {  	[hbm4b:s30+s5] =	stream.linear.scatter [tilespmem:s28], [sflag:$0x6], $0x4000, $0x38;
	[tilespmem:$0x15900] =	vst v63  }
0x1f2: {  	_ =	swait.ge [sflag:s16], $0x4000  }
0x1f3: {  	[sflag:s16] =	ssyncset.done $0x0  }
0x1f4: {  	[sflag:s16] =	ssyncadd.s32 $0xFFFFC000  }
0x1f5: {  	s23 =	sadd.s32 $0x1, s23  }
0x1f6: {  	p0 =	sne.s32 s23, s15  }
.Ltmp11:
0x1f7: {  	_ = 	snop;
	(pc) =	sbr.rel @p0 .LBB2_1-.Ltmp11, $1  }
0x1f8: {  	_ =	sdelay $0x3  }
0x1f9: {  	_ =	sfence.sel $0x180000  }
0x1fa: {  	[bflag:$0x0] =	sbarrier.arrive $0xFFFF  }
0x1fb: {  	_ =	strace $0x90000047  }
0x1fc: {  	s0 =	stileid.u32;
	[bflag:$0x2] =	sbarrier.arrive $0xFFFF  }
0x1fd: {  	p0 =	sne.s32 s0, $0x0;
	s0 =	rddreg [dreg:$0x3]  }
0x1fe: {  	s0 =	sadd.s32 @!p0 $0x100000, s0  }
0x1ff: {  	[sflag:s0] =	ssyncadd.tile.s32 @!p0 $0x1;
	_ =	shalt  }
.Lfunc_end2:
_tile_overlayer_lowered:
.L_overlay_start_2:
0x200: {  	(tag) =	ssettag $0x2  }
0x201: {  	s0 =	rddreg [dreg:$0x0];
	s2 =	stileid.u32  }
0x202: {  	s1 =	rddreg [dreg:$0x1];
	p0 =	sne.s32 s2, $0x0  }
0x203: {  	s3 =	rddreg [dreg:$0x2];
	[bflag:$0x3] =	sbarrier.arrive $0xFFFF;
	s2 =	simm.s32 @!p0 $0x1C06  }
0x204: {  	[timem:s3], [sflag:s2] =	dma.local @!p0 [hbm:s0], s1  }
0x205: {  	s0 =	simm.s32 @!p0 $0x6  }
0x206: {  	_ =	swait.ge @!p0 [sflag:s0], s1  }
0x207: {  	s1 =	ssub.s32 @!p0 $0x0, s1;
	[sflag:s0] =	ssyncset.done @!p0 $0x0  }
0x208: {  	[sflag:s0] =	ssyncadd.s32 @!p0 s1  }
0x209: {  	[bflag:$0x3] =	sbarrier.arrive $0xFFFF  }
0x20a: {  	_ =	shalt  }

</sc_bundles>
